<compile_context>
chip_gen: v7x
topology: tpu7x:2x2x1
jax: 0.10.2.dev20260603
libtpu: 0.0.44.dev20260713+nightly
codegen_flags: <defaults>
</compile_context>

<pallas_src>
import jax
import jax.numpy as jnp
from jax import lax
from jax.experimental import pallas as pl
from jax.experimental.pallas import tpu as pltpu
from jax.experimental.pallas import tpu_sc as plsc

B = 2048
D = 1024
H = 512
L = 512
E = 8
BS = 128
CAP = B + E * BS
NB = CAP // BS
GB = 512

NC, NS = 2, 16
NW = NC * NS
CHUNK = B // NW
VPC = CHUNK // 16

_MESH = dict(core_axis_name="c", subcore_axis_name="s")
_SC_PARAMS = pltpu.CompilerParams(needs_layout_passes=False,
                                  use_tc_tiling_on_sc=True)



def _gate_body(x_ref, w1_ref, b1_ref, w3p_ref, b3p_ref, g_ref, e_ref):
    xb = x_ref[...]
    h = jnp.maximum(
        jnp.dot(xb, w1_ref[...], preferred_element_type=jnp.float32)
        + b1_ref[...][None, :], 0.0)
    logits = (jnp.dot(h, w3p_ref[...], preferred_element_type=jnp.float32)
              + b3p_ref[...][None, :])
    lane = lax.broadcasted_iota(jnp.int32, (GB, 128), 1)
    logits = jnp.where(lane < E, logits, -jnp.inf)
    m = jnp.max(logits, axis=1, keepdims=True)
    s = jnp.sum(jnp.exp(logits - m), axis=1, keepdims=True)
    g_ref[...] = jnp.broadcast_to(1.0 / s, (GB, 128))
    e_ref[...] = jnp.argmax(logits, axis=1).astype(jnp.int32).reshape(1, 1, GB)


def _gate(x, W_cls1, b_cls1, W3p, b3p):
    return pl.pallas_call(
        _gate_body,
        grid=(B // GB,),
        in_specs=[
            pl.BlockSpec((GB, D), lambda i: (i, 0)),
            pl.BlockSpec((D, H), lambda i: (0, 0)),
            pl.BlockSpec((H,), lambda i: (0,)),
            pl.BlockSpec((H, 128), lambda i: (0, 0)),
            pl.BlockSpec((128,), lambda i: (0,)),
        ],
        out_specs=[
            pl.BlockSpec((GB, 128), lambda i: (i, 0)),
            pl.BlockSpec((1, 1, GB), lambda i: (i, 0, 0)),
        ],
        out_shape=[
            jax.ShapeDtypeStruct((B, 128), jnp.float32),
            jax.ShapeDtypeStruct((B // GB, 1, GB), jnp.int32),
        ],
    )(x, W_cls1, b_cls1, W3p, b3p)



def _route_body(e_hbm, x_hbm, g_hbm, pos_hbm, bexp_hbm, xs_hbm, gs_hbm,
                e_all, idx_v, rows_v, g_v, bexp_v, acc_v, sem, sem2):
    wid = lax.axis_index("s") * NC + lax.axis_index("c")
    base = wid * CHUNK
    pltpu.sync_copy(e_hbm, e_all)

    zero = jnp.zeros((16,), jnp.int32)

    for r in range(2 * E):
        acc_v[pl.ds(r * 16, 16)] = zero

    def count_into(lo, hi, half):
        def body(i, _):
            ev = e_all[pl.ds(i * 16, 16)]
            for e in range(E):
                pc = plsc.all_reduce_population_count(ev == e)
                r = (half * E + e) * 16
                acc_v[pl.ds(r, 16)] = acc_v[pl.ds(r, 16)] + pc
            return 0
        lax.fori_loop(lo, hi, body, 0)

    count_into(0, wid * VPC, 0)
    count_into(wid * VPC, B // 16, 1)
    bef = [acc_v[pl.ds(e * 16, 16)] for e in range(E)]
    counts = [bef[e] + acc_v[pl.ds((E + e) * 16, 16)] for e in range(E)]

    off = []
    run = zero
    for e in range(E):
        off.append(run)
        run = run + ((counts[e] + (BS - 1)) // BS) * BS

    runc = [zero] * E
    for j in range(VPC):
        ev = e_all[pl.ds(base + j * 16, 16)]
        posv = zero
        for e in range(E):
            m = (ev == e)
            mi = m.astype(jnp.int32)
            pre = jnp.cumsum(mi, axis=0)
            posv = posv + mi * (off[e] + bef[e] + runc[e]) + mi * (pre - 1)
            runc[e] = runc[e] + plsc.all_reduce_population_count(m)
        idx_v[pl.ds(j * 16, 16)] = posv
    pltpu.sync_copy(idx_v, pos_hbm.at[pl.ds(base, CHUNK)])

    pltpu.sync_copy(x_hbm.at[pl.ds(base, CHUNK)], rows_v)
    pltpu.sync_copy(g_hbm.at[pl.ds(base, CHUNK)], g_v)
    cx = pltpu.async_copy(rows_v, xs_hbm.at[idx_v], sem)
    cg = pltpu.async_copy(g_v, gs_hbm.at[idx_v], sem2)
    cx.wait()
    cg.wait()

    @pl.when(wid == 0)
    def _():
        lanes = lax.broadcasted_iota(jnp.int32, (16,), 0)
        for half in range(2):
            v = zero
            for j in range(16):
                blk = half * 16 + j
                if blk >= NB:
                    break
                be = jnp.full((16,), -1, jnp.int32)
                blkv = jnp.full((16,), blk * BS, jnp.int32)
                for e in range(E):
                    be = be + (blkv >= off[e]).astype(jnp.int32)
                v = v + be * (lanes == j).astype(jnp.int32)
            bexp_v[pl.ds(half * 16, 16)] = v
        pltpu.sync_copy(bexp_v, bexp_hbm)


def _route_scatter(e1d, x, g128):
    f = pl.kernel(
        _route_body,
        out_type=[
            jax.ShapeDtypeStruct((B,), jnp.int32),
            jax.ShapeDtypeStruct((NW,), jnp.int32),
            jax.ShapeDtypeStruct((CAP, D), jnp.float32),
            jax.ShapeDtypeStruct((CAP, 128), jnp.float32),
        ],
        mesh=plsc.VectorSubcoreMesh(**_MESH),
        compiler_params=_SC_PARAMS,
        scratch_types=[
            pltpu.VMEM((B,), jnp.int32),
            pltpu.VMEM((CHUNK,), jnp.int32),
            pltpu.VMEM((CHUNK, D), jnp.float32),
            pltpu.VMEM((CHUNK, 128), jnp.float32),
            pltpu.VMEM((NW,), jnp.int32),
            pltpu.VMEM((2 * E * 16,), jnp.int32),
            pltpu.SemaphoreType.DMA,
            pltpu.SemaphoreType.DMA,
        ],
    )
    return f(e1d, x, g128)



def _expert_body(bexp_ref, xs_ref, w1_ref, b1_ref, w2_ref, b2_ref, gs_ref,
                 out_ref):
    xb = xs_ref[...]
    xb16 = xb.astype(jnp.bfloat16)
    h = jnp.maximum(
        jnp.dot(xb16, w1_ref[0].astype(jnp.bfloat16),
                preferred_element_type=jnp.float32) + b1_ref[0], 0.0)
    y = (jnp.dot(h.astype(jnp.bfloat16), w2_ref[0].astype(jnp.bfloat16),
                 preferred_element_type=jnp.float32) + b2_ref[0])
    comb = y * gs_ref[:, :1]
    nrm = jnp.sqrt(jnp.sum(comb * comb, axis=1, keepdims=True))
    out_ref[...] = comb / jnp.maximum(nrm, 1e-6) + xb


def _experts(xs, W_exp1, b_exp1_3d, W_exp2, b_exp2_3d, gs, bexp):
    grid_spec = pltpu.PrefetchScalarGridSpec(
        num_scalar_prefetch=1,
        grid=(NB,),
        in_specs=[
            pl.BlockSpec((BS, D), lambda i, be: (i, 0)),
            pl.BlockSpec((1, D, L), lambda i, be: (be[i], 0, 0)),
            pl.BlockSpec((1, 1, L), lambda i, be: (be[i], 0, 0)),
            pl.BlockSpec((1, L, D), lambda i, be: (be[i], 0, 0)),
            pl.BlockSpec((1, 1, D), lambda i, be: (be[i], 0, 0)),
            pl.BlockSpec((BS, 128), lambda i, be: (i, 0)),
        ],
        out_specs=pl.BlockSpec((BS, D), lambda i, be: (i, 0)),
    )
    return pl.pallas_call(
        _expert_body,
        grid_spec=grid_spec,
        out_shape=jax.ShapeDtypeStruct((CAP, D), jnp.float32),
    )(bexp, xs, W_exp1, b_exp1_3d, W_exp2, b_exp2_3d, gs)



def _unsort_body(pos_hbm, outs_hbm, out_hbm, idx_v, rows_v, sem):
    wid = lax.axis_index("s") * NC + lax.axis_index("c")
    base = wid * CHUNK
    pltpu.sync_copy(pos_hbm.at[pl.ds(base, CHUNK)], idx_v)
    pltpu.async_copy(outs_hbm.at[idx_v], rows_v, sem).wait()
    pltpu.sync_copy(rows_v, out_hbm.at[pl.ds(base, CHUNK)])


def _unsort(pos, outs):
    f = pl.kernel(
        _unsort_body,
        out_type=jax.ShapeDtypeStruct((B, D), jnp.float32),
        mesh=plsc.VectorSubcoreMesh(**_MESH),
        compiler_params=_SC_PARAMS,
        scratch_types=[
            pltpu.VMEM((CHUNK,), jnp.int32),
            pltpu.VMEM((CHUNK, D), jnp.float32),
            pltpu.SemaphoreType.DMA,
        ],
    )
    return f(pos, outs)



def kernel(x, W_cls1, b_cls1, W_cls3, b_cls3, W_exp1, b_exp1, W_exp2, b_exp2):
    W3p = jnp.zeros((H, 128), jnp.float32).at[:, :E].set(W_cls3)
    b3p = jnp.zeros((128,), jnp.float32).at[:E].set(b_cls3)

    g128, e2 = _gate(x, W_cls1, b_cls1, W3p, b3p)
    e1d = e2.reshape(B)

    pos, bexp, xs, gs = _route_scatter(e1d, x, g128)

    outs = _experts(xs, W_exp1, b_exp1.reshape(E, 1, L), W_exp2,
                    b_exp2.reshape(E, 1, D), gs, bexp)

    return _unsort(pos, outs)

# --- scband reference (transcript-rebuilt; emitter-appended) ---
"""Pipeline reference for scband-mo-ebi-encoder-51685636440138 (READ-ONLY COPY).

The authoritative reference and input builder live on the scoring server;
editing this copy changes nothing except your own understanding.
"""

import jax, jax.numpy as jnp
import numpy as np

B = 2048   # tokens (batch*seq pooled embeddings)
D = 1024   # hidden_size (doc_model.config.hidden_size)
L = 512    # latent_size
E = 8      # num_classes (experts)


def setup_inputs(seed: int = 0) -> dict:
    key = jax.random.key(seed)
    ks = jax.random.split(key, 9)
    s = 0.02
    return {
        "x": jax.random.normal(ks[0], (B, D), dtype=jnp.float32),
        "W_cls1": jax.random.normal(ks[1], (D, D // 2), dtype=jnp.float32) * s,
        "b_cls1": jnp.zeros((D // 2,), dtype=jnp.float32),
        "W_cls3": jax.random.normal(ks[2], (D // 2, E), dtype=jnp.float32) * s,
        "b_cls3": jnp.zeros((E,), dtype=jnp.float32),
        "W_exp1": jax.random.normal(ks[3], (E, D, L), dtype=jnp.float32) * s,
        "b_exp1": jnp.zeros((E, L), dtype=jnp.float32),
        "W_exp2": jax.random.normal(ks[4], (E, L, D), dtype=jnp.float32) * s,
        "b_exp2": jnp.zeros((E, D), dtype=jnp.float32),
    }


def reference(x, W_cls1, b_cls1, W_cls3, b_cls3, W_exp1, b_exp1, W_exp2, b_exp2):
    # _gate_forward (eval mode, specialized_mode='sbmoe_top1')
    h = jax.nn.relu(x @ W_cls1 + b_cls1)
    logits = h @ W_cls3 + b_cls3
    probs = jax.nn.softmax(logits, axis=-1)
    topk_vals, topk_idx = jax.lax.top_k(probs, 1)
    mask = jnp.zeros_like(probs).at[jnp.arange(probs.shape[0]), topk_idx[:, 0]].set(1.0)
    gating = probs * mask  # [B, E]

    # query_embedder: run every Specializer expert densely, then gated combine
    he = jax.nn.relu(jnp.einsum('bd,edl->bel', x, W_exp1) + b_exp1)
    ye = jnp.einsum('bel,eld->bed', he, W_exp2) + b_exp2  # [B, E, D]
    combined = jnp.einsum('bed,be->bd', ye, gating)

    # F.normalize(combined, dim=-1, eps=1e-6) + base_emb (normalize=False)
    norm = jnp.maximum(jnp.linalg.norm(combined, axis=-1, keepdims=True), 1e-6)
    out = combined / norm + x
    return out

if __name__ == "__main__":
    import jax
    _d = setup_inputs()
    print(jax.jit(kernel)(*tuple(_d.values())))

</pallas_src>

<mosaic_0001>
#map = affine_map<(d0, d1) -> (0)>
#map1 = affine_map<(d0, d1) -> (0, 0)>
module attributes {stable_mosaic.version = 14 : i64} {
  func.func @_route_body(%arg0: i32, %arg1: i32, %arg2: memref<2048xi32, #tpu.memory_space<hbm>>, %arg3: memref<2048x1024xf32, #tpu.memory_space<hbm>>, %arg4: memref<2048x128xf32, #tpu.memory_space<hbm>>, %arg5: memref<2048xi32, #tpu.memory_space<hbm>>, %arg6: memref<32xi32, #tpu.memory_space<hbm>>, %arg7: memref<3072x1024xf32, #tpu.memory_space<hbm>>, %arg8: memref<3072x128xf32, #tpu.memory_space<hbm>>, %arg9: memref<2048xi32, #tpu.memory_space<vmem>>, %arg10: memref<64xi32, #tpu.memory_space<vmem>>, %arg11: memref<64x1024xf32, #tpu.memory_space<vmem>>, %arg12: memref<64x128xf32, #tpu.memory_space<vmem>>, %arg13: memref<32xi32, #tpu.memory_space<vmem>>, %arg14: memref<256xi32, #tpu.memory_space<vmem>>, %arg15: memref<!tpu.dma_semaphore, #tpu.memory_space<semaphore_mem>>, %arg16: memref<!tpu.dma_semaphore, #tpu.memory_space<semaphore_mem>>) attributes {dimension_semantics = [#tpu.dimension_semantics<core_parallel>, #tpu.dimension_semantics<subcore_parallel>], iteration_bounds = array<i64: 2, 16>, scalar_prefetch = 0 : i64, scratch_operands = 8 : i64, tpu.core_type = #tpu.core_type<sc_vector_subcore>, window_params = [{transform_indices = #map}, {transform_indices = #map1}, {transform_indices = #map1}, {transform_indices = #map}, {transform_indices = #map}, {transform_indices = #map1}, {transform_indices = #map1}]} {
    %mul3A = arith.constant 2 : i32
    %mul3A_0 = arith.muli %arg1, %mul3A : i32
    %add3A = arith.addi %mul3A_0, %arg0 : i32
    %mul3A_1 = arith.constant 64 : i32
    %mul3A_2 = arith.muli %add3A, %mul3A_1 : i32
    "tpu.region"() ({
      %run_scoped3A = tpu.sem_alloc : memref<!tpu.dma_semaphore, #tpu.memory_space<semaphore_mem>>
      tpu.enqueue_dma source(%arg2 : memref<2048xi32, #tpu.memory_space<hbm>>) target(%arg9 : memref<2048xi32, #tpu.memory_space<vmem>>) target_semaphore(%run_scoped3A : memref<!tpu.dma_semaphore, #tpu.memory_space<semaphore_mem>>)
      tpu.wait_dma2 semaphore(%run_scoped3A : memref<!tpu.dma_semaphore, #tpu.memory_space<semaphore_mem>>) src(%arg2 : memref<2048xi32, #tpu.memory_space<hbm>>) dst(%arg9 : memref<2048xi32, #tpu.memory_space<vmem>>)
      tpu.yield
    }) : () -> ()
    %broadcast_in_dim3A = arith.constant 0 : i32
    %broadcast_in_dim3A_3 = vector.broadcast %broadcast_in_dim3A : i32 to vector<16xi32>
    %swap3A = arith.constant 0 : index
    %swap3A_4 = tpu.vector_load %arg14[%swap3A] {strides = array<i32>} : memref<256xi32, #tpu.memory_space<vmem>>, vector<16xi32>,
    tpu.vector_store %arg14[%swap3A], %broadcast_in_dim3A_3 {strides = array<i32>} : memref<256xi32, #tpu.memory_space<vmem>>, vector<16xi32>,
    %swap3A_5 = arith.constant 16 : index
    %swap3A_6 = tpu.vector_load %arg14[%swap3A_5] {strides = array<i32>} : memref<256xi32, #tpu.memory_space<vmem>>, vector<16xi32>,
    tpu.vector_store %arg14[%swap3A_5], %broadcast_in_dim3A_3 {strides = array<i32>} : memref<256xi32, #tpu.memory_space<vmem>>, vector<16xi32>,
    %swap3A_7 = arith.constant 32 : index
    %swap3A_8 = tpu.vector_load %arg14[%swap3A_7] {strides = array<i32>} : memref<256xi32, #tpu.memory_space<vmem>>, vector<16xi32>,
    tpu.vector_store %arg14[%swap3A_7], %broadcast_in_dim3A_3 {strides = array<i32>} : memref<256xi32, #tpu.memory_space<vmem>>, vector<16xi32>,
    %swap3A_9 = arith.constant 48 : index
    %swap3A_10 = tpu.vector_load %arg14[%swap3A_9] {strides = array<i32>} : memref<256xi32, #tpu.memory_space<vmem>>, vector<16xi32>,
    tpu.vector_store %arg14[%swap3A_9], %broadcast_in_dim3A_3 {strides = array<i32>} : memref<256xi32, #tpu.memory_space<vmem>>, vector<16xi32>,
    %swap3A_11 = arith.constant 64 : index
    %swap3A_12 = tpu.vector_load %arg14[%swap3A_11] {strides = array<i32>} : memref<256xi32, #tpu.memory_space<vmem>>, vector<16xi32>,
    tpu.vector_store %arg14[%swap3A_11], %broadcast_in_dim3A_3 {strides = array<i32>} : memref<256xi32, #tpu.memory_space<vmem>>, vector<16xi32>,
    %swap3A_13 = arith.constant 80 : index
    %swap3A_14 = tpu.vector_load %arg14[%swap3A_13] {strides = array<i32>} : memref<256xi32, #tpu.memory_space<vmem>>, vector<16xi32>,
    tpu.vector_store %arg14[%swap3A_13], %broadcast_in_dim3A_3 {strides = array<i32>} : memref<256xi32, #tpu.memory_space<vmem>>, vector<16xi32>,
    %swap3A_15 = arith.constant 96 : index
    %swap3A_16 = tpu.vector_load %arg14[%swap3A_15] {strides = array<i32>} : memref<256xi32, #tpu.memory_space<vmem>>, vector<16xi32>,
    tpu.vector_store %arg14[%swap3A_15], %broadcast_in_dim3A_3 {strides = array<i32>} : memref<256xi32, #tpu.memory_space<vmem>>, vector<16xi32>,
    %swap3A_17 = arith.constant 112 : index
    %swap3A_18 = tpu.vector_load %arg14[%swap3A_17] {strides = array<i32>} : memref<256xi32, #tpu.memory_space<vmem>>, vector<16xi32>,
    tpu.vector_store %arg14[%swap3A_17], %broadcast_in_dim3A_3 {strides = array<i32>} : memref<256xi32, #tpu.memory_space<vmem>>, vector<16xi32>,
    %swap3A_19 = arith.constant 128 : index
    %swap3A_20 = tpu.vector_load %arg14[%swap3A_19] {strides = array<i32>} : memref<256xi32, #tpu.memory_space<vmem>>, vector<16xi32>,
    tpu.vector_store %arg14[%swap3A_19], %broadcast_in_dim3A_3 {strides = array<i32>} : memref<256xi32, #tpu.memory_space<vmem>>, vector<16xi32>,
    %swap3A_21 = arith.constant 144 : index
    %swap3A_22 = tpu.vector_load %arg14[%swap3A_21] {strides = array<i32>} : memref<256xi32, #tpu.memory_space<vmem>>, vector<16xi32>,
    tpu.vector_store %arg14[%swap3A_21], %broadcast_in_dim3A_3 {strides = array<i32>} : memref<256xi32, #tpu.memory_space<vmem>>, vector<16xi32>,
    %swap3A_23 = arith.constant 160 : index
    %swap3A_24 = tpu.vector_load %arg14[%swap3A_23] {strides = array<i32>} : memref<256xi32, #tpu.memory_space<vmem>>, vector<16xi32>,
    tpu.vector_store %arg14[%swap3A_23], %broadcast_in_dim3A_3 {strides = array<i32>} : memref<256xi32, #tpu.memory_space<vmem>>, vector<16xi32>,
    %swap3A_25 = arith.constant 176 : index
    %swap3A_26 = tpu.vector_load %arg14[%swap3A_25] {strides = array<i32>} : memref<256xi32, #tpu.memory_space<vmem>>, vector<16xi32>,
    tpu.vector_store %arg14[%swap3A_25], %broadcast_in_dim3A_3 {strides = array<i32>} : memref<256xi32, #tpu.memory_space<vmem>>, vector<16xi32>,
    %swap3A_27 = arith.constant 192 : index
    %swap3A_28 = tpu.vector_load %arg14[%swap3A_27] {strides = array<i32>} : memref<256xi32, #tpu.memory_space<vmem>>, vector<16xi32>,
    tpu.vector_store %arg14[%swap3A_27], %broadcast_in_dim3A_3 {strides = array<i32>} : memref<256xi32, #tpu.memory_space<vmem>>, vector<16xi32>,
    %swap3A_29 = arith.constant 208 : index
    %swap3A_30 = tpu.vector_load %arg14[%swap3A_29] {strides = array<i32>} : memref<256xi32, #tpu.memory_space<vmem>>, vector<16xi32>,
    tpu.vector_store %arg14[%swap3A_29], %broadcast_in_dim3A_3 {strides = array<i32>} : memref<256xi32, #tpu.memory_space<vmem>>, vector<16xi32>,
    %swap3A_31 = arith.constant 224 : index
    %swap3A_32 = tpu.vector_load %arg14[%swap3A_31] {strides = array<i32>} : memref<256xi32, #tpu.memory_space<vmem>>, vector<16xi32>,
    tpu.vector_store %arg14[%swap3A_31], %broadcast_in_dim3A_3 {strides = array<i32>} : memref<256xi32, #tpu.memory_space<vmem>>, vector<16xi32>,
    %swap3A_33 = arith.constant 240 : index
    %swap3A_34 = tpu.vector_load %arg14[%swap3A_33] {strides = array<i32>} : memref<256xi32, #tpu.memory_space<vmem>>, vector<16xi32>,
    tpu.vector_store %arg14[%swap3A_33], %broadcast_in_dim3A_3 {strides = array<i32>} : memref<256xi32, #tpu.memory_space<vmem>>, vector<16xi32>,
    %mul3A_35 = arith.constant 4 : i32
    %mul3A_36 = arith.muli %add3A, %mul3A_35 : i32
    %while3A = arith.constant 0 : i32
    %while3A_37 = arith.constant 0 : i32
    %while3A_38 = arith.subi %mul3A_36, %while3A : i32
    %while3A_39 = arith.addi %while3A, %while3A_38 : i32
    %while3A_40 = arith.constant 1 : i32
    %while3A_41 = arith.divsi %while3A_38, %while3A_40 : i32
    %while3A_42 = arith.muli %while3A_41, %while3A_40 : i32
    %while3A_43 = arith.addi %while3A, %while3A_42 : i32
    %while3A_44 = arith.constant 1 : i32
    %while3A_45 = scf.for %while3A_1007 = %while3A to %while3A_43 step %while3A_44 iter_args(%while3A_1008 = %while3A_37) -> (i32)  : i32 {
      %mul3A_1009 = arith.constant 16 : i32
      %mul3A_1010 = arith.muli %while3A_1007, %mul3A_1009 : i32
      %get3A_1011 = arith.index_cast %mul3A_1010 : i32 to index
      %get3A_1012 = tpu.vector_load %arg9[%get3A_1011] {strides = array<i32>} : memref<2048xi32, #tpu.memory_space<vmem>>, vector<16xi32>,
      %eq3A_1013 = arith.constant 0 : i32
      %eq3A_1014 = vector.broadcast %eq3A_1013 : i32 to vector<16xi32>
      %eq3A_1015 = arith.cmpi eq, %get3A_1012, %eq3A_1014 : vector<16xi32>
      %all_reduce_population_count3A_1016 = tpu.all_reduce %eq3A_1015 {dim = 0 : i64, kind = #tpu.reduction_kind<sum>} : vector<16xi1> -> vector<16xi32>
      %get3A_1017 = arith.constant 0 : index
      %get3A_1018 = tpu.vector_load %arg14[%get3A_1017] {strides = array<i32>} : memref<256xi32, #tpu.memory_space<vmem>>, vector<16xi32>,
      %add3A_1019 = arith.addi %get3A_1018, %all_reduce_population_count3A_1016 : vector<16xi32>
      %swap3A_1020 = arith.constant 0 : index
      %swap3A_1021 = tpu.vector_load %arg14[%swap3A_1020] {strides = array<i32>} : memref<256xi32, #tpu.memory_space<vmem>>, vector<16xi32>,
      tpu.vector_store %arg14[%swap3A_1020], %add3A_1019 {strides = array<i32>} : memref<256xi32, #tpu.memory_space<vmem>>, vector<16xi32>,
      %eq3A_1022 = arith.constant 1 : i32
      %eq3A_1023 = vector.broadcast %eq3A_1022 : i32 to vector<16xi32>
      %eq3A_1024 = arith.cmpi eq, %get3A_1012, %eq3A_1023 : vector<16xi32>
      %all_reduce_population_count3A_1025 = tpu.all_reduce %eq3A_1024 {dim = 0 : i64, kind = #tpu.reduction_kind<sum>} : vector<16xi1> -> vector<16xi32>
      %get3A_1026 = arith.constant 16 : index
      %get3A_1027 = tpu.vector_load %arg14[%get3A_1026] {strides = array<i32>} : memref<256xi32, #tpu.memory_space<vmem>>, vector<16xi32>,
      %add3A_1028 = arith.addi %get3A_1027, %all_reduce_population_count3A_1025 : vector<16xi32>
      %swap3A_1029 = arith.constant 16 : index
      %swap3A_1030 = tpu.vector_load %arg14[%swap3A_1029] {strides = array<i32>} : memref<256xi32, #tpu.memory_space<vmem>>, vector<16xi32>,
      tpu.vector_store %arg14[%swap3A_1029], %add3A_1028 {strides = array<i32>} : memref<256xi32, #tpu.memory_space<vmem>>, vector<16xi32>,
      %eq3A_1031 = arith.constant 2 : i32
      %eq3A_1032 = vector.broadcast %eq3A_1031 : i32 to vector<16xi32>
      %eq3A_1033 = arith.cmpi eq, %get3A_1012, %eq3A_1032 : vector<16xi32>
      %all_reduce_population_count3A_1034 = tpu.all_reduce %eq3A_1033 {dim = 0 : i64, kind = #tpu.reduction_kind<sum>} : vector<16xi1> -> vector<16xi32>
      %get3A_1035 = arith.constant 32 : index
      %get3A_1036 = tpu.vector_load %arg14[%get3A_1035] {strides = array<i32>} : memref<256xi32, #tpu.memory_space<vmem>>, vector<16xi32>,
      %add3A_1037 = arith.addi %get3A_1036, %all_reduce_population_count3A_1034 : vector<16xi32>
      %swap3A_1038 = arith.constant 32 : index
      %swap3A_1039 = tpu.vector_load %arg14[%swap3A_1038] {strides = array<i32>} : memref<256xi32, #tpu.memory_space<vmem>>, vector<16xi32>,
      tpu.vector_store %arg14[%swap3A_1038], %add3A_1037 {strides = array<i32>} : memref<256xi32, #tpu.memory_space<vmem>>, vector<16xi32>,
      %eq3A_1040 = arith.constant 3 : i32
      %eq3A_1041 = vector.broadcast %eq3A_1040 : i32 to vector<16xi32>
      %eq3A_1042 = arith.cmpi eq, %get3A_1012, %eq3A_1041 : vector<16xi32>
      %all_reduce_population_count3A_1043 = tpu.all_reduce %eq3A_1042 {dim = 0 : i64, kind = #tpu.reduction_kind<sum>} : vector<16xi1> -> vector<16xi32>
      %get3A_1044 = arith.constant 48 : index
      %get3A_1045 = tpu.vector_load %arg14[%get3A_1044] {strides = array<i32>} : memref<256xi32, #tpu.memory_space<vmem>>, vector<16xi32>,
      %add3A_1046 = arith.addi %get3A_1045, %all_reduce_population_count3A_1043 : vector<16xi32>
      %swap3A_1047 = arith.constant 48 : index
      %swap3A_1048 = tpu.vector_load %arg14[%swap3A_1047] {strides = array<i32>} : memref<256xi32, #tpu.memory_space<vmem>>, vector<16xi32>,
      tpu.vector_store %arg14[%swap3A_1047], %add3A_1046 {strides = array<i32>} : memref<256xi32, #tpu.memory_space<vmem>>, vector<16xi32>,
      %eq3A_1049 = arith.constant 4 : i32
      %eq3A_1050 = vector.broadcast %eq3A_1049 : i32 to vector<16xi32>
      %eq3A_1051 = arith.cmpi eq, %get3A_1012, %eq3A_1050 : vector<16xi32>
      %all_reduce_population_count3A_1052 = tpu.all_reduce %eq3A_1051 {dim = 0 : i64, kind = #tpu.reduction_kind<sum>} : vector<16xi1> -> vector<16xi32>
      %get3A_1053 = arith.constant 64 : index
      %get3A_1054 = tpu.vector_load %arg14[%get3A_1053] {strides = array<i32>} : memref<256xi32, #tpu.memory_space<vmem>>, vector<16xi32>,
      %add3A_1055 = arith.addi %get3A_1054, %all_reduce_population_count3A_1052 : vector<16xi32>
      %swap3A_1056 = arith.constant 64 : index
      %swap3A_1057 = tpu.vector_load %arg14[%swap3A_1056] {strides = array<i32>} : memref<256xi32, #tpu.memory_space<vmem>>, vector<16xi32>,
      tpu.vector_store %arg14[%swap3A_1056], %add3A_1055 {strides = array<i32>} : memref<256xi32, #tpu.memory_space<vmem>>, vector<16xi32>,
      %eq3A_1058 = arith.constant 5 : i32
      %eq3A_1059 = vector.broadcast %eq3A_1058 : i32 to vector<16xi32>
      %eq3A_1060 = arith.cmpi eq, %get3A_1012, %eq3A_1059 : vector<16xi32>
      %all_reduce_population_count3A_1061 = tpu.all_reduce %eq3A_1060 {dim = 0 : i64, kind = #tpu.reduction_kind<sum>} : vector<16xi1> -> vector<16xi32>
      %get3A_1062 = arith.constant 80 : index
      %get3A_1063 = tpu.vector_load %arg14[%get3A_1062] {strides = array<i32>} : memref<256xi32, #tpu.memory_space<vmem>>, vector<16xi32>,
      %add3A_1064 = arith.addi %get3A_1063, %all_reduce_population_count3A_1061 : vector<16xi32>
      %swap3A_1065 = arith.constant 80 : index
      %swap3A_1066 = tpu.vector_load %arg14[%swap3A_1065] {strides = array<i32>} : memref<256xi32, #tpu.memory_space<vmem>>, vector<16xi32>,
      tpu.vector_store %arg14[%swap3A_1065], %add3A_1064 {strides = array<i32>} : memref<256xi32, #tpu.memory_space<vmem>>, vector<16xi32>,
      %eq3A_1067 = arith.constant 6 : i32
      %eq3A_1068 = vector.broadcast %eq3A_1067 : i32 to vector<16xi32>
      %eq3A_1069 = arith.cmpi eq, %get3A_1012, %eq3A_1068 : vector<16xi32>
      %all_reduce_population_count3A_1070 = tpu.all_reduce %eq3A_1069 {dim = 0 : i64, kind = #tpu.reduction_kind<sum>} : vector<16xi1> -> vector<16xi32>
      %get3A_1071 = arith.constant 96 : index
      %get3A_1072 = tpu.vector_load %arg14[%get3A_1071] {strides = array<i32>} : memref<256xi32, #tpu.memory_space<vmem>>, vector<16xi32>,
      %add3A_1073 = arith.addi %get3A_1072, %all_reduce_population_count3A_1070 : vector<16xi32>
      %swap3A_1074 = arith.constant 96 : index
      %swap3A_1075 = tpu.vector_load %arg14[%swap3A_1074] {strides = array<i32>} : memref<256xi32, #tpu.memory_space<vmem>>, vector<16xi32>,
      tpu.vector_store %arg14[%swap3A_1074], %add3A_1073 {strides = array<i32>} : memref<256xi32, #tpu.memory_space<vmem>>, vector<16xi32>,
      %eq3A_1076 = arith.constant 7 : i32
      %eq3A_1077 = vector.broadcast %eq3A_1076 : i32 to vector<16xi32>
      %eq3A_1078 = arith.cmpi eq, %get3A_1012, %eq3A_1077 : vector<16xi32>
      %all_reduce_population_count3A_1079 = tpu.all_reduce %eq3A_1078 {dim = 0 : i64, kind = #tpu.reduction_kind<sum>} : vector<16xi1> -> vector<16xi32>
      %get3A_1080 = arith.constant 112 : index
      %get3A_1081 = tpu.vector_load %arg14[%get3A_1080] {strides = array<i32>} : memref<256xi32, #tpu.memory_space<vmem>>, vector<16xi32>,
      %add3A_1082 = arith.addi %get3A_1081, %all_reduce_population_count3A_1079 : vector<16xi32>
      %swap3A_1083 = arith.constant 112 : index
      %swap3A_1084 = tpu.vector_load %arg14[%swap3A_1083] {strides = array<i32>} : memref<256xi32, #tpu.memory_space<vmem>>, vector<16xi32>,
      tpu.vector_store %arg14[%swap3A_1083], %add3A_1082 {strides = array<i32>} : memref<256xi32, #tpu.memory_space<vmem>>, vector<16xi32>,
      %while3A_1085 = arith.constant 0 : i32
      scf.yield %while3A_1085 : i32
    }
    %while3A_46 = arith.constant 1 : i32
    %while3A_47 = scf.for %while3A_1007 = %while3A_43 to %while3A_39 step %while3A_46 iter_args(%while3A_1008 = %while3A_45) -> (i32)  : i32 {
      %mul3A_1009 = arith.constant 16 : i32
      %mul3A_1010 = arith.muli %while3A_1007, %mul3A_1009 : i32
      %get3A_1011 = arith.index_cast %mul3A_1010 : i32 to index
      %get3A_1012 = tpu.vector_load %arg9[%get3A_1011] {strides = array<i32>} : memref<2048xi32, #tpu.memory_space<vmem>>, vector<16xi32>,
      %eq3A_1013 = arith.constant 0 : i32
      %eq3A_1014 = vector.broadcast %eq3A_1013 : i32 to vector<16xi32>
      %eq3A_1015 = arith.cmpi eq, %get3A_1012, %eq3A_1014 : vector<16xi32>
      %all_reduce_population_count3A_1016 = tpu.all_reduce %eq3A_1015 {dim = 0 : i64, kind = #tpu.reduction_kind<sum>} : vector<16xi1> -> vector<16xi32>
      %get3A_1017 = arith.constant 0 : index
      %get3A_1018 = tpu.vector_load %arg14[%get3A_1017] {strides = array<i32>} : memref<256xi32, #tpu.memory_space<vmem>>, vector<16xi32>,
      %add3A_1019 = arith.addi %get3A_1018, %all_reduce_population_count3A_1016 : vector<16xi32>
      %swap3A_1020 = arith.constant 0 : index
      %swap3A_1021 = tpu.vector_load %arg14[%swap3A_1020] {strides = array<i32>} : memref<256xi32, #tpu.memory_space<vmem>>, vector<16xi32>,
      tpu.vector_store %arg14[%swap3A_1020], %add3A_1019 {strides = array<i32>} : memref<256xi32, #tpu.memory_space<vmem>>, vector<16xi32>,
      %eq3A_1022 = arith.constant 1 : i32
      %eq3A_1023 = vector.broadcast %eq3A_1022 : i32 to vector<16xi32>
      %eq3A_1024 = arith.cmpi eq, %get3A_1012, %eq3A_1023 : vector<16xi32>
      %all_reduce_population_count3A_1025 = tpu.all_reduce %eq3A_1024 {dim = 0 : i64, kind = #tpu.reduction_kind<sum>} : vector<16xi1> -> vector<16xi32>
      %get3A_1026 = arith.constant 16 : index
      %get3A_1027 = tpu.vector_load %arg14[%get3A_1026] {strides = array<i32>} : memref<256xi32, #tpu.memory_space<vmem>>, vector<16xi32>,
      %add3A_1028 = arith.addi %get3A_1027, %all_reduce_population_count3A_1025 : vector<16xi32>
      %swap3A_1029 = arith.constant 16 : index
      %swap3A_1030 = tpu.vector_load %arg14[%swap3A_1029] {strides = array<i32>} : memref<256xi32, #tpu.memory_space<vmem>>, vector<16xi32>,
      tpu.vector_store %arg14[%swap3A_1029], %add3A_1028 {strides = array<i32>} : memref<256xi32, #tpu.memory_space<vmem>>, vector<16xi32>,
      %eq3A_1031 = arith.constant 2 : i32
      %eq3A_1032 = vector.broadcast %eq3A_1031 : i32 to vector<16xi32>
      %eq3A_1033 = arith.cmpi eq, %get3A_1012, %eq3A_1032 : vector<16xi32>
      %all_reduce_population_count3A_1034 = tpu.all_reduce %eq3A_1033 {dim = 0 : i64, kind = #tpu.reduction_kind<sum>} : vector<16xi1> -> vector<16xi32>
      %get3A_1035 = arith.constant 32 : index
      %get3A_1036 = tpu.vector_load %arg14[%get3A_1035] {strides = array<i32>} : memref<256xi32, #tpu.memory_space<vmem>>, vector<16xi32>,
      %add3A_1037 = arith.addi %get3A_1036, %all_reduce_population_count3A_1034 : vector<16xi32>
      %swap3A_1038 = arith.constant 32 : index
      %swap3A_1039 = tpu.vector_load %arg14[%swap3A_1038] {strides = array<i32>} : memref<256xi32, #tpu.memory_space<vmem>>, vector<16xi32>,
      tpu.vector_store %arg14[%swap3A_1038], %add3A_1037 {strides = array<i32>} : memref<256xi32, #tpu.memory_space<vmem>>, vector<16xi32>,
      %eq3A_1040 = arith.constant 3 : i32
      %eq3A_1041 = vector.broadcast %eq3A_1040 : i32 to vector<16xi32>
      %eq3A_1042 = arith.cmpi eq, %get3A_1012, %eq3A_1041 : vector<16xi32>
      %all_reduce_population_count3A_1043 = tpu.all_reduce %eq3A_1042 {dim = 0 : i64, kind = #tpu.reduction_kind<sum>} : vector<16xi1> -> vector<16xi32>
      %get3A_1044 = arith.constant 48 : index
      %get3A_1045 = tpu.vector_load %arg14[%get3A_1044] {strides = array<i32>} : memref<256xi32, #tpu.memory_space<vmem>>, vector<16xi32>,
      %add3A_1046 = arith.addi %get3A_1045, %all_reduce_population_count3A_1043 : vector<16xi32>
      %swap3A_1047 = arith.constant 48 : index
      %swap3A_1048 = tpu.vector_load %arg14[%swap3A_1047] {strides = array<i32>} : memref<256xi32, #tpu.memory_space<vmem>>, vector<16xi32>,
      tpu.vector_store %arg14[%swap3A_1047], %add3A_1046 {strides = array<i32>} : memref<256xi32, #tpu.memory_space<vmem>>, vector<16xi32>,
      %eq3A_1049 = arith.constant 4 : i32
      %eq3A_1050 = vector.broadcast %eq3A_1049 : i32 to vector<16xi32>
      %eq3A_1051 = arith.cmpi eq, %get3A_1012, %eq3A_1050 : vector<16xi32>
      %all_reduce_population_count3A_1052 = tpu.all_reduce %eq3A_1051 {dim = 0 : i64, kind = #tpu.reduction_kind<sum>} : vector<16xi1> -> vector<16xi32>
      %get3A_1053 = arith.constant 64 : index
      %get3A_1054 = tpu.vector_load %arg14[%get3A_1053] {strides = array<i32>} : memref<256xi32, #tpu.memory_space<vmem>>, vector<16xi32>,
      %add3A_1055 = arith.addi %get3A_1054, %all_reduce_population_count3A_1052 : vector<16xi32>
      %swap3A_1056 = arith.constant 64 : index
      %swap3A_1057 = tpu.vector_load %arg14[%swap3A_1056] {strides = array<i32>} : memref<256xi32, #tpu.memory_space<vmem>>, vector<16xi32>,
      tpu.vector_store %arg14[%swap3A_1056], %add3A_1055 {strides = array<i32>} : memref<256xi32, #tpu.memory_space<vmem>>, vector<16xi32>,
      %eq3A_1058 = arith.constant 5 : i32
      %eq3A_1059 = vector.broadcast %eq3A_1058 : i32 to vector<16xi32>
      %eq3A_1060 = arith.cmpi eq, %get3A_1012, %eq3A_1059 : vector<16xi32>
      %all_reduce_population_count3A_1061 = tpu.all_reduce %eq3A_1060 {dim = 0 : i64, kind = #tpu.reduction_kind<sum>} : vector<16xi1> -> vector<16xi32>
      %get3A_1062 = arith.constant 80 : index
      %get3A_1063 = tpu.vector_load %arg14[%get3A_1062] {strides = array<i32>} : memref<256xi32, #tpu.memory_space<vmem>>, vector<16xi32>,
      %add3A_1064 = arith.addi %get3A_1063, %all_reduce_population_count3A_1061 : vector<16xi32>
      %swap3A_1065 = arith.constant 80 : index
      %swap3A_1066 = tpu.vector_load %arg14[%swap3A_1065] {strides = array<i32>} : memref<256xi32, #tpu.memory_space<vmem>>, vector<16xi32>,
      tpu.vector_store %arg14[%swap3A_1065], %add3A_1064 {strides = array<i32>} : memref<256xi32, #tpu.memory_space<vmem>>, vector<16xi32>,
      %eq3A_1067 = arith.constant 6 : i32
      %eq3A_1068 = vector.broadcast %eq3A_1067 : i32 to vector<16xi32>
      %eq3A_1069 = arith.cmpi eq, %get3A_1012, %eq3A_1068 : vector<16xi32>
      %all_reduce_population_count3A_1070 = tpu.all_reduce %eq3A_1069 {dim = 0 : i64, kind = #tpu.reduction_kind<sum>} : vector<16xi1> -> vector<16xi32>
      %get3A_1071 = arith.constant 96 : index
      %get3A_1072 = tpu.vector_load %arg14[%get3A_1071] {strides = array<i32>} : memref<256xi32, #tpu.memory_space<vmem>>, vector<16xi32>,
      %add3A_1073 = arith.addi %get3A_1072, %all_reduce_population_count3A_1070 : vector<16xi32>
      %swap3A_1074 = arith.constant 96 : index
      %swap3A_1075 = tpu.vector_load %arg14[%swap3A_1074] {strides = array<i32>} : memref<256xi32, #tpu.memory_space<vmem>>, vector<16xi32>,
      tpu.vector_store %arg14[%swap3A_1074], %add3A_1073 {strides = array<i32>} : memref<256xi32, #tpu.memory_space<vmem>>, vector<16xi32>,
      %eq3A_1076 = arith.constant 7 : i32
      %eq3A_1077 = vector.broadcast %eq3A_1076 : i32 to vector<16xi32>
      %eq3A_1078 = arith.cmpi eq, %get3A_1012, %eq3A_1077 : vector<16xi32>
      %all_reduce_population_count3A_1079 = tpu.all_reduce %eq3A_1078 {dim = 0 : i64, kind = #tpu.reduction_kind<sum>} : vector<16xi1> -> vector<16xi32>
      %get3A_1080 = arith.constant 112 : index
      %get3A_1081 = tpu.vector_load %arg14[%get3A_1080] {strides = array<i32>} : memref<256xi32, #tpu.memory_space<vmem>>, vector<16xi32>,
      %add3A_1082 = arith.addi %get3A_1081, %all_reduce_population_count3A_1079 : vector<16xi32>
      %swap3A_1083 = arith.constant 112 : index
      %swap3A_1084 = tpu.vector_load %arg14[%swap3A_1083] {strides = array<i32>} : memref<256xi32, #tpu.memory_space<vmem>>, vector<16xi32>,
      tpu.vector_store %arg14[%swap3A_1083], %add3A_1082 {strides = array<i32>} : memref<256xi32, #tpu.memory_space<vmem>>, vector<16xi32>,
      %while3A_1085 = arith.constant 0 : i32
      scf.yield %while3A_1085 : i32
    }
    %mul3A_48 = arith.constant 4 : i32
    %mul3A_49 = arith.muli %add3A, %mul3A_48 : i32
    %while3A_50 = arith.constant 128 : i32
    %while3A_51 = arith.constant 0 : i32
    %while3A_52 = arith.subi %while3A_50, %mul3A_49 : i32
    %while3A_53 = arith.addi %mul3A_49, %while3A_52 : i32
    %while3A_54 = arith.constant 1 : i32
    %while3A_55 = arith.divsi %while3A_52, %while3A_54 : i32
    %while3A_56 = arith.muli %while3A_55, %while3A_54 : i32
    %while3A_57 = arith.addi %mul3A_49, %while3A_56 : i32
    %while3A_58 = arith.constant 1 : i32
    %while3A_59 = scf.for %while3A_1007 = %mul3A_49 to %while3A_57 step %while3A_58 iter_args(%while3A_1008 = %while3A_51) -> (i32)  : i32 {
      %mul3A_1009 = arith.constant 16 : i32
      %mul3A_1010 = arith.muli %while3A_1007, %mul3A_1009 : i32
      %get3A_1011 = arith.index_cast %mul3A_1010 : i32 to index
      %get3A_1012 = tpu.vector_load %arg9[%get3A_1011] {strides = array<i32>} : memref<2048xi32, #tpu.memory_space<vmem>>, vector<16xi32>,
      %eq3A_1013 = arith.constant 0 : i32
      %eq3A_1014 = vector.broadcast %eq3A_1013 : i32 to vector<16xi32>
      %eq3A_1015 = arith.cmpi eq, %get3A_1012, %eq3A_1014 : vector<16xi32>
      %all_reduce_population_count3A_1016 = tpu.all_reduce %eq3A_1015 {dim = 0 : i64, kind = #tpu.reduction_kind<sum>} : vector<16xi1> -> vector<16xi32>
      %get3A_1017 = arith.constant 128 : index
      %get3A_1018 = tpu.vector_load %arg14[%get3A_1017] {strides = array<i32>} : memref<256xi32, #tpu.memory_space<vmem>>, vector<16xi32>,
      %add3A_1019 = arith.addi %get3A_1018, %all_reduce_population_count3A_1016 : vector<16xi32>
      %swap3A_1020 = arith.constant 128 : index
      %swap3A_1021 = tpu.vector_load %arg14[%swap3A_1020] {strides = array<i32>} : memref<256xi32, #tpu.memory_space<vmem>>, vector<16xi32>,
      tpu.vector_store %arg14[%swap3A_1020], %add3A_1019 {strides = array<i32>} : memref<256xi32, #tpu.memory_space<vmem>>, vector<16xi32>,
      %eq3A_1022 = arith.constant 1 : i32
      %eq3A_1023 = vector.broadcast %eq3A_1022 : i32 to vector<16xi32>
      %eq3A_1024 = arith.cmpi eq, %get3A_1012, %eq3A_1023 : vector<16xi32>
      %all_reduce_population_count3A_1025 = tpu.all_reduce %eq3A_1024 {dim = 0 : i64, kind = #tpu.reduction_kind<sum>} : vector<16xi1> -> vector<16xi32>
      %get3A_1026 = arith.constant 144 : index
      %get3A_1027 = tpu.vector_load %arg14[%get3A_1026] {strides = array<i32>} : memref<256xi32, #tpu.memory_space<vmem>>, vector<16xi32>,
      %add3A_1028 = arith.addi %get3A_1027, %all_reduce_population_count3A_1025 : vector<16xi32>
      %swap3A_1029 = arith.constant 144 : index
      %swap3A_1030 = tpu.vector_load %arg14[%swap3A_1029] {strides = array<i32>} : memref<256xi32, #tpu.memory_space<vmem>>, vector<16xi32>,
      tpu.vector_store %arg14[%swap3A_1029], %add3A_1028 {strides = array<i32>} : memref<256xi32, #tpu.memory_space<vmem>>, vector<16xi32>,
      %eq3A_1031 = arith.constant 2 : i32
      %eq3A_1032 = vector.broadcast %eq3A_1031 : i32 to vector<16xi32>
      %eq3A_1033 = arith.cmpi eq, %get3A_1012, %eq3A_1032 : vector<16xi32>
      %all_reduce_population_count3A_1034 = tpu.all_reduce %eq3A_1033 {dim = 0 : i64, kind = #tpu.reduction_kind<sum>} : vector<16xi1> -> vector<16xi32>
      %get3A_1035 = arith.constant 160 : index
      %get3A_1036 = tpu.vector_load %arg14[%get3A_1035] {strides = array<i32>} : memref<256xi32, #tpu.memory_space<vmem>>, vector<16xi32>,
      %add3A_1037 = arith.addi %get3A_1036, %all_reduce_population_count3A_1034 : vector<16xi32>
      %swap3A_1038 = arith.constant 160 : index
      %swap3A_1039 = tpu.vector_load %arg14[%swap3A_1038] {strides = array<i32>} : memref<256xi32, #tpu.memory_space<vmem>>, vector<16xi32>,
      tpu.vector_store %arg14[%swap3A_1038], %add3A_1037 {strides = array<i32>} : memref<256xi32, #tpu.memory_space<vmem>>, vector<16xi32>,
      %eq3A_1040 = arith.constant 3 : i32
      %eq3A_1041 = vector.broadcast %eq3A_1040 : i32 to vector<16xi32>
      %eq3A_1042 = arith.cmpi eq, %get3A_1012, %eq3A_1041 : vector<16xi32>
      %all_reduce_population_count3A_1043 = tpu.all_reduce %eq3A_1042 {dim = 0 : i64, kind = #tpu.reduction_kind<sum>} : vector<16xi1> -> vector<16xi32>
      %get3A_1044 = arith.constant 176 : index
      %get3A_1045 = tpu.vector_load %arg14[%get3A_1044] {strides = array<i32>} : memref<256xi32, #tpu.memory_space<vmem>>, vector<16xi32>,
      %add3A_1046 = arith.addi %get3A_1045, %all_reduce_population_count3A_1043 : vector<16xi32>
      %swap3A_1047 = arith.constant 176 : index
      %swap3A_1048 = tpu.vector_load %arg14[%swap3A_1047] {strides = array<i32>} : memref<256xi32, #tpu.memory_space<vmem>>, vector<16xi32>,
      tpu.vector_store %arg14[%swap3A_1047], %add3A_1046 {strides = array<i32>} : memref<256xi32, #tpu.memory_space<vmem>>, vector<16xi32>,
      %eq3A_1049 = arith.constant 4 : i32
      %eq3A_1050 = vector.broadcast %eq3A_1049 : i32 to vector<16xi32>
      %eq3A_1051 = arith.cmpi eq, %get3A_1012, %eq3A_1050 : vector<16xi32>
      %all_reduce_population_count3A_1052 = tpu.all_reduce %eq3A_1051 {dim = 0 : i64, kind = #tpu.reduction_kind<sum>} : vector<16xi1> -> vector<16xi32>
      %get3A_1053 = arith.constant 192 : index
      %get3A_1054 = tpu.vector_load %arg14[%get3A_1053] {strides = array<i32>} : memref<256xi32, #tpu.memory_space<vmem>>, vector<16xi32>,
      %add3A_1055 = arith.addi %get3A_1054, %all_reduce_population_count3A_1052 : vector<16xi32>
      %swap3A_1056 = arith.constant 192 : index
      %swap3A_1057 = tpu.vector_load %arg14[%swap3A_1056] {strides = array<i32>} : memref<256xi32, #tpu.memory_space<vmem>>, vector<16xi32>,
      tpu.vector_store %arg14[%swap3A_1056], %add3A_1055 {strides = array<i32>} : memref<256xi32, #tpu.memory_space<vmem>>, vector<16xi32>,
      %eq3A_1058 = arith.constant 5 : i32
      %eq3A_1059 = vector.broadcast %eq3A_1058 : i32 to vector<16xi32>
      %eq3A_1060 = arith.cmpi eq, %get3A_1012, %eq3A_1059 : vector<16xi32>
      %all_reduce_population_count3A_1061 = tpu.all_reduce %eq3A_1060 {dim = 0 : i64, kind = #tpu.reduction_kind<sum>} : vector<16xi1> -> vector<16xi32>
      %get3A_1062 = arith.constant 208 : index
      %get3A_1063 = tpu.vector_load %arg14[%get3A_1062] {strides = array<i32>} : memref<256xi32, #tpu.memory_space<vmem>>, vector<16xi32>,
      %add3A_1064 = arith.addi %get3A_1063, %all_reduce_population_count3A_1061 : vector<16xi32>
      %swap3A_1065 = arith.constant 208 : index
      %swap3A_1066 = tpu.vector_load %arg14[%swap3A_1065] {strides = array<i32>} : memref<256xi32, #tpu.memory_space<vmem>>, vector<16xi32>,
      tpu.vector_store %arg14[%swap3A_1065], %add3A_1064 {strides = array<i32>} : memref<256xi32, #tpu.memory_space<vmem>>, vector<16xi32>,
      %eq3A_1067 = arith.constant 6 : i32
      %eq3A_1068 = vector.broadcast %eq3A_1067 : i32 to vector<16xi32>
      %eq3A_1069 = arith.cmpi eq, %get3A_1012, %eq3A_1068 : vector<16xi32>
      %all_reduce_population_count3A_1070 = tpu.all_reduce %eq3A_1069 {dim = 0 : i64, kind = #tpu.reduction_kind<sum>} : vector<16xi1> -> vector<16xi32>
      %get3A_1071 = arith.constant 224 : index
      %get3A_1072 = tpu.vector_load %arg14[%get3A_1071] {strides = array<i32>} : memref<256xi32, #tpu.memory_space<vmem>>, vector<16xi32>,
      %add3A_1073 = arith.addi %get3A_1072, %all_reduce_population_count3A_1070 : vector<16xi32>
      %swap3A_1074 = arith.constant 224 : index
      %swap3A_1075 = tpu.vector_load %arg14[%swap3A_1074] {strides = array<i32>} : memref<256xi32, #tpu.memory_space<vmem>>, vector<16xi32>,
      tpu.vector_store %arg14[%swap3A_1074], %add3A_1073 {strides = array<i32>} : memref<256xi32, #tpu.memory_space<vmem>>, vector<16xi32>,
      %eq3A_1076 = arith.constant 7 : i32
      %eq3A_1077 = vector.broadcast %eq3A_1076 : i32 to vector<16xi32>
      %eq3A_1078 = arith.cmpi eq, %get3A_1012, %eq3A_1077 : vector<16xi32>
      %all_reduce_population_count3A_1079 = tpu.all_reduce %eq3A_1078 {dim = 0 : i64, kind = #tpu.reduction_kind<sum>} : vector<16xi1> -> vector<16xi32>
      %get3A_1080 = arith.constant 240 : index
      %get3A_1081 = tpu.vector_load %arg14[%get3A_1080] {strides = array<i32>} : memref<256xi32, #tpu.memory_space<vmem>>, vector<16xi32>,
      %add3A_1082 = arith.addi %get3A_1081, %all_reduce_population_count3A_1079 : vector<16xi32>
      %swap3A_1083 = arith.constant 240 : index
      %swap3A_1084 = tpu.vector_load %arg14[%swap3A_1083] {strides = array<i32>} : memref<256xi32, #tpu.memory_space<vmem>>, vector<16xi32>,
      tpu.vector_store %arg14[%swap3A_1083], %add3A_1082 {strides = array<i32>} : memref<256xi32, #tpu.memory_space<vmem>>, vector<16xi32>,
      %while3A_1085 = arith.constant 0 : i32
      scf.yield %while3A_1085 : i32
    }
    %while3A_60 = arith.constant 1 : i32
    %while3A_61 = scf.for %while3A_1007 = %while3A_57 to %while3A_53 step %while3A_60 iter_args(%while3A_1008 = %while3A_59) -> (i32)  : i32 {
      %mul3A_1009 = arith.constant 16 : i32
      %mul3A_1010 = arith.muli %while3A_1007, %mul3A_1009 : i32
      %get3A_1011 = arith.index_cast %mul3A_1010 : i32 to index
      %get3A_1012 = tpu.vector_load %arg9[%get3A_1011] {strides = array<i32>} : memref<2048xi32, #tpu.memory_space<vmem>>, vector<16xi32>,
      %eq3A_1013 = arith.constant 0 : i32
      %eq3A_1014 = vector.broadcast %eq3A_1013 : i32 to vector<16xi32>
      %eq3A_1015 = arith.cmpi eq, %get3A_1012, %eq3A_1014 : vector<16xi32>
      %all_reduce_population_count3A_1016 = tpu.all_reduce %eq3A_1015 {dim = 0 : i64, kind = #tpu.reduction_kind<sum>} : vector<16xi1> -> vector<16xi32>
      %get3A_1017 = arith.constant 128 : index
      %get3A_1018 = tpu.vector_load %arg14[%get3A_1017] {strides = array<i32>} : memref<256xi32, #tpu.memory_space<vmem>>, vector<16xi32>,
      %add3A_1019 = arith.addi %get3A_1018, %all_reduce_population_count3A_1016 : vector<16xi32>
      %swap3A_1020 = arith.constant 128 : index
      %swap3A_1021 = tpu.vector_load %arg14[%swap3A_1020] {strides = array<i32>} : memref<256xi32, #tpu.memory_space<vmem>>, vector<16xi32>,
      tpu.vector_store %arg14[%swap3A_1020], %add3A_1019 {strides = array<i32>} : memref<256xi32, #tpu.memory_space<vmem>>, vector<16xi32>,
      %eq3A_1022 = arith.constant 1 : i32
      %eq3A_1023 = vector.broadcast %eq3A_1022 : i32 to vector<16xi32>
      %eq3A_1024 = arith.cmpi eq, %get3A_1012, %eq3A_1023 : vector<16xi32>
      %all_reduce_population_count3A_1025 = tpu.all_reduce %eq3A_1024 {dim = 0 : i64, kind = #tpu.reduction_kind<sum>} : vector<16xi1> -> vector<16xi32>
      %get3A_1026 = arith.constant 144 : index
      %get3A_1027 = tpu.vector_load %arg14[%get3A_1026] {strides = array<i32>} : memref<256xi32, #tpu.memory_space<vmem>>, vector<16xi32>,
      %add3A_1028 = arith.addi %get3A_1027, %all_reduce_population_count3A_1025 : vector<16xi32>
      %swap3A_1029 = arith.constant 144 : index
      %swap3A_1030 = tpu.vector_load %arg14[%swap3A_1029] {strides = array<i32>} : memref<256xi32, #tpu.memory_space<vmem>>, vector<16xi32>,
      tpu.vector_store %arg14[%swap3A_1029], %add3A_1028 {strides = array<i32>} : memref<256xi32, #tpu.memory_space<vmem>>, vector<16xi32>,
      %eq3A_1031 = arith.constant 2 : i32
      %eq3A_1032 = vector.broadcast %eq3A_1031 : i32 to vector<16xi32>
      %eq3A_1033 = arith.cmpi eq, %get3A_1012, %eq3A_1032 : vector<16xi32>
      %all_reduce_population_count3A_1034 = tpu.all_reduce %eq3A_1033 {dim = 0 : i64, kind = #tpu.reduction_kind<sum>} : vector<16xi1> -> vector<16xi32>
      %get3A_1035 = arith.constant 160 : index
      %get3A_1036 = tpu.vector_load %arg14[%get3A_1035] {strides = array<i32>} : memref<256xi32, #tpu.memory_space<vmem>>, vector<16xi32>,
      %add3A_1037 = arith.addi %get3A_1036, %all_reduce_population_count3A_1034 : vector<16xi32>
      %swap3A_1038 = arith.constant 160 : index
      %swap3A_1039 = tpu.vector_load %arg14[%swap3A_1038] {strides = array<i32>} : memref<256xi32, #tpu.memory_space<vmem>>, vector<16xi32>,
      tpu.vector_store %arg14[%swap3A_1038], %add3A_1037 {strides = array<i32>} : memref<256xi32, #tpu.memory_space<vmem>>, vector<16xi32>,
      %eq3A_1040 = arith.constant 3 : i32
      %eq3A_1041 = vector.broadcast %eq3A_1040 : i32 to vector<16xi32>
      %eq3A_1042 = arith.cmpi eq, %get3A_1012, %eq3A_1041 : vector<16xi32>
      %all_reduce_population_count3A_1043 = tpu.all_reduce %eq3A_1042 {dim = 0 : i64, kind = #tpu.reduction_kind<sum>} : vector<16xi1> -> vector<16xi32>
      %get3A_1044 = arith.constant 176 : index
      %get3A_1045 = tpu.vector_load %arg14[%get3A_1044] {strides = array<i32>} : memref<256xi32, #tpu.memory_space<vmem>>, vector<16xi32>,
      %add3A_1046 = arith.addi %get3A_1045, %all_reduce_population_count3A_1043 : vector<16xi32>
      %swap3A_1047 = arith.constant 176 : index
      %swap3A_1048 = tpu.vector_load %arg14[%swap3A_1047] {strides = array<i32>} : memref<256xi32, #tpu.memory_space<vmem>>, vector<16xi32>,
      tpu.vector_store %arg14[%swap3A_1047], %add3A_1046 {strides = array<i32>} : memref<256xi32, #tpu.memory_space<vmem>>, vector<16xi32>,
      %eq3A_1049 = arith.constant 4 : i32
      %eq3A_1050 = vector.broadcast %eq3A_1049 : i32 to vector<16xi32>
      %eq3A_1051 = arith.cmpi eq, %get3A_1012, %eq3A_1050 : vector<16xi32>
      %all_reduce_population_count3A_1052 = tpu.all_reduce %eq3A_1051 {dim = 0 : i64, kind = #tpu.reduction_kind<sum>} : vector<16xi1> -> vector<16xi32>
      %get3A_1053 = arith.constant 192 : index
      %get3A_1054 = tpu.vector_load %arg14[%get3A_1053] {strides = array<i32>} : memref<256xi32, #tpu.memory_space<vmem>>, vector<16xi32>,
      %add3A_1055 = arith.addi %get3A_1054, %all_reduce_population_count3A_1052 : vector<16xi32>
      %swap3A_1056 = arith.constant 192 : index
      %swap3A_1057 = tpu.vector_load %arg14[%swap3A_1056] {strides = array<i32>} : memref<256xi32, #tpu.memory_space<vmem>>, vector<16xi32>,
      tpu.vector_store %arg14[%swap3A_1056], %add3A_1055 {strides = array<i32>} : memref<256xi32, #tpu.memory_space<vmem>>, vector<16xi32>,
      %eq3A_1058 = arith.constant 5 : i32
      %eq3A_1059 = vector.broadcast %eq3A_1058 : i32 to vector<16xi32>
      %eq3A_1060 = arith.cmpi eq, %get3A_1012, %eq3A_1059 : vector<16xi32>
      %all_reduce_population_count3A_1061 = tpu.all_reduce %eq3A_1060 {dim = 0 : i64, kind = #tpu.reduction_kind<sum>} : vector<16xi1> -> vector<16xi32>
      %get3A_1062 = arith.constant 208 : index
      %get3A_1063 = tpu.vector_load %arg14[%get3A_1062] {strides = array<i32>} : memref<256xi32, #tpu.memory_space<vmem>>, vector<16xi32>,
      %add3A_1064 = arith.addi %get3A_1063, %all_reduce_population_count3A_1061 : vector<16xi32>
      %swap3A_1065 = arith.constant 208 : index
      %swap3A_1066 = tpu.vector_load %arg14[%swap3A_1065] {strides = array<i32>} : memref<256xi32, #tpu.memory_space<vmem>>, vector<16xi32>,
      tpu.vector_store %arg14[%swap3A_1065], %add3A_1064 {strides = array<i32>} : memref<256xi32, #tpu.memory_space<vmem>>, vector<16xi32>,
      %eq3A_1067 = arith.constant 6 : i32
      %eq3A_1068 = vector.broadcast %eq3A_1067 : i32 to vector<16xi32>
      %eq3A_1069 = arith.cmpi eq, %get3A_1012, %eq3A_1068 : vector<16xi32>
      %all_reduce_population_count3A_1070 = tpu.all_reduce %eq3A_1069 {dim = 0 : i64, kind = #tpu.reduction_kind<sum>} : vector<16xi1> -> vector<16xi32>
      %get3A_1071 = arith.constant 224 : index
      %get3A_1072 = tpu.vector_load %arg14[%get3A_1071] {strides = array<i32>} : memref<256xi32, #tpu.memory_space<vmem>>, vector<16xi32>,
      %add3A_1073 = arith.addi %get3A_1072, %all_reduce_population_count3A_1070 : vector<16xi32>
      %swap3A_1074 = arith.constant 224 : index
      %swap3A_1075 = tpu.vector_load %arg14[%swap3A_1074] {strides = array<i32>} : memref<256xi32, #tpu.memory_space<vmem>>, vector<16xi32>,
      tpu.vector_store %arg14[%swap3A_1074], %add3A_1073 {strides = array<i32>} : memref<256xi32, #tpu.memory_space<vmem>>, vector<16xi32>,
      %eq3A_1076 = arith.constant 7 : i32
      %eq3A_1077 = vector.broadcast %eq3A_1076 : i32 to vector<16xi32>
      %eq3A_1078 = arith.cmpi eq, %get3A_1012, %eq3A_1077 : vector<16xi32>
      %all_reduce_population_count3A_1079 = tpu.all_reduce %eq3A_1078 {dim = 0 : i64, kind = #tpu.reduction_kind<sum>} : vector<16xi1> -> vector<16xi32>
      %get3A_1080 = arith.constant 240 : index
      %get3A_1081 = tpu.vector_load %arg14[%get3A_1080] {strides = array<i32>} : memref<256xi32, #tpu.memory_space<vmem>>, vector<16xi32>,
      %add3A_1082 = arith.addi %get3A_1081, %all_reduce_population_count3A_1079 : vector<16xi32>
      %swap3A_1083 = arith.constant 240 : index
      %swap3A_1084 = tpu.vector_load %arg14[%swap3A_1083] {strides = array<i32>} : memref<256xi32, #tpu.memory_space<vmem>>, vector<16xi32>,
      tpu.vector_store %arg14[%swap3A_1083], %add3A_1082 {strides = array<i32>} : memref<256xi32, #tpu.memory_space<vmem>>, vector<16xi32>,
      %while3A_1085 = arith.constant 0 : i32
      scf.yield %while3A_1085 : i32
    }
    %get3A = arith.constant 0 : index
    %get3A_62 = tpu.vector_load %arg14[%get3A] {strides = array<i32>} : memref<256xi32, #tpu.memory_space<vmem>>, vector<16xi32>,
    %get3A_63 = arith.constant 16 : index
    %get3A_64 = tpu.vector_load %arg14[%get3A_63] {strides = array<i32>} : memref<256xi32, #tpu.memory_space<vmem>>, vector<16xi32>,
    %get3A_65 = arith.constant 32 : index
    %get3A_66 = tpu.vector_load %arg14[%get3A_65] {strides = array<i32>} : memref<256xi32, #tpu.memory_space<vmem>>, vector<16xi32>,
    %get3A_67 = arith.constant 48 : index
    %get3A_68 = tpu.vector_load %arg14[%get3A_67] {strides = array<i32>} : memref<256xi32, #tpu.memory_space<vmem>>, vector<16xi32>,
    %get3A_69 = arith.constant 64 : index
    %get3A_70 = tpu.vector_load %arg14[%get3A_69] {strides = array<i32>} : memref<256xi32, #tpu.memory_space<vmem>>, vector<16xi32>,
    %get3A_71 = arith.constant 80 : index
    %get3A_72 = tpu.vector_load %arg14[%get3A_71] {strides = array<i32>} : memref<256xi32, #tpu.memory_space<vmem>>, vector<16xi32>,
    %get3A_73 = arith.constant 96 : index
    %get3A_74 = tpu.vector_load %arg14[%get3A_73] {strides = array<i32>} : memref<256xi32, #tpu.memory_space<vmem>>, vector<16xi32>,
    %get3A_75 = arith.constant 112 : index
    %get3A_76 = tpu.vector_load %arg14[%get3A_75] {strides = array<i32>} : memref<256xi32, #tpu.memory_space<vmem>>, vector<16xi32>,
    %get3A_77 = arith.constant 128 : index
    %get3A_78 = tpu.vector_load %arg14[%get3A_77] {strides = array<i32>} : memref<256xi32, #tpu.memory_space<vmem>>, vector<16xi32>,
    %add3A_79 = arith.addi %get3A_62, %get3A_78 : vector<16xi32>
    %get3A_80 = arith.constant 144 : index
    %get3A_81 = tpu.vector_load %arg14[%get3A_80] {strides = array<i32>} : memref<256xi32, #tpu.memory_space<vmem>>, vector<16xi32>,
    %add3A_82 = arith.addi %get3A_64, %get3A_81 : vector<16xi32>
    %get3A_83 = arith.constant 160 : index
    %get3A_84 = tpu.vector_load %arg14[%get3A_83] {strides = array<i32>} : memref<256xi32, #tpu.memory_space<vmem>>, vector<16xi32>,
    %add3A_85 = arith.addi %get3A_66, %get3A_84 : vector<16xi32>
    %get3A_86 = arith.constant 176 : index
    %get3A_87 = tpu.vector_load %arg14[%get3A_86] {strides = array<i32>} : memref<256xi32, #tpu.memory_space<vmem>>, vector<16xi32>,
    %add3A_88 = arith.addi %get3A_68, %get3A_87 : vector<16xi32>
    %get3A_89 = arith.constant 192 : index
    %get3A_90 = tpu.vector_load %arg14[%get3A_89] {strides = array<i32>} : memref<256xi32, #tpu.memory_space<vmem>>, vector<16xi32>,
    %add3A_91 = arith.addi %get3A_70, %get3A_90 : vector<16xi32>
    %get3A_92 = arith.constant 208 : index
    %get3A_93 = tpu.vector_load %arg14[%get3A_92] {strides = array<i32>} : memref<256xi32, #tpu.memory_space<vmem>>, vector<16xi32>,
    %add3A_94 = arith.addi %get3A_72, %get3A_93 : vector<16xi32>
    %get3A_95 = arith.constant 224 : index
    %get3A_96 = tpu.vector_load %arg14[%get3A_95] {strides = array<i32>} : memref<256xi32, #tpu.memory_space<vmem>>, vector<16xi32>,
    %add3A_97 = arith.addi %get3A_74, %get3A_96 : vector<16xi32>
    %get3A_98 = arith.constant 240 : index
    %get3A_99 = tpu.vector_load %arg14[%get3A_98] {strides = array<i32>} : memref<256xi32, #tpu.memory_space<vmem>>, vector<16xi32>,
    %add3A_100 = arith.addi %get3A_76, %get3A_99 : vector<16xi32>
    %add3A_101 = arith.constant 127 : i32
    %add3A_102 = vector.broadcast %add3A_101 : i32 to vector<16xi32>
    %add3A_103 = arith.addi %add3A_79, %add3A_102 : vector<16xi32>
    %jit3A = arith.constant 128 : i32
    %div3A = vector.broadcast %jit3A : i32 to vector<16xi32>
    %div3A_104 = arith.divsi %add3A_103, %div3A : vector<16xi32>
    %sign3A = arith.constant 0 : i32
    %sign3A_105 = vector.broadcast %sign3A : i32 to vector<16xi32>
    %sign3A_106 = arith.cmpi sgt, %add3A_103, %sign3A_105 : vector<16xi32>
    %sign3A_107 = arith.extui %sign3A_106 : vector<16xi1> to vector<16xi32>
    %sign3A_108 = arith.constant 0 : i32
    %sign3A_109 = vector.broadcast %sign3A_108 : i32 to vector<16xi32>
    %sign3A_110 = arith.cmpi slt, %add3A_103, %sign3A_109 : vector<16xi32>
    %sign3A_111 = arith.extui %sign3A_110 : vector<16xi1> to vector<16xi32>
    %sign3A_112 = arith.subi %sign3A_107, %sign3A_111 : vector<16xi32>
    %sign3A_113 = arith.constant 0 : i32
    %sign3A_114 = arith.cmpi sgt, %jit3A, %sign3A_113 : i32
    %sign3A_115 = arith.extui %sign3A_114 : i1 to i32
    %sign3A_116 = arith.constant 0 : i32
    %sign3A_117 = arith.cmpi slt, %jit3A, %sign3A_116 : i32
    %sign3A_118 = arith.extui %sign3A_117 : i1 to i32
    %sign3A_119 = arith.subi %sign3A_115, %sign3A_118 : i32
    %ne3A = vector.broadcast %sign3A_119 : i32 to vector<16xi32>
    %ne3A_120 = arith.cmpi ne, %sign3A_112, %ne3A : vector<16xi32>
    %rem3A = vector.broadcast %jit3A : i32 to vector<16xi32>
    %rem3A_121 = arith.remsi %add3A_103, %rem3A : vector<16xi32>
    %ne3A_122 = arith.constant 0 : i32
    %ne3A_123 = vector.broadcast %ne3A_122 : i32 to vector<16xi32>
    %ne3A_124 = arith.cmpi ne, %rem3A_121, %ne3A_123 : vector<16xi32>
    %and3A = arith.andi %ne3A_120, %ne3A_124 : vector<16xi1>
    %sub3A = arith.constant 1 : i32
    %sub3A_125 = vector.broadcast %sub3A : i32 to vector<16xi32>
    %sub3A_126 = arith.subi %div3A_104, %sub3A_125 : vector<16xi32>
    %select_n3A = arith.select %and3A, %sub3A_126, %div3A_104 : vector<16xi1>, vector<16xi32>
    %mul3A_127 = arith.constant 128 : i32
    %mul3A_128 = vector.broadcast %mul3A_127 : i32 to vector<16xi32>
    %mul3A_129 = arith.muli %select_n3A, %mul3A_128 : vector<16xi32>
    %add3A_130 = arith.addi %broadcast_in_dim3A_3, %mul3A_129 : vector<16xi32>
    %add3A_131 = arith.constant 127 : i32
    %add3A_132 = vector.broadcast %add3A_131 : i32 to vector<16xi32>
    %add3A_133 = arith.addi %add3A_82, %add3A_132 : vector<16xi32>
    %jit3A_134 = arith.constant 128 : i32
    %div3A_135 = vector.broadcast %jit3A_134 : i32 to vector<16xi32>
    %div3A_136 = arith.divsi %add3A_133, %div3A_135 : vector<16xi32>
    %sign3A_137 = arith.constant 0 : i32
    %sign3A_138 = vector.broadcast %sign3A_137 : i32 to vector<16xi32>
    %sign3A_139 = arith.cmpi sgt, %add3A_133, %sign3A_138 : vector<16xi32>
    %sign3A_140 = arith.extui %sign3A_139 : vector<16xi1> to vector<16xi32>
    %sign3A_141 = arith.constant 0 : i32
    %sign3A_142 = vector.broadcast %sign3A_141 : i32 to vector<16xi32>
    %sign3A_143 = arith.cmpi slt, %add3A_133, %sign3A_142 : vector<16xi32>
    %sign3A_144 = arith.extui %sign3A_143 : vector<16xi1> to vector<16xi32>
    %sign3A_145 = arith.subi %sign3A_140, %sign3A_144 : vector<16xi32>
    %sign3A_146 = arith.constant 0 : i32
    %sign3A_147 = arith.cmpi sgt, %jit3A_134, %sign3A_146 : i32
    %sign3A_148 = arith.extui %sign3A_147 : i1 to i32
    %sign3A_149 = arith.constant 0 : i32
    %sign3A_150 = arith.cmpi slt, %jit3A_134, %sign3A_149 : i32
    %sign3A_151 = arith.extui %sign3A_150 : i1 to i32
    %sign3A_152 = arith.subi %sign3A_148, %sign3A_151 : i32
    %ne3A_153 = vector.broadcast %sign3A_152 : i32 to vector<16xi32>
    %ne3A_154 = arith.cmpi ne, %sign3A_145, %ne3A_153 : vector<16xi32>
    %rem3A_155 = vector.broadcast %jit3A_134 : i32 to vector<16xi32>
    %rem3A_156 = arith.remsi %add3A_133, %rem3A_155 : vector<16xi32>
    %ne3A_157 = arith.constant 0 : i32
    %ne3A_158 = vector.broadcast %ne3A_157 : i32 to vector<16xi32>
    %ne3A_159 = arith.cmpi ne, %rem3A_156, %ne3A_158 : vector<16xi32>
    %and3A_160 = arith.andi %ne3A_154, %ne3A_159 : vector<16xi1>
    %sub3A_161 = arith.constant 1 : i32
    %sub3A_162 = vector.broadcast %sub3A_161 : i32 to vector<16xi32>
    %sub3A_163 = arith.subi %div3A_136, %sub3A_162 : vector<16xi32>
    %select_n3A_164 = arith.select %and3A_160, %sub3A_163, %div3A_136 : vector<16xi1>, vector<16xi32>
    %mul3A_165 = arith.constant 128 : i32
    %mul3A_166 = vector.broadcast %mul3A_165 : i32 to vector<16xi32>
    %mul3A_167 = arith.muli %select_n3A_164, %mul3A_166 : vector<16xi32>
    %add3A_168 = arith.addi %add3A_130, %mul3A_167 : vector<16xi32>
    %add3A_169 = arith.constant 127 : i32
    %add3A_170 = vector.broadcast %add3A_169 : i32 to vector<16xi32>
    %add3A_171 = arith.addi %add3A_85, %add3A_170 : vector<16xi32>
    %jit3A_172 = arith.constant 128 : i32
    %div3A_173 = vector.broadcast %jit3A_172 : i32 to vector<16xi32>
    %div3A_174 = arith.divsi %add3A_171, %div3A_173 : vector<16xi32>
    %sign3A_175 = arith.constant 0 : i32
    %sign3A_176 = vector.broadcast %sign3A_175 : i32 to vector<16xi32>
    %sign3A_177 = arith.cmpi sgt, %add3A_171, %sign3A_176 : vector<16xi32>
    %sign3A_178 = arith.extui %sign3A_177 : vector<16xi1> to vector<16xi32>
    %sign3A_179 = arith.constant 0 : i32
    %sign3A_180 = vector.broadcast %sign3A_179 : i32 to vector<16xi32>
    %sign3A_181 = arith.cmpi slt, %add3A_171, %sign3A_180 : vector<16xi32>
    %sign3A_182 = arith.extui %sign3A_181 : vector<16xi1> to vector<16xi32>
    %sign3A_183 = arith.subi %sign3A_178, %sign3A_182 : vector<16xi32>
    %sign3A_184 = arith.constant 0 : i32
    %sign3A_185 = arith.cmpi sgt, %jit3A_172, %sign3A_184 : i32
    %sign3A_186 = arith.extui %sign3A_185 : i1 to i32
    %sign3A_187 = arith.constant 0 : i32
    %sign3A_188 = arith.cmpi slt, %jit3A_172, %sign3A_187 : i32
    %sign3A_189 = arith.extui %sign3A_188 : i1 to i32
    %sign3A_190 = arith.subi %sign3A_186, %sign3A_189 : i32
    %ne3A_191 = vector.broadcast %sign3A_190 : i32 to vector<16xi32>
    %ne3A_192 = arith.cmpi ne, %sign3A_183, %ne3A_191 : vector<16xi32>
    %rem3A_193 = vector.broadcast %jit3A_172 : i32 to vector<16xi32>
    %rem3A_194 = arith.remsi %add3A_171, %rem3A_193 : vector<16xi32>
    %ne3A_195 = arith.constant 0 : i32
    %ne3A_196 = vector.broadcast %ne3A_195 : i32 to vector<16xi32>
    %ne3A_197 = arith.cmpi ne, %rem3A_194, %ne3A_196 : vector<16xi32>
    %and3A_198 = arith.andi %ne3A_192, %ne3A_197 : vector<16xi1>
    %sub3A_199 = arith.constant 1 : i32
    %sub3A_200 = vector.broadcast %sub3A_199 : i32 to vector<16xi32>
    %sub3A_201 = arith.subi %div3A_174, %sub3A_200 : vector<16xi32>
    %select_n3A_202 = arith.select %and3A_198, %sub3A_201, %div3A_174 : vector<16xi1>, vector<16xi32>
    %mul3A_203 = arith.constant 128 : i32
    %mul3A_204 = vector.broadcast %mul3A_203 : i32 to vector<16xi32>
    %mul3A_205 = arith.muli %select_n3A_202, %mul3A_204 : vector<16xi32>
    %add3A_206 = arith.addi %add3A_168, %mul3A_205 : vector<16xi32>
    %add3A_207 = arith.constant 127 : i32
    %add3A_208 = vector.broadcast %add3A_207 : i32 to vector<16xi32>
    %add3A_209 = arith.addi %add3A_88, %add3A_208 : vector<16xi32>
    %jit3A_210 = arith.constant 128 : i32
    %div3A_211 = vector.broadcast %jit3A_210 : i32 to vector<16xi32>
    %div3A_212 = arith.divsi %add3A_209, %div3A_211 : vector<16xi32>
    %sign3A_213 = arith.constant 0 : i32
    %sign3A_214 = vector.broadcast %sign3A_213 : i32 to vector<16xi32>
    %sign3A_215 = arith.cmpi sgt, %add3A_209, %sign3A_214 : vector<16xi32>
    %sign3A_216 = arith.extui %sign3A_215 : vector<16xi1> to vector<16xi32>
    %sign3A_217 = arith.constant 0 : i32
    %sign3A_218 = vector.broadcast %sign3A_217 : i32 to vector<16xi32>
    %sign3A_219 = arith.cmpi slt, %add3A_209, %sign3A_218 : vector<16xi32>
    %sign3A_220 = arith.extui %sign3A_219 : vector<16xi1> to vector<16xi32>
    %sign3A_221 = arith.subi %sign3A_216, %sign3A_220 : vector<16xi32>
    %sign3A_222 = arith.constant 0 : i32
    %sign3A_223 = arith.cmpi sgt, %jit3A_210, %sign3A_222 : i32
    %sign3A_224 = arith.extui %sign3A_223 : i1 to i32
    %sign3A_225 = arith.constant 0 : i32
    %sign3A_226 = arith.cmpi slt, %jit3A_210, %sign3A_225 : i32
    %sign3A_227 = arith.extui %sign3A_226 : i1 to i32
    %sign3A_228 = arith.subi %sign3A_224, %sign3A_227 : i32
    %ne3A_229 = vector.broadcast %sign3A_228 : i32 to vector<16xi32>
    %ne3A_230 = arith.cmpi ne, %sign3A_221, %ne3A_229 : vector<16xi32>
    %rem3A_231 = vector.broadcast %jit3A_210 : i32 to vector<16xi32>
    %rem3A_232 = arith.remsi %add3A_209, %rem3A_231 : vector<16xi32>
    %ne3A_233 = arith.constant 0 : i32
    %ne3A_234 = vector.broadcast %ne3A_233 : i32 to vector<16xi32>
    %ne3A_235 = arith.cmpi ne, %rem3A_232, %ne3A_234 : vector<16xi32>
    %and3A_236 = arith.andi %ne3A_230, %ne3A_235 : vector<16xi1>
    %sub3A_237 = arith.constant 1 : i32
    %sub3A_238 = vector.broadcast %sub3A_237 : i32 to vector<16xi32>
    %sub3A_239 = arith.subi %div3A_212, %sub3A_238 : vector<16xi32>
    %select_n3A_240 = arith.select %and3A_236, %sub3A_239, %div3A_212 : vector<16xi1>, vector<16xi32>
    %mul3A_241 = arith.constant 128 : i32
    %mul3A_242 = vector.broadcast %mul3A_241 : i32 to vector<16xi32>
    %mul3A_243 = arith.muli %select_n3A_240, %mul3A_242 : vector<16xi32>
    %add3A_244 = arith.addi %add3A_206, %mul3A_243 : vector<16xi32>
    %add3A_245 = arith.constant 127 : i32
    %add3A_246 = vector.broadcast %add3A_245 : i32 to vector<16xi32>
    %add3A_247 = arith.addi %add3A_91, %add3A_246 : vector<16xi32>
    %jit3A_248 = arith.constant 128 : i32
    %div3A_249 = vector.broadcast %jit3A_248 : i32 to vector<16xi32>
    %div3A_250 = arith.divsi %add3A_247, %div3A_249 : vector<16xi32>
    %sign3A_251 = arith.constant 0 : i32
    %sign3A_252 = vector.broadcast %sign3A_251 : i32 to vector<16xi32>
    %sign3A_253 = arith.cmpi sgt, %add3A_247, %sign3A_252 : vector<16xi32>
    %sign3A_254 = arith.extui %sign3A_253 : vector<16xi1> to vector<16xi32>
    %sign3A_255 = arith.constant 0 : i32
    %sign3A_256 = vector.broadcast %sign3A_255 : i32 to vector<16xi32>
    %sign3A_257 = arith.cmpi slt, %add3A_247, %sign3A_256 : vector<16xi32>
    %sign3A_258 = arith.extui %sign3A_257 : vector<16xi1> to vector<16xi32>
    %sign3A_259 = arith.subi %sign3A_254, %sign3A_258 : vector<16xi32>
    %sign3A_260 = arith.constant 0 : i32
    %sign3A_261 = arith.cmpi sgt, %jit3A_248, %sign3A_260 : i32
    %sign3A_262 = arith.extui %sign3A_261 : i1 to i32
    %sign3A_263 = arith.constant 0 : i32
    %sign3A_264 = arith.cmpi slt, %jit3A_248, %sign3A_263 : i32
    %sign3A_265 = arith.extui %sign3A_264 : i1 to i32
    %sign3A_266 = arith.subi %sign3A_262, %sign3A_265 : i32
    %ne3A_267 = vector.broadcast %sign3A_266 : i32 to vector<16xi32>
    %ne3A_268 = arith.cmpi ne, %sign3A_259, %ne3A_267 : vector<16xi32>
    %rem3A_269 = vector.broadcast %jit3A_248 : i32 to vector<16xi32>
    %rem3A_270 = arith.remsi %add3A_247, %rem3A_269 : vector<16xi32>
    %ne3A_271 = arith.constant 0 : i32
    %ne3A_272 = vector.broadcast %ne3A_271 : i32 to vector<16xi32>
    %ne3A_273 = arith.cmpi ne, %rem3A_270, %ne3A_272 : vector<16xi32>
    %and3A_274 = arith.andi %ne3A_268, %ne3A_273 : vector<16xi1>
    %sub3A_275 = arith.constant 1 : i32
    %sub3A_276 = vector.broadcast %sub3A_275 : i32 to vector<16xi32>
    %sub3A_277 = arith.subi %div3A_250, %sub3A_276 : vector<16xi32>
    %select_n3A_278 = arith.select %and3A_274, %sub3A_277, %div3A_250 : vector<16xi1>, vector<16xi32>
    %mul3A_279 = arith.constant 128 : i32
    %mul3A_280 = vector.broadcast %mul3A_279 : i32 to vector<16xi32>
    %mul3A_281 = arith.muli %select_n3A_278, %mul3A_280 : vector<16xi32>
    %add3A_282 = arith.addi %add3A_244, %mul3A_281 : vector<16xi32>
    %add3A_283 = arith.constant 127 : i32
    %add3A_284 = vector.broadcast %add3A_283 : i32 to vector<16xi32>
    %add3A_285 = arith.addi %add3A_94, %add3A_284 : vector<16xi32>
    %jit3A_286 = arith.constant 128 : i32
    %div3A_287 = vector.broadcast %jit3A_286 : i32 to vector<16xi32>
    %div3A_288 = arith.divsi %add3A_285, %div3A_287 : vector<16xi32>
    %sign3A_289 = arith.constant 0 : i32
    %sign3A_290 = vector.broadcast %sign3A_289 : i32 to vector<16xi32>
    %sign3A_291 = arith.cmpi sgt, %add3A_285, %sign3A_290 : vector<16xi32>
    %sign3A_292 = arith.extui %sign3A_291 : vector<16xi1> to vector<16xi32>
    %sign3A_293 = arith.constant 0 : i32
    %sign3A_294 = vector.broadcast %sign3A_293 : i32 to vector<16xi32>
    %sign3A_295 = arith.cmpi slt, %add3A_285, %sign3A_294 : vector<16xi32>
    %sign3A_296 = arith.extui %sign3A_295 : vector<16xi1> to vector<16xi32>
    %sign3A_297 = arith.subi %sign3A_292, %sign3A_296 : vector<16xi32>
    %sign3A_298 = arith.constant 0 : i32
    %sign3A_299 = arith.cmpi sgt, %jit3A_286, %sign3A_298 : i32
    %sign3A_300 = arith.extui %sign3A_299 : i1 to i32
    %sign3A_301 = arith.constant 0 : i32
    %sign3A_302 = arith.cmpi slt, %jit3A_286, %sign3A_301 : i32
    %sign3A_303 = arith.extui %sign3A_302 : i1 to i32
    %sign3A_304 = arith.subi %sign3A_300, %sign3A_303 : i32
    %ne3A_305 = vector.broadcast %sign3A_304 : i32 to vector<16xi32>
    %ne3A_306 = arith.cmpi ne, %sign3A_297, %ne3A_305 : vector<16xi32>
    %rem3A_307 = vector.broadcast %jit3A_286 : i32 to vector<16xi32>
    %rem3A_308 = arith.remsi %add3A_285, %rem3A_307 : vector<16xi32>
    %ne3A_309 = arith.constant 0 : i32
    %ne3A_310 = vector.broadcast %ne3A_309 : i32 to vector<16xi32>
    %ne3A_311 = arith.cmpi ne, %rem3A_308, %ne3A_310 : vector<16xi32>
    %and3A_312 = arith.andi %ne3A_306, %ne3A_311 : vector<16xi1>
    %sub3A_313 = arith.constant 1 : i32
    %sub3A_314 = vector.broadcast %sub3A_313 : i32 to vector<16xi32>
    %sub3A_315 = arith.subi %div3A_288, %sub3A_314 : vector<16xi32>
    %select_n3A_316 = arith.select %and3A_312, %sub3A_315, %div3A_288 : vector<16xi1>, vector<16xi32>
    %mul3A_317 = arith.constant 128 : i32
    %mul3A_318 = vector.broadcast %mul3A_317 : i32 to vector<16xi32>
    %mul3A_319 = arith.muli %select_n3A_316, %mul3A_318 : vector<16xi32>
    %add3A_320 = arith.addi %add3A_282, %mul3A_319 : vector<16xi32>
    %add3A_321 = arith.constant 127 : i32
    %add3A_322 = vector.broadcast %add3A_321 : i32 to vector<16xi32>
    %add3A_323 = arith.addi %add3A_97, %add3A_322 : vector<16xi32>
    %jit3A_324 = arith.constant 128 : i32
    %div3A_325 = vector.broadcast %jit3A_324 : i32 to vector<16xi32>
    %div3A_326 = arith.divsi %add3A_323, %div3A_325 : vector<16xi32>
    %sign3A_327 = arith.constant 0 : i32
    %sign3A_328 = vector.broadcast %sign3A_327 : i32 to vector<16xi32>
    %sign3A_329 = arith.cmpi sgt, %add3A_323, %sign3A_328 : vector<16xi32>
    %sign3A_330 = arith.extui %sign3A_329 : vector<16xi1> to vector<16xi32>
    %sign3A_331 = arith.constant 0 : i32
    %sign3A_332 = vector.broadcast %sign3A_331 : i32 to vector<16xi32>
    %sign3A_333 = arith.cmpi slt, %add3A_323, %sign3A_332 : vector<16xi32>
    %sign3A_334 = arith.extui %sign3A_333 : vector<16xi1> to vector<16xi32>
    %sign3A_335 = arith.subi %sign3A_330, %sign3A_334 : vector<16xi32>
    %sign3A_336 = arith.constant 0 : i32
    %sign3A_337 = arith.cmpi sgt, %jit3A_324, %sign3A_336 : i32
    %sign3A_338 = arith.extui %sign3A_337 : i1 to i32
    %sign3A_339 = arith.constant 0 : i32
    %sign3A_340 = arith.cmpi slt, %jit3A_324, %sign3A_339 : i32
    %sign3A_341 = arith.extui %sign3A_340 : i1 to i32
    %sign3A_342 = arith.subi %sign3A_338, %sign3A_341 : i32
    %ne3A_343 = vector.broadcast %sign3A_342 : i32 to vector<16xi32>
    %ne3A_344 = arith.cmpi ne, %sign3A_335, %ne3A_343 : vector<16xi32>
    %rem3A_345 = vector.broadcast %jit3A_324 : i32 to vector<16xi32>
    %rem3A_346 = arith.remsi %add3A_323, %rem3A_345 : vector<16xi32>
    %ne3A_347 = arith.constant 0 : i32
    %ne3A_348 = vector.broadcast %ne3A_347 : i32 to vector<16xi32>
    %ne3A_349 = arith.cmpi ne, %rem3A_346, %ne3A_348 : vector<16xi32>
    %and3A_350 = arith.andi %ne3A_344, %ne3A_349 : vector<16xi1>
    %sub3A_351 = arith.constant 1 : i32
    %sub3A_352 = vector.broadcast %sub3A_351 : i32 to vector<16xi32>
    %sub3A_353 = arith.subi %div3A_326, %sub3A_352 : vector<16xi32>
    %select_n3A_354 = arith.select %and3A_350, %sub3A_353, %div3A_326 : vector<16xi1>, vector<16xi32>
    %mul3A_355 = arith.constant 128 : i32
    %mul3A_356 = vector.broadcast %mul3A_355 : i32 to vector<16xi32>
    %mul3A_357 = arith.muli %select_n3A_354, %mul3A_356 : vector<16xi32>
    %add3A_358 = arith.addi %add3A_320, %mul3A_357 : vector<16xi32>
    %add3A_359 = arith.constant 127 : i32
    %add3A_360 = vector.broadcast %add3A_359 : i32 to vector<16xi32>
    %add3A_361 = arith.addi %add3A_100, %add3A_360 : vector<16xi32>
    %jit3A_362 = arith.constant 128 : i32
    %div3A_363 = vector.broadcast %jit3A_362 : i32 to vector<16xi32>
    %div3A_364 = arith.divsi %add3A_361, %div3A_363 : vector<16xi32>
    %sign3A_365 = arith.constant 0 : i32
    %sign3A_366 = vector.broadcast %sign3A_365 : i32 to vector<16xi32>
    %sign3A_367 = arith.cmpi sgt, %add3A_361, %sign3A_366 : vector<16xi32>
    %sign3A_368 = arith.extui %sign3A_367 : vector<16xi1> to vector<16xi32>
    %sign3A_369 = arith.constant 0 : i32
    %sign3A_370 = vector.broadcast %sign3A_369 : i32 to vector<16xi32>
    %sign3A_371 = arith.cmpi slt, %add3A_361, %sign3A_370 : vector<16xi32>
    %sign3A_372 = arith.extui %sign3A_371 : vector<16xi1> to vector<16xi32>
    %sign3A_373 = arith.subi %sign3A_368, %sign3A_372 : vector<16xi32>
    %sign3A_374 = arith.constant 0 : i32
    %sign3A_375 = arith.cmpi sgt, %jit3A_362, %sign3A_374 : i32
    %sign3A_376 = arith.extui %sign3A_375 : i1 to i32
    %sign3A_377 = arith.constant 0 : i32
    %sign3A_378 = arith.cmpi slt, %jit3A_362, %sign3A_377 : i32
    %sign3A_379 = arith.extui %sign3A_378 : i1 to i32
    %sign3A_380 = arith.subi %sign3A_376, %sign3A_379 : i32
    %ne3A_381 = vector.broadcast %sign3A_380 : i32 to vector<16xi32>
    %ne3A_382 = arith.cmpi ne, %sign3A_373, %ne3A_381 : vector<16xi32>
    %rem3A_383 = vector.broadcast %jit3A_362 : i32 to vector<16xi32>
    %rem3A_384 = arith.remsi %add3A_361, %rem3A_383 : vector<16xi32>
    %ne3A_385 = arith.constant 0 : i32
    %ne3A_386 = vector.broadcast %ne3A_385 : i32 to vector<16xi32>
    %ne3A_387 = arith.cmpi ne, %rem3A_384, %ne3A_386 : vector<16xi32>
    %and3A_388 = arith.andi %ne3A_382, %ne3A_387 : vector<16xi1>
    %sub3A_389 = arith.constant 1 : i32
    %sub3A_390 = vector.broadcast %sub3A_389 : i32 to vector<16xi32>
    %sub3A_391 = arith.subi %div3A_364, %sub3A_390 : vector<16xi32>
    %select_n3A_392 = arith.select %and3A_388, %sub3A_391, %div3A_364 : vector<16xi1>, vector<16xi32>
    %mul3A_393 = arith.constant 128 : i32
    %mul3A_394 = vector.broadcast %mul3A_393 : i32 to vector<16xi32>
    %mul3A_395 = arith.muli %select_n3A_392, %mul3A_394 : vector<16xi32>
    %add3A_396 = arith.addi %add3A_358, %mul3A_395 : vector<16xi32>
    %add3A_397 = arith.constant 0 : i32
    %add3A_398 = arith.addi %mul3A_2, %add3A_397 : i32
    %get3A_399 = arith.index_cast %add3A_398 : i32 to index
    %get3A_400 = tpu.vector_load %arg9[%get3A_399] {strides = array<i32>} : memref<2048xi32, #tpu.memory_space<vmem>>, vector<16xi32>,
    %eq3A = arith.constant 0 : i32
    %eq3A_401 = vector.broadcast %eq3A : i32 to vector<16xi32>
    %eq3A_402 = arith.cmpi eq, %get3A_400, %eq3A_401 : vector<16xi32>
    %convert_element_type3A = arith.extui %eq3A_402 : vector<16xi1> to vector<16xi32>
    %cumsum3A = arith.constant true
    %cumsum3A_403 = vector.broadcast %cumsum3A : i1 to vector<16xi1>
    %cumsum3A_404 = tpu.scan <sum>, %convert_element_type3A masked %cumsum3A_403 : vector<16xi32>, vector<16xi1> -> vector<16xi32>
    %add3A_405 = arith.addi %broadcast_in_dim3A_3, %get3A_62 : vector<16xi32>
    %add3A_406 = arith.addi %add3A_405, %broadcast_in_dim3A_3 : vector<16xi32>
    %mul3A_407 = arith.muli %convert_element_type3A, %add3A_406 : vector<16xi32>
    %add3A_408 = arith.addi %broadcast_in_dim3A_3, %mul3A_407 : vector<16xi32>
    %sub3A_409 = arith.constant 1 : i32
    %sub3A_410 = vector.broadcast %sub3A_409 : i32 to vector<16xi32>
    %sub3A_411 = arith.subi %cumsum3A_404, %sub3A_410 : vector<16xi32>
    %mul3A_412 = arith.muli %convert_element_type3A, %sub3A_411 : vector<16xi32>
    %add3A_413 = arith.addi %add3A_408, %mul3A_412 : vector<16xi32>
    %all_reduce_population_count3A = tpu.all_reduce %eq3A_402 {dim = 0 : i64, kind = #tpu.reduction_kind<sum>} : vector<16xi1> -> vector<16xi32>
    %add3A_414 = arith.addi %broadcast_in_dim3A_3, %all_reduce_population_count3A : vector<16xi32>
    %eq3A_415 = arith.constant 1 : i32
    %eq3A_416 = vector.broadcast %eq3A_415 : i32 to vector<16xi32>
    %eq3A_417 = arith.cmpi eq, %get3A_400, %eq3A_416 : vector<16xi32>
    %convert_element_type3A_418 = arith.extui %eq3A_417 : vector<16xi1> to vector<16xi32>
    %cumsum3A_419 = arith.constant true
    %cumsum3A_420 = vector.broadcast %cumsum3A_419 : i1 to vector<16xi1>
    %cumsum3A_421 = tpu.scan <sum>, %convert_element_type3A_418 masked %cumsum3A_420 : vector<16xi32>, vector<16xi1> -> vector<16xi32>
    %add3A_422 = arith.addi %add3A_130, %get3A_64 : vector<16xi32>
    %add3A_423 = arith.addi %add3A_422, %broadcast_in_dim3A_3 : vector<16xi32>
    %mul3A_424 = arith.muli %convert_element_type3A_418, %add3A_423 : vector<16xi32>
    %add3A_425 = arith.addi %add3A_413, %mul3A_424 : vector<16xi32>
    %sub3A_426 = arith.constant 1 : i32
    %sub3A_427 = vector.broadcast %sub3A_426 : i32 to vector<16xi32>
    %sub3A_428 = arith.subi %cumsum3A_421, %sub3A_427 : vector<16xi32>
    %mul3A_429 = arith.muli %convert_element_type3A_418, %sub3A_428 : vector<16xi32>
    %add3A_430 = arith.addi %add3A_425, %mul3A_429 : vector<16xi32>
    %all_reduce_population_count3A_431 = tpu.all_reduce %eq3A_417 {dim = 0 : i64, kind = #tpu.reduction_kind<sum>} : vector<16xi1> -> vector<16xi32>
    %add3A_432 = arith.addi %broadcast_in_dim3A_3, %all_reduce_population_count3A_431 : vector<16xi32>
    %eq3A_433 = arith.constant 2 : i32
    %eq3A_434 = vector.broadcast %eq3A_433 : i32 to vector<16xi32>
    %eq3A_435 = arith.cmpi eq, %get3A_400, %eq3A_434 : vector<16xi32>
    %convert_element_type3A_436 = arith.extui %eq3A_435 : vector<16xi1> to vector<16xi32>
    %cumsum3A_437 = arith.constant true
    %cumsum3A_438 = vector.broadcast %cumsum3A_437 : i1 to vector<16xi1>
    %cumsum3A_439 = tpu.scan <sum>, %convert_element_type3A_436 masked %cumsum3A_438 : vector<16xi32>, vector<16xi1> -> vector<16xi32>
    %add3A_440 = arith.addi %add3A_168, %get3A_66 : vector<16xi32>
    %add3A_441 = arith.addi %add3A_440, %broadcast_in_dim3A_3 : vector<16xi32>
    %mul3A_442 = arith.muli %convert_element_type3A_436, %add3A_441 : vector<16xi32>
    %add3A_443 = arith.addi %add3A_430, %mul3A_442 : vector<16xi32>
    %sub3A_444 = arith.constant 1 : i32
    %sub3A_445 = vector.broadcast %sub3A_444 : i32 to vector<16xi32>
    %sub3A_446 = arith.subi %cumsum3A_439, %sub3A_445 : vector<16xi32>
    %mul3A_447 = arith.muli %convert_element_type3A_436, %sub3A_446 : vector<16xi32>
    %add3A_448 = arith.addi %add3A_443, %mul3A_447 : vector<16xi32>
    %all_reduce_population_count3A_449 = tpu.all_reduce %eq3A_435 {dim = 0 : i64, kind = #tpu.reduction_kind<sum>} : vector<16xi1> -> vector<16xi32>
    %add3A_450 = arith.addi %broadcast_in_dim3A_3, %all_reduce_population_count3A_449 : vector<16xi32>
    %eq3A_451 = arith.constant 3 : i32
    %eq3A_452 = vector.broadcast %eq3A_451 : i32 to vector<16xi32>
    %eq3A_453 = arith.cmpi eq, %get3A_400, %eq3A_452 : vector<16xi32>
    %convert_element_type3A_454 = arith.extui %eq3A_453 : vector<16xi1> to vector<16xi32>
    %cumsum3A_455 = arith.constant true
    %cumsum3A_456 = vector.broadcast %cumsum3A_455 : i1 to vector<16xi1>
    %cumsum3A_457 = tpu.scan <sum>, %convert_element_type3A_454 masked %cumsum3A_456 : vector<16xi32>, vector<16xi1> -> vector<16xi32>
    %add3A_458 = arith.addi %add3A_206, %get3A_68 : vector<16xi32>
    %add3A_459 = arith.addi %add3A_458, %broadcast_in_dim3A_3 : vector<16xi32>
    %mul3A_460 = arith.muli %convert_element_type3A_454, %add3A_459 : vector<16xi32>
    %add3A_461 = arith.addi %add3A_448, %mul3A_460 : vector<16xi32>
    %sub3A_462 = arith.constant 1 : i32
    %sub3A_463 = vector.broadcast %sub3A_462 : i32 to vector<16xi32>
    %sub3A_464 = arith.subi %cumsum3A_457, %sub3A_463 : vector<16xi32>
    %mul3A_465 = arith.muli %convert_element_type3A_454, %sub3A_464 : vector<16xi32>
    %add3A_466 = arith.addi %add3A_461, %mul3A_465 : vector<16xi32>
    %all_reduce_population_count3A_467 = tpu.all_reduce %eq3A_453 {dim = 0 : i64, kind = #tpu.reduction_kind<sum>} : vector<16xi1> -> vector<16xi32>
    %add3A_468 = arith.addi %broadcast_in_dim3A_3, %all_reduce_population_count3A_467 : vector<16xi32>
    %eq3A_469 = arith.constant 4 : i32
    %eq3A_470 = vector.broadcast %eq3A_469 : i32 to vector<16xi32>
    %eq3A_471 = arith.cmpi eq, %get3A_400, %eq3A_470 : vector<16xi32>
    %convert_element_type3A_472 = arith.extui %eq3A_471 : vector<16xi1> to vector<16xi32>
    %cumsum3A_473 = arith.constant true
    %cumsum3A_474 = vector.broadcast %cumsum3A_473 : i1 to vector<16xi1>
    %cumsum3A_475 = tpu.scan <sum>, %convert_element_type3A_472 masked %cumsum3A_474 : vector<16xi32>, vector<16xi1> -> vector<16xi32>
    %add3A_476 = arith.addi %add3A_244, %get3A_70 : vector<16xi32>
    %add3A_477 = arith.addi %add3A_476, %broadcast_in_dim3A_3 : vector<16xi32>
    %mul3A_478 = arith.muli %convert_element_type3A_472, %add3A_477 : vector<16xi32>
    %add3A_479 = arith.addi %add3A_466, %mul3A_478 : vector<16xi32>
    %sub3A_480 = arith.constant 1 : i32
    %sub3A_481 = vector.broadcast %sub3A_480 : i32 to vector<16xi32>
    %sub3A_482 = arith.subi %cumsum3A_475, %sub3A_481 : vector<16xi32>
    %mul3A_483 = arith.muli %convert_element_type3A_472, %sub3A_482 : vector<16xi32>
    %add3A_484 = arith.addi %add3A_479, %mul3A_483 : vector<16xi32>
    %all_reduce_population_count3A_485 = tpu.all_reduce %eq3A_471 {dim = 0 : i64, kind = #tpu.reduction_kind<sum>} : vector<16xi1> -> vector<16xi32>
    %add3A_486 = arith.addi %broadcast_in_dim3A_3, %all_reduce_population_count3A_485 : vector<16xi32>
    %eq3A_487 = arith.constant 5 : i32
    %eq3A_488 = vector.broadcast %eq3A_487 : i32 to vector<16xi32>
    %eq3A_489 = arith.cmpi eq, %get3A_400, %eq3A_488 : vector<16xi32>
    %convert_element_type3A_490 = arith.extui %eq3A_489 : vector<16xi1> to vector<16xi32>
    %cumsum3A_491 = arith.constant true
    %cumsum3A_492 = vector.broadcast %cumsum3A_491 : i1 to vector<16xi1>
    %cumsum3A_493 = tpu.scan <sum>, %convert_element_type3A_490 masked %cumsum3A_492 : vector<16xi32>, vector<16xi1> -> vector<16xi32>
    %add3A_494 = arith.addi %add3A_282, %get3A_72 : vector<16xi32>
    %add3A_495 = arith.addi %add3A_494, %broadcast_in_dim3A_3 : vector<16xi32>
    %mul3A_496 = arith.muli %convert_element_type3A_490, %add3A_495 : vector<16xi32>
    %add3A_497 = arith.addi %add3A_484, %mul3A_496 : vector<16xi32>
    %sub3A_498 = arith.constant 1 : i32
    %sub3A_499 = vector.broadcast %sub3A_498 : i32 to vector<16xi32>
    %sub3A_500 = arith.subi %cumsum3A_493, %sub3A_499 : vector<16xi32>
    %mul3A_501 = arith.muli %convert_element_type3A_490, %sub3A_500 : vector<16xi32>
    %add3A_502 = arith.addi %add3A_497, %mul3A_501 : vector<16xi32>
    %all_reduce_population_count3A_503 = tpu.all_reduce %eq3A_489 {dim = 0 : i64, kind = #tpu.reduction_kind<sum>} : vector<16xi1> -> vector<16xi32>
    %add3A_504 = arith.addi %broadcast_in_dim3A_3, %all_reduce_population_count3A_503 : vector<16xi32>
    %eq3A_505 = arith.constant 6 : i32
    %eq3A_506 = vector.broadcast %eq3A_505 : i32 to vector<16xi32>
    %eq3A_507 = arith.cmpi eq, %get3A_400, %eq3A_506 : vector<16xi32>
    %convert_element_type3A_508 = arith.extui %eq3A_507 : vector<16xi1> to vector<16xi32>
    %cumsum3A_509 = arith.constant true
    %cumsum3A_510 = vector.broadcast %cumsum3A_509 : i1 to vector<16xi1>
    %cumsum3A_511 = tpu.scan <sum>, %convert_element_type3A_508 masked %cumsum3A_510 : vector<16xi32>, vector<16xi1> -> vector<16xi32>
    %add3A_512 = arith.addi %add3A_320, %get3A_74 : vector<16xi32>
    %add3A_513 = arith.addi %add3A_512, %broadcast_in_dim3A_3 : vector<16xi32>
    %mul3A_514 = arith.muli %convert_element_type3A_508, %add3A_513 : vector<16xi32>
    %add3A_515 = arith.addi %add3A_502, %mul3A_514 : vector<16xi32>
    %sub3A_516 = arith.constant 1 : i32
    %sub3A_517 = vector.broadcast %sub3A_516 : i32 to vector<16xi32>
    %sub3A_518 = arith.subi %cumsum3A_511, %sub3A_517 : vector<16xi32>
    %mul3A_519 = arith.muli %convert_element_type3A_508, %sub3A_518 : vector<16xi32>
    %add3A_520 = arith.addi %add3A_515, %mul3A_519 : vector<16xi32>
    %all_reduce_population_count3A_521 = tpu.all_reduce %eq3A_507 {dim = 0 : i64, kind = #tpu.reduction_kind<sum>} : vector<16xi1> -> vector<16xi32>
    %add3A_522 = arith.addi %broadcast_in_dim3A_3, %all_reduce_population_count3A_521 : vector<16xi32>
    %eq3A_523 = arith.constant 7 : i32
    %eq3A_524 = vector.broadcast %eq3A_523 : i32 to vector<16xi32>
    %eq3A_525 = arith.cmpi eq, %get3A_400, %eq3A_524 : vector<16xi32>
    %convert_element_type3A_526 = arith.extui %eq3A_525 : vector<16xi1> to vector<16xi32>
    %cumsum3A_527 = arith.constant true
    %cumsum3A_528 = vector.broadcast %cumsum3A_527 : i1 to vector<16xi1>
    %cumsum3A_529 = tpu.scan <sum>, %convert_element_type3A_526 masked %cumsum3A_528 : vector<16xi32>, vector<16xi1> -> vector<16xi32>
    %add3A_530 = arith.addi %add3A_358, %get3A_76 : vector<16xi32>
    %add3A_531 = arith.addi %add3A_530, %broadcast_in_dim3A_3 : vector<16xi32>
    %mul3A_532 = arith.muli %convert_element_type3A_526, %add3A_531 : vector<16xi32>
    %add3A_533 = arith.addi %add3A_520, %mul3A_532 : vector<16xi32>
    %sub3A_534 = arith.constant 1 : i32
    %sub3A_535 = vector.broadcast %sub3A_534 : i32 to vector<16xi32>
    %sub3A_536 = arith.subi %cumsum3A_529, %sub3A_535 : vector<16xi32>
    %mul3A_537 = arith.muli %convert_element_type3A_526, %sub3A_536 : vector<16xi32>
    %add3A_538 = arith.addi %add3A_533, %mul3A_537 : vector<16xi32>
    %all_reduce_population_count3A_539 = tpu.all_reduce %eq3A_525 {dim = 0 : i64, kind = #tpu.reduction_kind<sum>} : vector<16xi1> -> vector<16xi32>
    %add3A_540 = arith.addi %broadcast_in_dim3A_3, %all_reduce_population_count3A_539 : vector<16xi32>
    %swap3A_541 = arith.constant 0 : index
    %swap3A_542 = tpu.vector_load %arg10[%swap3A_541] {strides = array<i32>} : memref<64xi32, #tpu.memory_space<vmem>>, vector<16xi32>,
    tpu.vector_store %arg10[%swap3A_541], %add3A_538 {strides = array<i32>} : memref<64xi32, #tpu.memory_space<vmem>>, vector<16xi32>,
    %add3A_543 = arith.constant 16 : i32
    %add3A_544 = arith.addi %mul3A_2, %add3A_543 : i32
    %get3A_545 = arith.index_cast %add3A_544 : i32 to index
    %get3A_546 = tpu.vector_load %arg9[%get3A_545] {strides = array<i32>} : memref<2048xi32, #tpu.memory_space<vmem>>, vector<16xi32>,
    %eq3A_547 = arith.constant 0 : i32
    %eq3A_548 = vector.broadcast %eq3A_547 : i32 to vector<16xi32>
    %eq3A_549 = arith.cmpi eq, %get3A_546, %eq3A_548 : vector<16xi32>
    %convert_element_type3A_550 = arith.extui %eq3A_549 : vector<16xi1> to vector<16xi32>
    %cumsum3A_551 = arith.constant true
    %cumsum3A_552 = vector.broadcast %cumsum3A_551 : i1 to vector<16xi1>
    %cumsum3A_553 = tpu.scan <sum>, %convert_element_type3A_550 masked %cumsum3A_552 : vector<16xi32>, vector<16xi1> -> vector<16xi32>
    %add3A_554 = arith.addi %broadcast_in_dim3A_3, %get3A_62 : vector<16xi32>
    %add3A_555 = arith.addi %add3A_554, %add3A_414 : vector<16xi32>
    %mul3A_556 = arith.muli %convert_element_type3A_550, %add3A_555 : vector<16xi32>
    %add3A_557 = arith.addi %broadcast_in_dim3A_3, %mul3A_556 : vector<16xi32>
    %sub3A_558 = arith.constant 1 : i32
    %sub3A_559 = vector.broadcast %sub3A_558 : i32 to vector<16xi32>
    %sub3A_560 = arith.subi %cumsum3A_553, %sub3A_559 : vector<16xi32>
    %mul3A_561 = arith.muli %convert_element_type3A_550, %sub3A_560 : vector<16xi32>
    %add3A_562 = arith.addi %add3A_557, %mul3A_561 : vector<16xi32>
    %all_reduce_population_count3A_563 = tpu.all_reduce %eq3A_549 {dim = 0 : i64, kind = #tpu.reduction_kind<sum>} : vector<16xi1> -> vector<16xi32>
    %add3A_564 = arith.addi %add3A_414, %all_reduce_population_count3A_563 : vector<16xi32>
    %eq3A_565 = arith.constant 1 : i32
    %eq3A_566 = vector.broadcast %eq3A_565 : i32 to vector<16xi32>
    %eq3A_567 = arith.cmpi eq, %get3A_546, %eq3A_566 : vector<16xi32>
    %convert_element_type3A_568 = arith.extui %eq3A_567 : vector<16xi1> to vector<16xi32>
    %cumsum3A_569 = arith.constant true
    %cumsum3A_570 = vector.broadcast %cumsum3A_569 : i1 to vector<16xi1>
    %cumsum3A_571 = tpu.scan <sum>, %convert_element_type3A_568 masked %cumsum3A_570 : vector<16xi32>, vector<16xi1> -> vector<16xi32>
    %add3A_572 = arith.addi %add3A_130, %get3A_64 : vector<16xi32>
    %add3A_573 = arith.addi %add3A_572, %add3A_432 : vector<16xi32>
    %mul3A_574 = arith.muli %convert_element_type3A_568, %add3A_573 : vector<16xi32>
    %add3A_575 = arith.addi %add3A_562, %mul3A_574 : vector<16xi32>
    %sub3A_576 = arith.constant 1 : i32
    %sub3A_577 = vector.broadcast %sub3A_576 : i32 to vector<16xi32>
    %sub3A_578 = arith.subi %cumsum3A_571, %sub3A_577 : vector<16xi32>
    %mul3A_579 = arith.muli %convert_element_type3A_568, %sub3A_578 : vector<16xi32>
    %add3A_580 = arith.addi %add3A_575, %mul3A_579 : vector<16xi32>
    %all_reduce_population_count3A_581 = tpu.all_reduce %eq3A_567 {dim = 0 : i64, kind = #tpu.reduction_kind<sum>} : vector<16xi1> -> vector<16xi32>
    %add3A_582 = arith.addi %add3A_432, %all_reduce_population_count3A_581 : vector<16xi32>
    %eq3A_583 = arith.constant 2 : i32
    %eq3A_584 = vector.broadcast %eq3A_583 : i32 to vector<16xi32>
    %eq3A_585 = arith.cmpi eq, %get3A_546, %eq3A_584 : vector<16xi32>
    %convert_element_type3A_586 = arith.extui %eq3A_585 : vector<16xi1> to vector<16xi32>
    %cumsum3A_587 = arith.constant true
    %cumsum3A_588 = vector.broadcast %cumsum3A_587 : i1 to vector<16xi1>
    %cumsum3A_589 = tpu.scan <sum>, %convert_element_type3A_586 masked %cumsum3A_588 : vector<16xi32>, vector<16xi1> -> vector<16xi32>
    %add3A_590 = arith.addi %add3A_168, %get3A_66 : vector<16xi32>
    %add3A_591 = arith.addi %add3A_590, %add3A_450 : vector<16xi32>
    %mul3A_592 = arith.muli %convert_element_type3A_586, %add3A_591 : vector<16xi32>
    %add3A_593 = arith.addi %add3A_580, %mul3A_592 : vector<16xi32>
    %sub3A_594 = arith.constant 1 : i32
    %sub3A_595 = vector.broadcast %sub3A_594 : i32 to vector<16xi32>
    %sub3A_596 = arith.subi %cumsum3A_589, %sub3A_595 : vector<16xi32>
    %mul3A_597 = arith.muli %convert_element_type3A_586, %sub3A_596 : vector<16xi32>
    %add3A_598 = arith.addi %add3A_593, %mul3A_597 : vector<16xi32>
    %all_reduce_population_count3A_599 = tpu.all_reduce %eq3A_585 {dim = 0 : i64, kind = #tpu.reduction_kind<sum>} : vector<16xi1> -> vector<16xi32>
    %add3A_600 = arith.addi %add3A_450, %all_reduce_population_count3A_599 : vector<16xi32>
    %eq3A_601 = arith.constant 3 : i32
    %eq3A_602 = vector.broadcast %eq3A_601 : i32 to vector<16xi32>
    %eq3A_603 = arith.cmpi eq, %get3A_546, %eq3A_602 : vector<16xi32>
    %convert_element_type3A_604 = arith.extui %eq3A_603 : vector<16xi1> to vector<16xi32>
    %cumsum3A_605 = arith.constant true
    %cumsum3A_606 = vector.broadcast %cumsum3A_605 : i1 to vector<16xi1>
    %cumsum3A_607 = tpu.scan <sum>, %convert_element_type3A_604 masked %cumsum3A_606 : vector<16xi32>, vector<16xi1> -> vector<16xi32>
    %add3A_608 = arith.addi %add3A_206, %get3A_68 : vector<16xi32>
    %add3A_609 = arith.addi %add3A_608, %add3A_468 : vector<16xi32>
    %mul3A_610 = arith.muli %convert_element_type3A_604, %add3A_609 : vector<16xi32>
    %add3A_611 = arith.addi %add3A_598, %mul3A_610 : vector<16xi32>
    %sub3A_612 = arith.constant 1 : i32
    %sub3A_613 = vector.broadcast %sub3A_612 : i32 to vector<16xi32>
    %sub3A_614 = arith.subi %cumsum3A_607, %sub3A_613 : vector<16xi32>
    %mul3A_615 = arith.muli %convert_element_type3A_604, %sub3A_614 : vector<16xi32>
    %add3A_616 = arith.addi %add3A_611, %mul3A_615 : vector<16xi32>
    %all_reduce_population_count3A_617 = tpu.all_reduce %eq3A_603 {dim = 0 : i64, kind = #tpu.reduction_kind<sum>} : vector<16xi1> -> vector<16xi32>
    %add3A_618 = arith.addi %add3A_468, %all_reduce_population_count3A_617 : vector<16xi32>
    %eq3A_619 = arith.constant 4 : i32
    %eq3A_620 = vector.broadcast %eq3A_619 : i32 to vector<16xi32>
    %eq3A_621 = arith.cmpi eq, %get3A_546, %eq3A_620 : vector<16xi32>
    %convert_element_type3A_622 = arith.extui %eq3A_621 : vector<16xi1> to vector<16xi32>
    %cumsum3A_623 = arith.constant true
    %cumsum3A_624 = vector.broadcast %cumsum3A_623 : i1 to vector<16xi1>
    %cumsum3A_625 = tpu.scan <sum>, %convert_element_type3A_622 masked %cumsum3A_624 : vector<16xi32>, vector<16xi1> -> vector<16xi32>
    %add3A_626 = arith.addi %add3A_244, %get3A_70 : vector<16xi32>
    %add3A_627 = arith.addi %add3A_626, %add3A_486 : vector<16xi32>
    %mul3A_628 = arith.muli %convert_element_type3A_622, %add3A_627 : vector<16xi32>
    %add3A_629 = arith.addi %add3A_616, %mul3A_628 : vector<16xi32>
    %sub3A_630 = arith.constant 1 : i32
    %sub3A_631 = vector.broadcast %sub3A_630 : i32 to vector<16xi32>
    %sub3A_632 = arith.subi %cumsum3A_625, %sub3A_631 : vector<16xi32>
    %mul3A_633 = arith.muli %convert_element_type3A_622, %sub3A_632 : vector<16xi32>
    %add3A_634 = arith.addi %add3A_629, %mul3A_633 : vector<16xi32>
    %all_reduce_population_count3A_635 = tpu.all_reduce %eq3A_621 {dim = 0 : i64, kind = #tpu.reduction_kind<sum>} : vector<16xi1> -> vector<16xi32>
    %add3A_636 = arith.addi %add3A_486, %all_reduce_population_count3A_635 : vector<16xi32>
    %eq3A_637 = arith.constant 5 : i32
    %eq3A_638 = vector.broadcast %eq3A_637 : i32 to vector<16xi32>
    %eq3A_639 = arith.cmpi eq, %get3A_546, %eq3A_638 : vector<16xi32>
    %convert_element_type3A_640 = arith.extui %eq3A_639 : vector<16xi1> to vector<16xi32>
    %cumsum3A_641 = arith.constant true
    %cumsum3A_642 = vector.broadcast %cumsum3A_641 : i1 to vector<16xi1>
    %cumsum3A_643 = tpu.scan <sum>, %convert_element_type3A_640 masked %cumsum3A_642 : vector<16xi32>, vector<16xi1> -> vector<16xi32>
    %add3A_644 = arith.addi %add3A_282, %get3A_72 : vector<16xi32>
    %add3A_645 = arith.addi %add3A_644, %add3A_504 : vector<16xi32>
    %mul3A_646 = arith.muli %convert_element_type3A_640, %add3A_645 : vector<16xi32>
    %add3A_647 = arith.addi %add3A_634, %mul3A_646 : vector<16xi32>
    %sub3A_648 = arith.constant 1 : i32
    %sub3A_649 = vector.broadcast %sub3A_648 : i32 to vector<16xi32>
    %sub3A_650 = arith.subi %cumsum3A_643, %sub3A_649 : vector<16xi32>
    %mul3A_651 = arith.muli %convert_element_type3A_640, %sub3A_650 : vector<16xi32>
    %add3A_652 = arith.addi %add3A_647, %mul3A_651 : vector<16xi32>
    %all_reduce_population_count3A_653 = tpu.all_reduce %eq3A_639 {dim = 0 : i64, kind = #tpu.reduction_kind<sum>} : vector<16xi1> -> vector<16xi32>
    %add3A_654 = arith.addi %add3A_504, %all_reduce_population_count3A_653 : vector<16xi32>
    %eq3A_655 = arith.constant 6 : i32
    %eq3A_656 = vector.broadcast %eq3A_655 : i32 to vector<16xi32>
    %eq3A_657 = arith.cmpi eq, %get3A_546, %eq3A_656 : vector<16xi32>
    %convert_element_type3A_658 = arith.extui %eq3A_657 : vector<16xi1> to vector<16xi32>
    %cumsum3A_659 = arith.constant true
    %cumsum3A_660 = vector.broadcast %cumsum3A_659 : i1 to vector<16xi1>
    %cumsum3A_661 = tpu.scan <sum>, %convert_element_type3A_658 masked %cumsum3A_660 : vector<16xi32>, vector<16xi1> -> vector<16xi32>
    %add3A_662 = arith.addi %add3A_320, %get3A_74 : vector<16xi32>
    %add3A_663 = arith.addi %add3A_662, %add3A_522 : vector<16xi32>
    %mul3A_664 = arith.muli %convert_element_type3A_658, %add3A_663 : vector<16xi32>
    %add3A_665 = arith.addi %add3A_652, %mul3A_664 : vector<16xi32>
    %sub3A_666 = arith.constant 1 : i32
    %sub3A_667 = vector.broadcast %sub3A_666 : i32 to vector<16xi32>
    %sub3A_668 = arith.subi %cumsum3A_661, %sub3A_667 : vector<16xi32>
    %mul3A_669 = arith.muli %convert_element_type3A_658, %sub3A_668 : vector<16xi32>
    %add3A_670 = arith.addi %add3A_665, %mul3A_669 : vector<16xi32>
    %all_reduce_population_count3A_671 = tpu.all_reduce %eq3A_657 {dim = 0 : i64, kind = #tpu.reduction_kind<sum>} : vector<16xi1> -> vector<16xi32>
    %add3A_672 = arith.addi %add3A_522, %all_reduce_population_count3A_671 : vector<16xi32>
    %eq3A_673 = arith.constant 7 : i32
    %eq3A_674 = vector.broadcast %eq3A_673 : i32 to vector<16xi32>
    %eq3A_675 = arith.cmpi eq, %get3A_546, %eq3A_674 : vector<16xi32>
    %convert_element_type3A_676 = arith.extui %eq3A_675 : vector<16xi1> to vector<16xi32>
    %cumsum3A_677 = arith.constant true
    %cumsum3A_678 = vector.broadcast %cumsum3A_677 : i1 to vector<16xi1>
    %cumsum3A_679 = tpu.scan <sum>, %convert_element_type3A_676 masked %cumsum3A_678 : vector<16xi32>, vector<16xi1> -> vector<16xi32>
    %add3A_680 = arith.addi %add3A_358, %get3A_76 : vector<16xi32>
    %add3A_681 = arith.addi %add3A_680, %add3A_540 : vector<16xi32>
    %mul3A_682 = arith.muli %convert_element_type3A_676, %add3A_681 : vector<16xi32>
    %add3A_683 = arith.addi %add3A_670, %mul3A_682 : vector<16xi32>
    %sub3A_684 = arith.constant 1 : i32
    %sub3A_685 = vector.broadcast %sub3A_684 : i32 to vector<16xi32>
    %sub3A_686 = arith.subi %cumsum3A_679, %sub3A_685 : vector<16xi32>
    %mul3A_687 = arith.muli %convert_element_type3A_676, %sub3A_686 : vector<16xi32>
    %add3A_688 = arith.addi %add3A_683, %mul3A_687 : vector<16xi32>
    %all_reduce_population_count3A_689 = tpu.all_reduce %eq3A_675 {dim = 0 : i64, kind = #tpu.reduction_kind<sum>} : vector<16xi1> -> vector<16xi32>
    %add3A_690 = arith.addi %add3A_540, %all_reduce_population_count3A_689 : vector<16xi32>
    %swap3A_691 = arith.constant 16 : index
    %swap3A_692 = tpu.vector_load %arg10[%swap3A_691] {strides = array<i32>} : memref<64xi32, #tpu.memory_space<vmem>>, vector<16xi32>,
    tpu.vector_store %arg10[%swap3A_691], %add3A_688 {strides = array<i32>} : memref<64xi32, #tpu.memory_space<vmem>>, vector<16xi32>,
    %add3A_693 = arith.constant 32 : i32
    %add3A_694 = arith.addi %mul3A_2, %add3A_693 : i32
    %get3A_695 = arith.index_cast %add3A_694 : i32 to index
    %get3A_696 = tpu.vector_load %arg9[%get3A_695] {strides = array<i32>} : memref<2048xi32, #tpu.memory_space<vmem>>, vector<16xi32>,
    %eq3A_697 = arith.constant 0 : i32
    %eq3A_698 = vector.broadcast %eq3A_697 : i32 to vector<16xi32>
    %eq3A_699 = arith.cmpi eq, %get3A_696, %eq3A_698 : vector<16xi32>
    %convert_element_type3A_700 = arith.extui %eq3A_699 : vector<16xi1> to vector<16xi32>
    %cumsum3A_701 = arith.constant true
    %cumsum3A_702 = vector.broadcast %cumsum3A_701 : i1 to vector<16xi1>
    %cumsum3A_703 = tpu.scan <sum>, %convert_element_type3A_700 masked %cumsum3A_702 : vector<16xi32>, vector<16xi1> -> vector<16xi32>
    %add3A_704 = arith.addi %broadcast_in_dim3A_3, %get3A_62 : vector<16xi32>
    %add3A_705 = arith.addi %add3A_704, %add3A_564 : vector<16xi32>
    %mul3A_706 = arith.muli %convert_element_type3A_700, %add3A_705 : vector<16xi32>
    %add3A_707 = arith.addi %broadcast_in_dim3A_3, %mul3A_706 : vector<16xi32>
    %sub3A_708 = arith.constant 1 : i32
    %sub3A_709 = vector.broadcast %sub3A_708 : i32 to vector<16xi32>
    %sub3A_710 = arith.subi %cumsum3A_703, %sub3A_709 : vector<16xi32>
    %mul3A_711 = arith.muli %convert_element_type3A_700, %sub3A_710 : vector<16xi32>
    %add3A_712 = arith.addi %add3A_707, %mul3A_711 : vector<16xi32>
    %all_reduce_population_count3A_713 = tpu.all_reduce %eq3A_699 {dim = 0 : i64, kind = #tpu.reduction_kind<sum>} : vector<16xi1> -> vector<16xi32>
    %add3A_714 = arith.addi %add3A_564, %all_reduce_population_count3A_713 : vector<16xi32>
    %eq3A_715 = arith.constant 1 : i32
    %eq3A_716 = vector.broadcast %eq3A_715 : i32 to vector<16xi32>
    %eq3A_717 = arith.cmpi eq, %get3A_696, %eq3A_716 : vector<16xi32>
    %convert_element_type3A_718 = arith.extui %eq3A_717 : vector<16xi1> to vector<16xi32>
    %cumsum3A_719 = arith.constant true
    %cumsum3A_720 = vector.broadcast %cumsum3A_719 : i1 to vector<16xi1>
    %cumsum3A_721 = tpu.scan <sum>, %convert_element_type3A_718 masked %cumsum3A_720 : vector<16xi32>, vector<16xi1> -> vector<16xi32>
    %add3A_722 = arith.addi %add3A_130, %get3A_64 : vector<16xi32>
    %add3A_723 = arith.addi %add3A_722, %add3A_582 : vector<16xi32>
    %mul3A_724 = arith.muli %convert_element_type3A_718, %add3A_723 : vector<16xi32>
    %add3A_725 = arith.addi %add3A_712, %mul3A_724 : vector<16xi32>
    %sub3A_726 = arith.constant 1 : i32
    %sub3A_727 = vector.broadcast %sub3A_726 : i32 to vector<16xi32>
    %sub3A_728 = arith.subi %cumsum3A_721, %sub3A_727 : vector<16xi32>
    %mul3A_729 = arith.muli %convert_element_type3A_718, %sub3A_728 : vector<16xi32>
    %add3A_730 = arith.addi %add3A_725, %mul3A_729 : vector<16xi32>
    %all_reduce_population_count3A_731 = tpu.all_reduce %eq3A_717 {dim = 0 : i64, kind = #tpu.reduction_kind<sum>} : vector<16xi1> -> vector<16xi32>
    %add3A_732 = arith.addi %add3A_582, %all_reduce_population_count3A_731 : vector<16xi32>
    %eq3A_733 = arith.constant 2 : i32
    %eq3A_734 = vector.broadcast %eq3A_733 : i32 to vector<16xi32>
    %eq3A_735 = arith.cmpi eq, %get3A_696, %eq3A_734 : vector<16xi32>
    %convert_element_type3A_736 = arith.extui %eq3A_735 : vector<16xi1> to vector<16xi32>
    %cumsum3A_737 = arith.constant true
    %cumsum3A_738 = vector.broadcast %cumsum3A_737 : i1 to vector<16xi1>
    %cumsum3A_739 = tpu.scan <sum>, %convert_element_type3A_736 masked %cumsum3A_738 : vector<16xi32>, vector<16xi1> -> vector<16xi32>
    %add3A_740 = arith.addi %add3A_168, %get3A_66 : vector<16xi32>
    %add3A_741 = arith.addi %add3A_740, %add3A_600 : vector<16xi32>
    %mul3A_742 = arith.muli %convert_element_type3A_736, %add3A_741 : vector<16xi32>
    %add3A_743 = arith.addi %add3A_730, %mul3A_742 : vector<16xi32>
    %sub3A_744 = arith.constant 1 : i32
    %sub3A_745 = vector.broadcast %sub3A_744 : i32 to vector<16xi32>
    %sub3A_746 = arith.subi %cumsum3A_739, %sub3A_745 : vector<16xi32>
    %mul3A_747 = arith.muli %convert_element_type3A_736, %sub3A_746 : vector<16xi32>
    %add3A_748 = arith.addi %add3A_743, %mul3A_747 : vector<16xi32>
    %all_reduce_population_count3A_749 = tpu.all_reduce %eq3A_735 {dim = 0 : i64, kind = #tpu.reduction_kind<sum>} : vector<16xi1> -> vector<16xi32>
    %add3A_750 = arith.addi %add3A_600, %all_reduce_population_count3A_749 : vector<16xi32>
    %eq3A_751 = arith.constant 3 : i32
    %eq3A_752 = vector.broadcast %eq3A_751 : i32 to vector<16xi32>
    %eq3A_753 = arith.cmpi eq, %get3A_696, %eq3A_752 : vector<16xi32>
    %convert_element_type3A_754 = arith.extui %eq3A_753 : vector<16xi1> to vector<16xi32>
    %cumsum3A_755 = arith.constant true
    %cumsum3A_756 = vector.broadcast %cumsum3A_755 : i1 to vector<16xi1>
    %cumsum3A_757 = tpu.scan <sum>, %convert_element_type3A_754 masked %cumsum3A_756 : vector<16xi32>, vector<16xi1> -> vector<16xi32>
    %add3A_758 = arith.addi %add3A_206, %get3A_68 : vector<16xi32>
    %add3A_759 = arith.addi %add3A_758, %add3A_618 : vector<16xi32>
    %mul3A_760 = arith.muli %convert_element_type3A_754, %add3A_759 : vector<16xi32>
    %add3A_761 = arith.addi %add3A_748, %mul3A_760 : vector<16xi32>
    %sub3A_762 = arith.constant 1 : i32
    %sub3A_763 = vector.broadcast %sub3A_762 : i32 to vector<16xi32>
    %sub3A_764 = arith.subi %cumsum3A_757, %sub3A_763 : vector<16xi32>
    %mul3A_765 = arith.muli %convert_element_type3A_754, %sub3A_764 : vector<16xi32>
    %add3A_766 = arith.addi %add3A_761, %mul3A_765 : vector<16xi32>
    %all_reduce_population_count3A_767 = tpu.all_reduce %eq3A_753 {dim = 0 : i64, kind = #tpu.reduction_kind<sum>} : vector<16xi1> -> vector<16xi32>
    %add3A_768 = arith.addi %add3A_618, %all_reduce_population_count3A_767 : vector<16xi32>
    %eq3A_769 = arith.constant 4 : i32
    %eq3A_770 = vector.broadcast %eq3A_769 : i32 to vector<16xi32>
    %eq3A_771 = arith.cmpi eq, %get3A_696, %eq3A_770 : vector<16xi32>
    %convert_element_type3A_772 = arith.extui %eq3A_771 : vector<16xi1> to vector<16xi32>
    %cumsum3A_773 = arith.constant true
    %cumsum3A_774 = vector.broadcast %cumsum3A_773 : i1 to vector<16xi1>
    %cumsum3A_775 = tpu.scan <sum>, %convert_element_type3A_772 masked %cumsum3A_774 : vector<16xi32>, vector<16xi1> -> vector<16xi32>
    %add3A_776 = arith.addi %add3A_244, %get3A_70 : vector<16xi32>
    %add3A_777 = arith.addi %add3A_776, %add3A_636 : vector<16xi32>
    %mul3A_778 = arith.muli %convert_element_type3A_772, %add3A_777 : vector<16xi32>
    %add3A_779 = arith.addi %add3A_766, %mul3A_778 : vector<16xi32>
    %sub3A_780 = arith.constant 1 : i32
    %sub3A_781 = vector.broadcast %sub3A_780 : i32 to vector<16xi32>
    %sub3A_782 = arith.subi %cumsum3A_775, %sub3A_781 : vector<16xi32>
    %mul3A_783 = arith.muli %convert_element_type3A_772, %sub3A_782 : vector<16xi32>
    %add3A_784 = arith.addi %add3A_779, %mul3A_783 : vector<16xi32>
    %all_reduce_population_count3A_785 = tpu.all_reduce %eq3A_771 {dim = 0 : i64, kind = #tpu.reduction_kind<sum>} : vector<16xi1> -> vector<16xi32>
    %add3A_786 = arith.addi %add3A_636, %all_reduce_population_count3A_785 : vector<16xi32>
    %eq3A_787 = arith.constant 5 : i32
    %eq3A_788 = vector.broadcast %eq3A_787 : i32 to vector<16xi32>
    %eq3A_789 = arith.cmpi eq, %get3A_696, %eq3A_788 : vector<16xi32>
    %convert_element_type3A_790 = arith.extui %eq3A_789 : vector<16xi1> to vector<16xi32>
    %cumsum3A_791 = arith.constant true
    %cumsum3A_792 = vector.broadcast %cumsum3A_791 : i1 to vector<16xi1>
    %cumsum3A_793 = tpu.scan <sum>, %convert_element_type3A_790 masked %cumsum3A_792 : vector<16xi32>, vector<16xi1> -> vector<16xi32>
    %add3A_794 = arith.addi %add3A_282, %get3A_72 : vector<16xi32>
    %add3A_795 = arith.addi %add3A_794, %add3A_654 : vector<16xi32>
    %mul3A_796 = arith.muli %convert_element_type3A_790, %add3A_795 : vector<16xi32>
    %add3A_797 = arith.addi %add3A_784, %mul3A_796 : vector<16xi32>
    %sub3A_798 = arith.constant 1 : i32
    %sub3A_799 = vector.broadcast %sub3A_798 : i32 to vector<16xi32>
    %sub3A_800 = arith.subi %cumsum3A_793, %sub3A_799 : vector<16xi32>
    %mul3A_801 = arith.muli %convert_element_type3A_790, %sub3A_800 : vector<16xi32>
    %add3A_802 = arith.addi %add3A_797, %mul3A_801 : vector<16xi32>
    %all_reduce_population_count3A_803 = tpu.all_reduce %eq3A_789 {dim = 0 : i64, kind = #tpu.reduction_kind<sum>} : vector<16xi1> -> vector<16xi32>
    %add3A_804 = arith.addi %add3A_654, %all_reduce_population_count3A_803 : vector<16xi32>
    %eq3A_805 = arith.constant 6 : i32
    %eq3A_806 = vector.broadcast %eq3A_805 : i32 to vector<16xi32>
    %eq3A_807 = arith.cmpi eq, %get3A_696, %eq3A_806 : vector<16xi32>
    %convert_element_type3A_808 = arith.extui %eq3A_807 : vector<16xi1> to vector<16xi32>
    %cumsum3A_809 = arith.constant true
    %cumsum3A_810 = vector.broadcast %cumsum3A_809 : i1 to vector<16xi1>
    %cumsum3A_811 = tpu.scan <sum>, %convert_element_type3A_808 masked %cumsum3A_810 : vector<16xi32>, vector<16xi1> -> vector<16xi32>
    %add3A_812 = arith.addi %add3A_320, %get3A_74 : vector<16xi32>
    %add3A_813 = arith.addi %add3A_812, %add3A_672 : vector<16xi32>
    %mul3A_814 = arith.muli %convert_element_type3A_808, %add3A_813 : vector<16xi32>
    %add3A_815 = arith.addi %add3A_802, %mul3A_814 : vector<16xi32>
    %sub3A_816 = arith.constant 1 : i32
    %sub3A_817 = vector.broadcast %sub3A_816 : i32 to vector<16xi32>
    %sub3A_818 = arith.subi %cumsum3A_811, %sub3A_817 : vector<16xi32>
    %mul3A_819 = arith.muli %convert_element_type3A_808, %sub3A_818 : vector<16xi32>
    %add3A_820 = arith.addi %add3A_815, %mul3A_819 : vector<16xi32>
    %all_reduce_population_count3A_821 = tpu.all_reduce %eq3A_807 {dim = 0 : i64, kind = #tpu.reduction_kind<sum>} : vector<16xi1> -> vector<16xi32>
    %add3A_822 = arith.addi %add3A_672, %all_reduce_population_count3A_821 : vector<16xi32>
    %eq3A_823 = arith.constant 7 : i32
    %eq3A_824 = vector.broadcast %eq3A_823 : i32 to vector<16xi32>
    %eq3A_825 = arith.cmpi eq, %get3A_696, %eq3A_824 : vector<16xi32>
    %convert_element_type3A_826 = arith.extui %eq3A_825 : vector<16xi1> to vector<16xi32>
    %cumsum3A_827 = arith.constant true
    %cumsum3A_828 = vector.broadcast %cumsum3A_827 : i1 to vector<16xi1>
    %cumsum3A_829 = tpu.scan <sum>, %convert_element_type3A_826 masked %cumsum3A_828 : vector<16xi32>, vector<16xi1> -> vector<16xi32>
    %add3A_830 = arith.addi %add3A_358, %get3A_76 : vector<16xi32>
    %add3A_831 = arith.addi %add3A_830, %add3A_690 : vector<16xi32>
    %mul3A_832 = arith.muli %convert_element_type3A_826, %add3A_831 : vector<16xi32>
    %add3A_833 = arith.addi %add3A_820, %mul3A_832 : vector<16xi32>
    %sub3A_834 = arith.constant 1 : i32
    %sub3A_835 = vector.broadcast %sub3A_834 : i32 to vector<16xi32>
    %sub3A_836 = arith.subi %cumsum3A_829, %sub3A_835 : vector<16xi32>
    %mul3A_837 = arith.muli %convert_element_type3A_826, %sub3A_836 : vector<16xi32>
    %add3A_838 = arith.addi %add3A_833, %mul3A_837 : vector<16xi32>
    %all_reduce_population_count3A_839 = tpu.all_reduce %eq3A_825 {dim = 0 : i64, kind = #tpu.reduction_kind<sum>} : vector<16xi1> -> vector<16xi32>
    %add3A_840 = arith.addi %add3A_690, %all_reduce_population_count3A_839 : vector<16xi32>
    %swap3A_841 = arith.constant 32 : index
    %swap3A_842 = tpu.vector_load %arg10[%swap3A_841] {strides = array<i32>} : memref<64xi32, #tpu.memory_space<vmem>>, vector<16xi32>,
    tpu.vector_store %arg10[%swap3A_841], %add3A_838 {strides = array<i32>} : memref<64xi32, #tpu.memory_space<vmem>>, vector<16xi32>,
    %add3A_843 = arith.constant 48 : i32
    %add3A_844 = arith.addi %mul3A_2, %add3A_843 : i32
    %get3A_845 = arith.index_cast %add3A_844 : i32 to index
    %get3A_846 = tpu.vector_load %arg9[%get3A_845] {strides = array<i32>} : memref<2048xi32, #tpu.memory_space<vmem>>, vector<16xi32>,
    %eq3A_847 = arith.constant 0 : i32
    %eq3A_848 = vector.broadcast %eq3A_847 : i32 to vector<16xi32>
    %eq3A_849 = arith.cmpi eq, %get3A_846, %eq3A_848 : vector<16xi32>
    %convert_element_type3A_850 = arith.extui %eq3A_849 : vector<16xi1> to vector<16xi32>
    %cumsum3A_851 = arith.constant true
    %cumsum3A_852 = vector.broadcast %cumsum3A_851 : i1 to vector<16xi1>
    %cumsum3A_853 = tpu.scan <sum>, %convert_element_type3A_850 masked %cumsum3A_852 : vector<16xi32>, vector<16xi1> -> vector<16xi32>
    %add3A_854 = arith.addi %broadcast_in_dim3A_3, %get3A_62 : vector<16xi32>
    %add3A_855 = arith.addi %add3A_854, %add3A_714 : vector<16xi32>
    %mul3A_856 = arith.muli %convert_element_type3A_850, %add3A_855 : vector<16xi32>
    %add3A_857 = arith.addi %broadcast_in_dim3A_3, %mul3A_856 : vector<16xi32>
    %sub3A_858 = arith.constant 1 : i32
    %sub3A_859 = vector.broadcast %sub3A_858 : i32 to vector<16xi32>
    %sub3A_860 = arith.subi %cumsum3A_853, %sub3A_859 : vector<16xi32>
    %mul3A_861 = arith.muli %convert_element_type3A_850, %sub3A_860 : vector<16xi32>
    %add3A_862 = arith.addi %add3A_857, %mul3A_861 : vector<16xi32>
    %all_reduce_population_count3A_863 = tpu.all_reduce %eq3A_849 {dim = 0 : i64, kind = #tpu.reduction_kind<sum>} : vector<16xi1> -> vector<16xi32>
    %add3A_864 = arith.addi %add3A_714, %all_reduce_population_count3A_863 : vector<16xi32>
    %eq3A_865 = arith.constant 1 : i32
    %eq3A_866 = vector.broadcast %eq3A_865 : i32 to vector<16xi32>
    %eq3A_867 = arith.cmpi eq, %get3A_846, %eq3A_866 : vector<16xi32>
    %convert_element_type3A_868 = arith.extui %eq3A_867 : vector<16xi1> to vector<16xi32>
    %cumsum3A_869 = arith.constant true
    %cumsum3A_870 = vector.broadcast %cumsum3A_869 : i1 to vector<16xi1>
    %cumsum3A_871 = tpu.scan <sum>, %convert_element_type3A_868 masked %cumsum3A_870 : vector<16xi32>, vector<16xi1> -> vector<16xi32>
    %add3A_872 = arith.addi %add3A_130, %get3A_64 : vector<16xi32>
    %add3A_873 = arith.addi %add3A_872, %add3A_732 : vector<16xi32>
    %mul3A_874 = arith.muli %convert_element_type3A_868, %add3A_873 : vector<16xi32>
    %add3A_875 = arith.addi %add3A_862, %mul3A_874 : vector<16xi32>
    %sub3A_876 = arith.constant 1 : i32
    %sub3A_877 = vector.broadcast %sub3A_876 : i32 to vector<16xi32>
    %sub3A_878 = arith.subi %cumsum3A_871, %sub3A_877 : vector<16xi32>
    %mul3A_879 = arith.muli %convert_element_type3A_868, %sub3A_878 : vector<16xi32>
    %add3A_880 = arith.addi %add3A_875, %mul3A_879 : vector<16xi32>
    %all_reduce_population_count3A_881 = tpu.all_reduce %eq3A_867 {dim = 0 : i64, kind = #tpu.reduction_kind<sum>} : vector<16xi1> -> vector<16xi32>
    %add3A_882 = arith.addi %add3A_732, %all_reduce_population_count3A_881 : vector<16xi32>
    %eq3A_883 = arith.constant 2 : i32
    %eq3A_884 = vector.broadcast %eq3A_883 : i32 to vector<16xi32>
    %eq3A_885 = arith.cmpi eq, %get3A_846, %eq3A_884 : vector<16xi32>
    %convert_element_type3A_886 = arith.extui %eq3A_885 : vector<16xi1> to vector<16xi32>
    %cumsum3A_887 = arith.constant true
    %cumsum3A_888 = vector.broadcast %cumsum3A_887 : i1 to vector<16xi1>
    %cumsum3A_889 = tpu.scan <sum>, %convert_element_type3A_886 masked %cumsum3A_888 : vector<16xi32>, vector<16xi1> -> vector<16xi32>
    %add3A_890 = arith.addi %add3A_168, %get3A_66 : vector<16xi32>
    %add3A_891 = arith.addi %add3A_890, %add3A_750 : vector<16xi32>
    %mul3A_892 = arith.muli %convert_element_type3A_886, %add3A_891 : vector<16xi32>
    %add3A_893 = arith.addi %add3A_880, %mul3A_892 : vector<16xi32>
    %sub3A_894 = arith.constant 1 : i32
    %sub3A_895 = vector.broadcast %sub3A_894 : i32 to vector<16xi32>
    %sub3A_896 = arith.subi %cumsum3A_889, %sub3A_895 : vector<16xi32>
    %mul3A_897 = arith.muli %convert_element_type3A_886, %sub3A_896 : vector<16xi32>
    %add3A_898 = arith.addi %add3A_893, %mul3A_897 : vector<16xi32>
    %all_reduce_population_count3A_899 = tpu.all_reduce %eq3A_885 {dim = 0 : i64, kind = #tpu.reduction_kind<sum>} : vector<16xi1> -> vector<16xi32>
    %add3A_900 = arith.addi %add3A_750, %all_reduce_population_count3A_899 : vector<16xi32>
    %eq3A_901 = arith.constant 3 : i32
    %eq3A_902 = vector.broadcast %eq3A_901 : i32 to vector<16xi32>
    %eq3A_903 = arith.cmpi eq, %get3A_846, %eq3A_902 : vector<16xi32>
    %convert_element_type3A_904 = arith.extui %eq3A_903 : vector<16xi1> to vector<16xi32>
    %cumsum3A_905 = arith.constant true
    %cumsum3A_906 = vector.broadcast %cumsum3A_905 : i1 to vector<16xi1>
    %cumsum3A_907 = tpu.scan <sum>, %convert_element_type3A_904 masked %cumsum3A_906 : vector<16xi32>, vector<16xi1> -> vector<16xi32>
    %add3A_908 = arith.addi %add3A_206, %get3A_68 : vector<16xi32>
    %add3A_909 = arith.addi %add3A_908, %add3A_768 : vector<16xi32>
    %mul3A_910 = arith.muli %convert_element_type3A_904, %add3A_909 : vector<16xi32>
    %add3A_911 = arith.addi %add3A_898, %mul3A_910 : vector<16xi32>
    %sub3A_912 = arith.constant 1 : i32
    %sub3A_913 = vector.broadcast %sub3A_912 : i32 to vector<16xi32>
    %sub3A_914 = arith.subi %cumsum3A_907, %sub3A_913 : vector<16xi32>
    %mul3A_915 = arith.muli %convert_element_type3A_904, %sub3A_914 : vector<16xi32>
    %add3A_916 = arith.addi %add3A_911, %mul3A_915 : vector<16xi32>
    %all_reduce_population_count3A_917 = tpu.all_reduce %eq3A_903 {dim = 0 : i64, kind = #tpu.reduction_kind<sum>} : vector<16xi1> -> vector<16xi32>
    %add3A_918 = arith.addi %add3A_768, %all_reduce_population_count3A_917 : vector<16xi32>
    %eq3A_919 = arith.constant 4 : i32
    %eq3A_920 = vector.broadcast %eq3A_919 : i32 to vector<16xi32>
    %eq3A_921 = arith.cmpi eq, %get3A_846, %eq3A_920 : vector<16xi32>
    %convert_element_type3A_922 = arith.extui %eq3A_921 : vector<16xi1> to vector<16xi32>
    %cumsum3A_923 = arith.constant true
    %cumsum3A_924 = vector.broadcast %cumsum3A_923 : i1 to vector<16xi1>
    %cumsum3A_925 = tpu.scan <sum>, %convert_element_type3A_922 masked %cumsum3A_924 : vector<16xi32>, vector<16xi1> -> vector<16xi32>
    %add3A_926 = arith.addi %add3A_244, %get3A_70 : vector<16xi32>
    %add3A_927 = arith.addi %add3A_926, %add3A_786 : vector<16xi32>
    %mul3A_928 = arith.muli %convert_element_type3A_922, %add3A_927 : vector<16xi32>
    %add3A_929 = arith.addi %add3A_916, %mul3A_928 : vector<16xi32>
    %sub3A_930 = arith.constant 1 : i32
    %sub3A_931 = vector.broadcast %sub3A_930 : i32 to vector<16xi32>
    %sub3A_932 = arith.subi %cumsum3A_925, %sub3A_931 : vector<16xi32>
    %mul3A_933 = arith.muli %convert_element_type3A_922, %sub3A_932 : vector<16xi32>
    %add3A_934 = arith.addi %add3A_929, %mul3A_933 : vector<16xi32>
    %all_reduce_population_count3A_935 = tpu.all_reduce %eq3A_921 {dim = 0 : i64, kind = #tpu.reduction_kind<sum>} : vector<16xi1> -> vector<16xi32>
    %add3A_936 = arith.addi %add3A_786, %all_reduce_population_count3A_935 : vector<16xi32>
    %eq3A_937 = arith.constant 5 : i32
    %eq3A_938 = vector.broadcast %eq3A_937 : i32 to vector<16xi32>
    %eq3A_939 = arith.cmpi eq, %get3A_846, %eq3A_938 : vector<16xi32>
    %convert_element_type3A_940 = arith.extui %eq3A_939 : vector<16xi1> to vector<16xi32>
    %cumsum3A_941 = arith.constant true
    %cumsum3A_942 = vector.broadcast %cumsum3A_941 : i1 to vector<16xi1>
    %cumsum3A_943 = tpu.scan <sum>, %convert_element_type3A_940 masked %cumsum3A_942 : vector<16xi32>, vector<16xi1> -> vector<16xi32>
    %add3A_944 = arith.addi %add3A_282, %get3A_72 : vector<16xi32>
    %add3A_945 = arith.addi %add3A_944, %add3A_804 : vector<16xi32>
    %mul3A_946 = arith.muli %convert_element_type3A_940, %add3A_945 : vector<16xi32>
    %add3A_947 = arith.addi %add3A_934, %mul3A_946 : vector<16xi32>
    %sub3A_948 = arith.constant 1 : i32
    %sub3A_949 = vector.broadcast %sub3A_948 : i32 to vector<16xi32>
    %sub3A_950 = arith.subi %cumsum3A_943, %sub3A_949 : vector<16xi32>
    %mul3A_951 = arith.muli %convert_element_type3A_940, %sub3A_950 : vector<16xi32>
    %add3A_952 = arith.addi %add3A_947, %mul3A_951 : vector<16xi32>
    %all_reduce_population_count3A_953 = tpu.all_reduce %eq3A_939 {dim = 0 : i64, kind = #tpu.reduction_kind<sum>} : vector<16xi1> -> vector<16xi32>
    %add3A_954 = arith.addi %add3A_804, %all_reduce_population_count3A_953 : vector<16xi32>
    %eq3A_955 = arith.constant 6 : i32
    %eq3A_956 = vector.broadcast %eq3A_955 : i32 to vector<16xi32>
    %eq3A_957 = arith.cmpi eq, %get3A_846, %eq3A_956 : vector<16xi32>
    %convert_element_type3A_958 = arith.extui %eq3A_957 : vector<16xi1> to vector<16xi32>
    %cumsum3A_959 = arith.constant true
    %cumsum3A_960 = vector.broadcast %cumsum3A_959 : i1 to vector<16xi1>
    %cumsum3A_961 = tpu.scan <sum>, %convert_element_type3A_958 masked %cumsum3A_960 : vector<16xi32>, vector<16xi1> -> vector<16xi32>
    %add3A_962 = arith.addi %add3A_320, %get3A_74 : vector<16xi32>
    %add3A_963 = arith.addi %add3A_962, %add3A_822 : vector<16xi32>
    %mul3A_964 = arith.muli %convert_element_type3A_958, %add3A_963 : vector<16xi32>
    %add3A_965 = arith.addi %add3A_952, %mul3A_964 : vector<16xi32>
    %sub3A_966 = arith.constant 1 : i32
    %sub3A_967 = vector.broadcast %sub3A_966 : i32 to vector<16xi32>
    %sub3A_968 = arith.subi %cumsum3A_961, %sub3A_967 : vector<16xi32>
    %mul3A_969 = arith.muli %convert_element_type3A_958, %sub3A_968 : vector<16xi32>
    %add3A_970 = arith.addi %add3A_965, %mul3A_969 : vector<16xi32>
    %all_reduce_population_count3A_971 = tpu.all_reduce %eq3A_957 {dim = 0 : i64, kind = #tpu.reduction_kind<sum>} : vector<16xi1> -> vector<16xi32>
    %add3A_972 = arith.addi %add3A_822, %all_reduce_population_count3A_971 : vector<16xi32>
    %eq3A_973 = arith.constant 7 : i32
    %eq3A_974 = vector.broadcast %eq3A_973 : i32 to vector<16xi32>
    %eq3A_975 = arith.cmpi eq, %get3A_846, %eq3A_974 : vector<16xi32>
    %convert_element_type3A_976 = arith.extui %eq3A_975 : vector<16xi1> to vector<16xi32>
    %cumsum3A_977 = arith.constant true
    %cumsum3A_978 = vector.broadcast %cumsum3A_977 : i1 to vector<16xi1>
    %cumsum3A_979 = tpu.scan <sum>, %convert_element_type3A_976 masked %cumsum3A_978 : vector<16xi32>, vector<16xi1> -> vector<16xi32>
    %add3A_980 = arith.addi %add3A_358, %get3A_76 : vector<16xi32>
    %add3A_981 = arith.addi %add3A_980, %add3A_840 : vector<16xi32>
    %mul3A_982 = arith.muli %convert_element_type3A_976, %add3A_981 : vector<16xi32>
    %add3A_983 = arith.addi %add3A_970, %mul3A_982 : vector<16xi32>
    %sub3A_984 = arith.constant 1 : i32
    %sub3A_985 = vector.broadcast %sub3A_984 : i32 to vector<16xi32>
    %sub3A_986 = arith.subi %cumsum3A_979, %sub3A_985 : vector<16xi32>
    %mul3A_987 = arith.muli %convert_element_type3A_976, %sub3A_986 : vector<16xi32>
    %add3A_988 = arith.addi %add3A_983, %mul3A_987 : vector<16xi32>
    %all_reduce_population_count3A_989 = tpu.all_reduce %eq3A_975 {dim = 0 : i64, kind = #tpu.reduction_kind<sum>} : vector<16xi1> -> vector<16xi32>
    %add3A_990 = arith.addi %add3A_840, %all_reduce_population_count3A_989 : vector<16xi32>
    %swap3A_991 = arith.constant 48 : index
    %swap3A_992 = tpu.vector_load %arg10[%swap3A_991] {strides = array<i32>} : memref<64xi32, #tpu.memory_space<vmem>>, vector<16xi32>,
    tpu.vector_store %arg10[%swap3A_991], %add3A_988 {strides = array<i32>} : memref<64xi32, #tpu.memory_space<vmem>>, vector<16xi32>,
    "tpu.region"() ({
      %run_scoped3A = tpu.sem_alloc : memref<!tpu.dma_semaphore, #tpu.memory_space<semaphore_mem>>
      %dma_start3A_1007 = tpu.memref_slice %arg5[%mul3A_2] : memref<2048xi32, #tpu.memory_space<hbm>> -> memref<64xi32, #tpu.memory_space<hbm>>
      %dma_start3A_1008 = tpu.memref_slice %arg5[%mul3A_2] : memref<2048xi32, #tpu.memory_space<hbm>> -> memref<64xi32, #tpu.memory_space<hbm>>
      tpu.enqueue_dma source(%arg10 : memref<64xi32, #tpu.memory_space<vmem>>) target(%dma_start3A_1008 : memref<64xi32, #tpu.memory_space<hbm>>) target_semaphore(%run_scoped3A : memref<!tpu.dma_semaphore, #tpu.memory_space<semaphore_mem>>)
      %dma_wait3A_1009 = tpu.memref_slice %arg5[%mul3A_2] : memref<2048xi32, #tpu.memory_space<hbm>> -> memref<64xi32, #tpu.memory_space<hbm>>
      %dma_wait3A_1010 = tpu.memref_slice %arg5[%mul3A_2] : memref<2048xi32, #tpu.memory_space<hbm>> -> memref<64xi32, #tpu.memory_space<hbm>>
      tpu.wait_dma2 semaphore(%run_scoped3A : memref<!tpu.dma_semaphore, #tpu.memory_space<semaphore_mem>>) src(%arg10 : memref<64xi32, #tpu.memory_space<vmem>>) dst(%dma_wait3A_1010 : memref<64xi32, #tpu.memory_space<hbm>>)
      tpu.yield
    }) : () -> ()
    "tpu.region"() ({
      %run_scoped3A = tpu.sem_alloc : memref<!tpu.dma_semaphore, #tpu.memory_space<semaphore_mem>>
      %dma_start3A_1007 = arith.constant 0 : i32
      %dma_start3A_1008 = tpu.memref_slice %arg3[%mul3A_2, %dma_start3A_1007] : memref<2048x1024xf32, #tpu.memory_space<hbm>> -> memref<64x1024xf32, #tpu.memory_space<hbm>>
      %dma_start3A_1009 = arith.constant 0 : i32
      %dma_start3A_1010 = tpu.memref_slice %arg3[%mul3A_2, %dma_start3A_1009] : memref<2048x1024xf32, #tpu.memory_space<hbm>> -> memref<64x1024xf32, #tpu.memory_space<hbm>>
      tpu.enqueue_dma source(%dma_start3A_1010 : memref<64x1024xf32, #tpu.memory_space<hbm>>) target(%arg11 : memref<64x1024xf32, #tpu.memory_space<vmem>>) target_semaphore(%run_scoped3A : memref<!tpu.dma_semaphore, #tpu.memory_space<semaphore_mem>>)
      %dma_wait3A_1011 = arith.constant 0 : i32
      %dma_wait3A_1012 = tpu.memref_slice %arg3[%mul3A_2, %dma_wait3A_1011] : memref<2048x1024xf32, #tpu.memory_space<hbm>> -> memref<64x1024xf32, #tpu.memory_space<hbm>>
      %dma_wait3A_1013 = arith.constant 0 : i32
      %dma_wait3A_1014 = tpu.memref_slice %arg3[%mul3A_2, %dma_wait3A_1013] : memref<2048x1024xf32, #tpu.memory_space<hbm>> -> memref<64x1024xf32, #tpu.memory_space<hbm>>
      tpu.wait_dma2 semaphore(%run_scoped3A : memref<!tpu.dma_semaphore, #tpu.memory_space<semaphore_mem>>) src(%dma_wait3A_1014 : memref<64x1024xf32, #tpu.memory_space<hbm>>) dst(%arg11 : memref<64x1024xf32, #tpu.memory_space<vmem>>)
      tpu.yield
    }) : () -> ()
    "tpu.region"() ({
      %run_scoped3A = tpu.sem_alloc : memref<!tpu.dma_semaphore, #tpu.memory_space<semaphore_mem>>
      %dma_start3A_1007 = arith.constant 0 : i32
      %dma_start3A_1008 = tpu.memref_slice %arg4[%mul3A_2, %dma_start3A_1007] : memref<2048x128xf32, #tpu.memory_space<hbm>> -> memref<64x128xf32, #tpu.memory_space<hbm>>
      %dma_start3A_1009 = arith.constant 0 : i32
      %dma_start3A_1010 = tpu.memref_slice %arg4[%mul3A_2, %dma_start3A_1009] : memref<2048x128xf32, #tpu.memory_space<hbm>> -> memref<64x128xf32, #tpu.memory_space<hbm>>
      tpu.enqueue_dma source(%dma_start3A_1010 : memref<64x128xf32, #tpu.memory_space<hbm>>) target(%arg12 : memref<64x128xf32, #tpu.memory_space<vmem>>) target_semaphore(%run_scoped3A : memref<!tpu.dma_semaphore, #tpu.memory_space<semaphore_mem>>)
      %dma_wait3A_1011 = arith.constant 0 : i32
      %dma_wait3A_1012 = tpu.memref_slice %arg4[%mul3A_2, %dma_wait3A_1011] : memref<2048x128xf32, #tpu.memory_space<hbm>> -> memref<64x128xf32, #tpu.memory_space<hbm>>
      %dma_wait3A_1013 = arith.constant 0 : i32
      %dma_wait3A_1014 = tpu.memref_slice %arg4[%mul3A_2, %dma_wait3A_1013] : memref<2048x128xf32, #tpu.memory_space<hbm>> -> memref<64x128xf32, #tpu.memory_space<hbm>>
      tpu.wait_dma2 semaphore(%run_scoped3A : memref<!tpu.dma_semaphore, #tpu.memory_space<semaphore_mem>>) src(%dma_wait3A_1014 : memref<64x128xf32, #tpu.memory_space<hbm>>) dst(%arg12 : memref<64x128xf32, #tpu.memory_space<vmem>>)
      tpu.yield
    }) : () -> ()
    %dma_start3A = arith.constant 0 : i32
    %dma_start3A_993 = arith.constant 0 : i32
    %dma_start3A_994 = tpu.memref_slice %arg7[%dma_start3A, %dma_start3A_993] : memref<3072x1024xf32, #tpu.memory_space<hbm>> -> memref<3072x1024xf32, #tpu.memory_space<hbm>>
    tpu.enqueue_indirect_dma source(%arg11 : memref<64x1024xf32, #tpu.memory_space<vmem>>) target(%dma_start3A_994 : memref<3072x1024xf32, #tpu.memory_space<hbm>>) offsets(%arg10 : memref<64xi32, #tpu.memory_space<vmem>>) semaphore(%arg15 : memref<!tpu.dma_semaphore, #tpu.memory_space<semaphore_mem>>)
    %dma_start3A_995 = arith.constant 0 : i32
    %dma_start3A_996 = arith.constant 0 : i32
    %dma_start3A_997 = tpu.memref_slice %arg8[%dma_start3A_995, %dma_start3A_996] : memref<3072x128xf32, #tpu.memory_space<hbm>> -> memref<3072x128xf32, #tpu.memory_space<hbm>>
    tpu.enqueue_indirect_dma source(%arg12 : memref<64x128xf32, #tpu.memory_space<vmem>>) target(%dma_start3A_997 : memref<3072x128xf32, #tpu.memory_space<hbm>>) offsets(%arg10 : memref<64xi32, #tpu.memory_space<vmem>>) semaphore(%arg16 : memref<!tpu.dma_semaphore, #tpu.memory_space<semaphore_mem>>)
    %dma_wait3A = arith.constant 0 : i32
    %dma_wait3A_998 = arith.constant 0 : i32
    %dma_wait3A_999 = tpu.memref_slice %arg7[%dma_wait3A, %dma_wait3A_998] : memref<3072x1024xf32, #tpu.memory_space<hbm>> -> memref<3072x1024xf32, #tpu.memory_space<hbm>>
    tpu.wait_indirect_dma semaphore(%arg15 : memref<!tpu.dma_semaphore, #tpu.memory_space<semaphore_mem>>) src(%arg11 : memref<64x1024xf32, #tpu.memory_space<vmem>>) dst(%dma_wait3A_999 : memref<3072x1024xf32, #tpu.memory_space<hbm>>)
    %dma_wait3A_1000 = arith.constant 0 : i32
    %dma_wait3A_1001 = arith.constant 0 : i32
    %dma_wait3A_1002 = tpu.memref_slice %arg8[%dma_wait3A_1000, %dma_wait3A_1001] : memref<3072x128xf32, #tpu.memory_space<hbm>> -> memref<3072x128xf32, #tpu.memory_space<hbm>>
    tpu.wait_indirect_dma semaphore(%arg16 : memref<!tpu.dma_semaphore, #tpu.memory_space<semaphore_mem>>) src(%arg12 : memref<64x128xf32, #tpu.memory_space<vmem>>) dst(%dma_wait3A_1002 : memref<3072x128xf32, #tpu.memory_space<hbm>>)
    %eq3A_1003 = arith.constant 0 : i32
    %eq3A_1004 = arith.cmpi eq, %add3A, %eq3A_1003 : i32
    %convert_element_type3A_1005 = arith.extui %eq3A_1004 : i1 to i32
    %cond3A = arith.constant 0 : i32
    %cond3A_1006 = arith.cmpi ne, %convert_element_type3A_1005, %cond3A : i32
    scf.if %cond3A_1006 {
      %iota3A = tpu.iota {dimensions = array<i32: 0>} : vector<16xi32>
      %broadcast_in_dim3A_1007 = arith.constant -1 : i32
      %broadcast_in_dim3A_1008 = vector.broadcast %broadcast_in_dim3A_1007 : i32 to vector<16xi32>
      %broadcast_in_dim3A_1009 = arith.constant 0 : i32
      %broadcast_in_dim3A_1010 = vector.broadcast %broadcast_in_dim3A_1009 : i32 to vector<16xi32>
      %ge3A = arith.cmpi sge, %broadcast_in_dim3A_1010, %broadcast_in_dim3A_3 : vector<16xi32>
      %convert_element_type3A_1011 = arith.extui %ge3A : vector<16xi1> to vector<16xi32>
      %add3A_1012 = arith.addi %broadcast_in_dim3A_1008, %convert_element_type3A_1011 : vector<16xi32>
      %ge3A_1013 = arith.cmpi sge, %broadcast_in_dim3A_1010, %add3A_130 : vector<16xi32>
      %convert_element_type3A_1014 = arith.extui %ge3A_1013 : vector<16xi1> to vector<16xi32>
      %add3A_1015 = arith.addi %add3A_1012, %convert_element_type3A_1014 : vector<16xi32>
      %ge3A_1016 = arith.cmpi sge, %broadcast_in_dim3A_1010, %add3A_168 : vector<16xi32>
      %convert_element_type3A_1017 = arith.extui %ge3A_1016 : vector<16xi1> to vector<16xi32>
      %add3A_1018 = arith.addi %add3A_1015, %convert_element_type3A_1017 : vector<16xi32>
      %ge3A_1019 = arith.cmpi sge, %broadcast_in_dim3A_1010, %add3A_206 : vector<16xi32>
      %convert_element_type3A_1020 = arith.extui %ge3A_1019 : vector<16xi1> to vector<16xi32>
      %add3A_1021 = arith.addi %add3A_1018, %convert_element_type3A_1020 : vector<16xi32>
      %ge3A_1022 = arith.cmpi sge, %broadcast_in_dim3A_1010, %add3A_244 : vector<16xi32>
      %convert_element_type3A_1023 = arith.extui %ge3A_1022 : vector<16xi1> to vector<16xi32>
      %add3A_1024 = arith.addi %add3A_1021, %convert_element_type3A_1023 : vector<16xi32>
      %ge3A_1025 = arith.cmpi sge, %broadcast_in_dim3A_1010, %add3A_282 : vector<16xi32>
      %convert_element_type3A_1026 = arith.extui %ge3A_1025 : vector<16xi1> to vector<16xi32>
      %add3A_1027 = arith.addi %add3A_1024, %convert_element_type3A_1026 : vector<16xi32>
      %ge3A_1028 = arith.cmpi sge, %broadcast_in_dim3A_1010, %add3A_320 : vector<16xi32>
      %convert_element_type3A_1029 = arith.extui %ge3A_1028 : vector<16xi1> to vector<16xi32>
      %add3A_1030 = arith.addi %add3A_1027, %convert_element_type3A_1029 : vector<16xi32>
      %ge3A_1031 = arith.cmpi sge, %broadcast_in_dim3A_1010, %add3A_358 : vector<16xi32>
      %convert_element_type3A_1032 = arith.extui %ge3A_1031 : vector<16xi1> to vector<16xi32>
      %add3A_1033 = arith.addi %add3A_1030, %convert_element_type3A_1032 : vector<16xi32>
      %eq3A_1034 = arith.constant 0 : i32
      %eq3A_1035 = vector.broadcast %eq3A_1034 : i32 to vector<16xi32>
      %eq3A_1036 = arith.cmpi eq, %iota3A, %eq3A_1035 : vector<16xi32>
      %convert_element_type3A_1037 = arith.extui %eq3A_1036 : vector<16xi1> to vector<16xi32>
      %mul3A_1038 = arith.muli %add3A_1033, %convert_element_type3A_1037 : vector<16xi32>
      %add3A_1039 = arith.addi %broadcast_in_dim3A_3, %mul3A_1038 : vector<16xi32>
      %broadcast_in_dim3A_1040 = arith.constant -1 : i32
      %broadcast_in_dim3A_1041 = vector.broadcast %broadcast_in_dim3A_1040 : i32 to vector<16xi32>
      %broadcast_in_dim3A_1042 = arith.constant 128 : i32
      %broadcast_in_dim3A_1043 = vector.broadcast %broadcast_in_dim3A_1042 : i32 to vector<16xi32>
      %ge3A_1044 = arith.cmpi sge, %broadcast_in_dim3A_1043, %broadcast_in_dim3A_3 : vector<16xi32>
      %convert_element_type3A_1045 = arith.extui %ge3A_1044 : vector<16xi1> to vector<16xi32>
      %add3A_1046 = arith.addi %broadcast_in_dim3A_1041, %convert_element_type3A_1045 : vector<16xi32>
      %ge3A_1047 = arith.cmpi sge, %broadcast_in_dim3A_1043, %add3A_130 : vector<16xi32>
      %convert_element_type3A_1048 = arith.extui %ge3A_1047 : vector<16xi1> to vector<16xi32>
      %add3A_1049 = arith.addi %add3A_1046, %convert_element_type3A_1048 : vector<16xi32>
      %ge3A_1050 = arith.cmpi sge, %broadcast_in_dim3A_1043, %add3A_168 : vector<16xi32>
      %convert_element_type3A_1051 = arith.extui %ge3A_1050 : vector<16xi1> to vector<16xi32>
      %add3A_1052 = arith.addi %add3A_1049, %convert_element_type3A_1051 : vector<16xi32>
      %ge3A_1053 = arith.cmpi sge, %broadcast_in_dim3A_1043, %add3A_206 : vector<16xi32>
      %convert_element_type3A_1054 = arith.extui %ge3A_1053 : vector<16xi1> to vector<16xi32>
      %add3A_1055 = arith.addi %add3A_1052, %convert_element_type3A_1054 : vector<16xi32>
      %ge3A_1056 = arith.cmpi sge, %broadcast_in_dim3A_1043, %add3A_244 : vector<16xi32>
      %convert_element_type3A_1057 = arith.extui %ge3A_1056 : vector<16xi1> to vector<16xi32>
      %add3A_1058 = arith.addi %add3A_1055, %convert_element_type3A_1057 : vector<16xi32>
      %ge3A_1059 = arith.cmpi sge, %broadcast_in_dim3A_1043, %add3A_282 : vector<16xi32>
      %convert_element_type3A_1060 = arith.extui %ge3A_1059 : vector<16xi1> to vector<16xi32>
      %add3A_1061 = arith.addi %add3A_1058, %convert_element_type3A_1060 : vector<16xi32>
      %ge3A_1062 = arith.cmpi sge, %broadcast_in_dim3A_1043, %add3A_320 : vector<16xi32>
      %convert_element_type3A_1063 = arith.extui %ge3A_1062 : vector<16xi1> to vector<16xi32>
      %add3A_1064 = arith.addi %add3A_1061, %convert_element_type3A_1063 : vector<16xi32>
      %ge3A_1065 = arith.cmpi sge, %broadcast_in_dim3A_1043, %add3A_358 : vector<16xi32>
      %convert_element_type3A_1066 = arith.extui %ge3A_1065 : vector<16xi1> to vector<16xi32>
      %add3A_1067 = arith.addi %add3A_1064, %convert_element_type3A_1066 : vector<16xi32>
      %eq3A_1068 = arith.constant 1 : i32
      %eq3A_1069 = vector.broadcast %eq3A_1068 : i32 to vector<16xi32>
      %eq3A_1070 = arith.cmpi eq, %iota3A, %eq3A_1069 : vector<16xi32>
      %convert_element_type3A_1071 = arith.extui %eq3A_1070 : vector<16xi1> to vector<16xi32>
      %mul3A_1072 = arith.muli %add3A_1067, %convert_element_type3A_1071 : vector<16xi32>
      %add3A_1073 = arith.addi %add3A_1039, %mul3A_1072 : vector<16xi32>
      %broadcast_in_dim3A_1074 = arith.constant -1 : i32
      %broadcast_in_dim3A_1075 = vector.broadcast %broadcast_in_dim3A_1074 : i32 to vector<16xi32>
      %broadcast_in_dim3A_1076 = arith.constant 256 : i32
      %broadcast_in_dim3A_1077 = vector.broadcast %broadcast_in_dim3A_1076 : i32 to vector<16xi32>
      %ge3A_1078 = arith.cmpi sge, %broadcast_in_dim3A_1077, %broadcast_in_dim3A_3 : vector<16xi32>
      %convert_element_type3A_1079 = arith.extui %ge3A_1078 : vector<16xi1> to vector<16xi32>
      %add3A_1080 = arith.addi %broadcast_in_dim3A_1075, %convert_element_type3A_1079 : vector<16xi32>
      %ge3A_1081 = arith.cmpi sge, %broadcast_in_dim3A_1077, %add3A_130 : vector<16xi32>
      %convert_element_type3A_1082 = arith.extui %ge3A_1081 : vector<16xi1> to vector<16xi32>
      %add3A_1083 = arith.addi %add3A_1080, %convert_element_type3A_1082 : vector<16xi32>
      %ge3A_1084 = arith.cmpi sge, %broadcast_in_dim3A_1077, %add3A_168 : vector<16xi32>
      %convert_element_type3A_1085 = arith.extui %ge3A_1084 : vector<16xi1> to vector<16xi32>
      %add3A_1086 = arith.addi %add3A_1083, %convert_element_type3A_1085 : vector<16xi32>
      %ge3A_1087 = arith.cmpi sge, %broadcast_in_dim3A_1077, %add3A_206 : vector<16xi32>
      %convert_element_type3A_1088 = arith.extui %ge3A_1087 : vector<16xi1> to vector<16xi32>
      %add3A_1089 = arith.addi %add3A_1086, %convert_element_type3A_1088 : vector<16xi32>
      %ge3A_1090 = arith.cmpi sge, %broadcast_in_dim3A_1077, %add3A_244 : vector<16xi32>
      %convert_element_type3A_1091 = arith.extui %ge3A_1090 : vector<16xi1> to vector<16xi32>
      %add3A_1092 = arith.addi %add3A_1089, %convert_element_type3A_1091 : vector<16xi32>
      %ge3A_1093 = arith.cmpi sge, %broadcast_in_dim3A_1077, %add3A_282 : vector<16xi32>
      %convert_element_type3A_1094 = arith.extui %ge3A_1093 : vector<16xi1> to vector<16xi32>
      %add3A_1095 = arith.addi %add3A_1092, %convert_element_type3A_1094 : vector<16xi32>
      %ge3A_1096 = arith.cmpi sge, %broadcast_in_dim3A_1077, %add3A_320 : vector<16xi32>
      %convert_element_type3A_1097 = arith.extui %ge3A_1096 : vector<16xi1> to vector<16xi32>
      %add3A_1098 = arith.addi %add3A_1095, %convert_element_type3A_1097 : vector<16xi32>
      %ge3A_1099 = arith.cmpi sge, %broadcast_in_dim3A_1077, %add3A_358 : vector<16xi32>
      %convert_element_type3A_1100 = arith.extui %ge3A_1099 : vector<16xi1> to vector<16xi32>
      %add3A_1101 = arith.addi %add3A_1098, %convert_element_type3A_1100 : vector<16xi32>
      %eq3A_1102 = arith.constant 2 : i32
      %eq3A_1103 = vector.broadcast %eq3A_1102 : i32 to vector<16xi32>
      %eq3A_1104 = arith.cmpi eq, %iota3A, %eq3A_1103 : vector<16xi32>
      %convert_element_type3A_1105 = arith.extui %eq3A_1104 : vector<16xi1> to vector<16xi32>
      %mul3A_1106 = arith.muli %add3A_1101, %convert_element_type3A_1105 : vector<16xi32>
      %add3A_1107 = arith.addi %add3A_1073, %mul3A_1106 : vector<16xi32>
      %broadcast_in_dim3A_1108 = arith.constant -1 : i32
      %broadcast_in_dim3A_1109 = vector.broadcast %broadcast_in_dim3A_1108 : i32 to vector<16xi32>
      %broadcast_in_dim3A_1110 = arith.constant 384 : i32
      %broadcast_in_dim3A_1111 = vector.broadcast %broadcast_in_dim3A_1110 : i32 to vector<16xi32>
      %ge3A_1112 = arith.cmpi sge, %broadcast_in_dim3A_1111, %broadcast_in_dim3A_3 : vector<16xi32>
      %convert_element_type3A_1113 = arith.extui %ge3A_1112 : vector<16xi1> to vector<16xi32>
      %add3A_1114 = arith.addi %broadcast_in_dim3A_1109, %convert_element_type3A_1113 : vector<16xi32>
      %ge3A_1115 = arith.cmpi sge, %broadcast_in_dim3A_1111, %add3A_130 : vector<16xi32>
      %convert_element_type3A_1116 = arith.extui %ge3A_1115 : vector<16xi1> to vector<16xi32>
      %add3A_1117 = arith.addi %add3A_1114, %convert_element_type3A_1116 : vector<16xi32>
      %ge3A_1118 = arith.cmpi sge, %broadcast_in_dim3A_1111, %add3A_168 : vector<16xi32>
      %convert_element_type3A_1119 = arith.extui %ge3A_1118 : vector<16xi1> to vector<16xi32>
      %add3A_1120 = arith.addi %add3A_1117, %convert_element_type3A_1119 : vector<16xi32>
      %ge3A_1121 = arith.cmpi sge, %broadcast_in_dim3A_1111, %add3A_206 : vector<16xi32>
      %convert_element_type3A_1122 = arith.extui %ge3A_1121 : vector<16xi1> to vector<16xi32>
      %add3A_1123 = arith.addi %add3A_1120, %convert_element_type3A_1122 : vector<16xi32>
      %ge3A_1124 = arith.cmpi sge, %broadcast_in_dim3A_1111, %add3A_244 : vector<16xi32>
      %convert_element_type3A_1125 = arith.extui %ge3A_1124 : vector<16xi1> to vector<16xi32>
      %add3A_1126 = arith.addi %add3A_1123, %convert_element_type3A_1125 : vector<16xi32>
      %ge3A_1127 = arith.cmpi sge, %broadcast_in_dim3A_1111, %add3A_282 : vector<16xi32>
      %convert_element_type3A_1128 = arith.extui %ge3A_1127 : vector<16xi1> to vector<16xi32>
      %add3A_1129 = arith.addi %add3A_1126, %convert_element_type3A_1128 : vector<16xi32>
      %ge3A_1130 = arith.cmpi sge, %broadcast_in_dim3A_1111, %add3A_320 : vector<16xi32>
      %convert_element_type3A_1131 = arith.extui %ge3A_1130 : vector<16xi1> to vector<16xi32>
      %add3A_1132 = arith.addi %add3A_1129, %convert_element_type3A_1131 : vector<16xi32>
      %ge3A_1133 = arith.cmpi sge, %broadcast_in_dim3A_1111, %add3A_358 : vector<16xi32>
      %convert_element_type3A_1134 = arith.extui %ge3A_1133 : vector<16xi1> to vector<16xi32>
      %add3A_1135 = arith.addi %add3A_1132, %convert_element_type3A_1134 : vector<16xi32>
      %eq3A_1136 = arith.constant 3 : i32
      %eq3A_1137 = vector.broadcast %eq3A_1136 : i32 to vector<16xi32>
      %eq3A_1138 = arith.cmpi eq, %iota3A, %eq3A_1137 : vector<16xi32>
      %convert_element_type3A_1139 = arith.extui %eq3A_1138 : vector<16xi1> to vector<16xi32>
      %mul3A_1140 = arith.muli %add3A_1135, %convert_element_type3A_1139 : vector<16xi32>
      %add3A_1141 = arith.addi %add3A_1107, %mul3A_1140 : vector<16xi32>
      %broadcast_in_dim3A_1142 = arith.constant -1 : i32
      %broadcast_in_dim3A_1143 = vector.broadcast %broadcast_in_dim3A_1142 : i32 to vector<16xi32>
      %broadcast_in_dim3A_1144 = arith.constant 512 : i32
      %broadcast_in_dim3A_1145 = vector.broadcast %broadcast_in_dim3A_1144 : i32 to vector<16xi32>
      %ge3A_1146 = arith.cmpi sge, %broadcast_in_dim3A_1145, %broadcast_in_dim3A_3 : vector<16xi32>
      %convert_element_type3A_1147 = arith.extui %ge3A_1146 : vector<16xi1> to vector<16xi32>
      %add3A_1148 = arith.addi %broadcast_in_dim3A_1143, %convert_element_type3A_1147 : vector<16xi32>
      %ge3A_1149 = arith.cmpi sge, %broadcast_in_dim3A_1145, %add3A_130 : vector<16xi32>
      %convert_element_type3A_1150 = arith.extui %ge3A_1149 : vector<16xi1> to vector<16xi32>
      %add3A_1151 = arith.addi %add3A_1148, %convert_element_type3A_1150 : vector<16xi32>
      %ge3A_1152 = arith.cmpi sge, %broadcast_in_dim3A_1145, %add3A_168 : vector<16xi32>
      %convert_element_type3A_1153 = arith.extui %ge3A_1152 : vector<16xi1> to vector<16xi32>
      %add3A_1154 = arith.addi %add3A_1151, %convert_element_type3A_1153 : vector<16xi32>
      %ge3A_1155 = arith.cmpi sge, %broadcast_in_dim3A_1145, %add3A_206 : vector<16xi32>
      %convert_element_type3A_1156 = arith.extui %ge3A_1155 : vector<16xi1> to vector<16xi32>
      %add3A_1157 = arith.addi %add3A_1154, %convert_element_type3A_1156 : vector<16xi32>
      %ge3A_1158 = arith.cmpi sge, %broadcast_in_dim3A_1145, %add3A_244 : vector<16xi32>
      %convert_element_type3A_1159 = arith.extui %ge3A_1158 : vector<16xi1> to vector<16xi32>
      %add3A_1160 = arith.addi %add3A_1157, %convert_element_type3A_1159 : vector<16xi32>
      %ge3A_1161 = arith.cmpi sge, %broadcast_in_dim3A_1145, %add3A_282 : vector<16xi32>
      %convert_element_type3A_1162 = arith.extui %ge3A_1161 : vector<16xi1> to vector<16xi32>
      %add3A_1163 = arith.addi %add3A_1160, %convert_element_type3A_1162 : vector<16xi32>
      %ge3A_1164 = arith.cmpi sge, %broadcast_in_dim3A_1145, %add3A_320 : vector<16xi32>
      %convert_element_type3A_1165 = arith.extui %ge3A_1164 : vector<16xi1> to vector<16xi32>
      %add3A_1166 = arith.addi %add3A_1163, %convert_element_type3A_1165 : vector<16xi32>
      %ge3A_1167 = arith.cmpi sge, %broadcast_in_dim3A_1145, %add3A_358 : vector<16xi32>
      %convert_element_type3A_1168 = arith.extui %ge3A_1167 : vector<16xi1> to vector<16xi32>
      %add3A_1169 = arith.addi %add3A_1166, %convert_element_type3A_1168 : vector<16xi32>
      %eq3A_1170 = arith.constant 4 : i32
      %eq3A_1171 = vector.broadcast %eq3A_1170 : i32 to vector<16xi32>
      %eq3A_1172 = arith.cmpi eq, %iota3A, %eq3A_1171 : vector<16xi32>
      %convert_element_type3A_1173 = arith.extui %eq3A_1172 : vector<16xi1> to vector<16xi32>
      %mul3A_1174 = arith.muli %add3A_1169, %convert_element_type3A_1173 : vector<16xi32>
      %add3A_1175 = arith.addi %add3A_1141, %mul3A_1174 : vector<16xi32>
      %broadcast_in_dim3A_1176 = arith.constant -1 : i32
      %broadcast_in_dim3A_1177 = vector.broadcast %broadcast_in_dim3A_1176 : i32 to vector<16xi32>
      %broadcast_in_dim3A_1178 = arith.constant 640 : i32
      %broadcast_in_dim3A_1179 = vector.broadcast %broadcast_in_dim3A_1178 : i32 to vector<16xi32>
      %ge3A_1180 = arith.cmpi sge, %broadcast_in_dim3A_1179, %broadcast_in_dim3A_3 : vector<16xi32>
      %convert_element_type3A_1181 = arith.extui %ge3A_1180 : vector<16xi1> to vector<16xi32>
      %add3A_1182 = arith.addi %broadcast_in_dim3A_1177, %convert_element_type3A_1181 : vector<16xi32>
      %ge3A_1183 = arith.cmpi sge, %broadcast_in_dim3A_1179, %add3A_130 : vector<16xi32>
      %convert_element_type3A_1184 = arith.extui %ge3A_1183 : vector<16xi1> to vector<16xi32>
      %add3A_1185 = arith.addi %add3A_1182, %convert_element_type3A_1184 : vector<16xi32>
      %ge3A_1186 = arith.cmpi sge, %broadcast_in_dim3A_1179, %add3A_168 : vector<16xi32>
      %convert_element_type3A_1187 = arith.extui %ge3A_1186 : vector<16xi1> to vector<16xi32>
      %add3A_1188 = arith.addi %add3A_1185, %convert_element_type3A_1187 : vector<16xi32>
      %ge3A_1189 = arith.cmpi sge, %broadcast_in_dim3A_1179, %add3A_206 : vector<16xi32>
      %convert_element_type3A_1190 = arith.extui %ge3A_1189 : vector<16xi1> to vector<16xi32>
      %add3A_1191 = arith.addi %add3A_1188, %convert_element_type3A_1190 : vector<16xi32>
      %ge3A_1192 = arith.cmpi sge, %broadcast_in_dim3A_1179, %add3A_244 : vector<16xi32>
      %convert_element_type3A_1193 = arith.extui %ge3A_1192 : vector<16xi1> to vector<16xi32>
      %add3A_1194 = arith.addi %add3A_1191, %convert_element_type3A_1193 : vector<16xi32>
      %ge3A_1195 = arith.cmpi sge, %broadcast_in_dim3A_1179, %add3A_282 : vector<16xi32>
      %convert_element_type3A_1196 = arith.extui %ge3A_1195 : vector<16xi1> to vector<16xi32>
      %add3A_1197 = arith.addi %add3A_1194, %convert_element_type3A_1196 : vector<16xi32>
      %ge3A_1198 = arith.cmpi sge, %broadcast_in_dim3A_1179, %add3A_320 : vector<16xi32>
      %convert_element_type3A_1199 = arith.extui %ge3A_1198 : vector<16xi1> to vector<16xi32>
      %add3A_1200 = arith.addi %add3A_1197, %convert_element_type3A_1199 : vector<16xi32>
      %ge3A_1201 = arith.cmpi sge, %broadcast_in_dim3A_1179, %add3A_358 : vector<16xi32>
      %convert_element_type3A_1202 = arith.extui %ge3A_1201 : vector<16xi1> to vector<16xi32>
      %add3A_1203 = arith.addi %add3A_1200, %convert_element_type3A_1202 : vector<16xi32>
      %eq3A_1204 = arith.constant 5 : i32
      %eq3A_1205 = vector.broadcast %eq3A_1204 : i32 to vector<16xi32>
      %eq3A_1206 = arith.cmpi eq, %iota3A, %eq3A_1205 : vector<16xi32>
      %convert_element_type3A_1207 = arith.extui %eq3A_1206 : vector<16xi1> to vector<16xi32>
      %mul3A_1208 = arith.muli %add3A_1203, %convert_element_type3A_1207 : vector<16xi32>
      %add3A_1209 = arith.addi %add3A_1175, %mul3A_1208 : vector<16xi32>
      %broadcast_in_dim3A_1210 = arith.constant -1 : i32
      %broadcast_in_dim3A_1211 = vector.broadcast %broadcast_in_dim3A_1210 : i32 to vector<16xi32>
      %broadcast_in_dim3A_1212 = arith.constant 768 : i32
      %broadcast_in_dim3A_1213 = vector.broadcast %broadcast_in_dim3A_1212 : i32 to vector<16xi32>
      %ge3A_1214 = arith.cmpi sge, %broadcast_in_dim3A_1213, %broadcast_in_dim3A_3 : vector<16xi32>
      %convert_element_type3A_1215 = arith.extui %ge3A_1214 : vector<16xi1> to vector<16xi32>
      %add3A_1216 = arith.addi %broadcast_in_dim3A_1211, %convert_element_type3A_1215 : vector<16xi32>
      %ge3A_1217 = arith.cmpi sge, %broadcast_in_dim3A_1213, %add3A_130 : vector<16xi32>
      %convert_element_type3A_1218 = arith.extui %ge3A_1217 : vector<16xi1> to vector<16xi32>
      %add3A_1219 = arith.addi %add3A_1216, %convert_element_type3A_1218 : vector<16xi32>
      %ge3A_1220 = arith.cmpi sge, %broadcast_in_dim3A_1213, %add3A_168 : vector<16xi32>
      %convert_element_type3A_1221 = arith.extui %ge3A_1220 : vector<16xi1> to vector<16xi32>
      %add3A_1222 = arith.addi %add3A_1219, %convert_element_type3A_1221 : vector<16xi32>
      %ge3A_1223 = arith.cmpi sge, %broadcast_in_dim3A_1213, %add3A_206 : vector<16xi32>
      %convert_element_type3A_1224 = arith.extui %ge3A_1223 : vector<16xi1> to vector<16xi32>
      %add3A_1225 = arith.addi %add3A_1222, %convert_element_type3A_1224 : vector<16xi32>
      %ge3A_1226 = arith.cmpi sge, %broadcast_in_dim3A_1213, %add3A_244 : vector<16xi32>
      %convert_element_type3A_1227 = arith.extui %ge3A_1226 : vector<16xi1> to vector<16xi32>
      %add3A_1228 = arith.addi %add3A_1225, %convert_element_type3A_1227 : vector<16xi32>
      %ge3A_1229 = arith.cmpi sge, %broadcast_in_dim3A_1213, %add3A_282 : vector<16xi32>
      %convert_element_type3A_1230 = arith.extui %ge3A_1229 : vector<16xi1> to vector<16xi32>
      %add3A_1231 = arith.addi %add3A_1228, %convert_element_type3A_1230 : vector<16xi32>
      %ge3A_1232 = arith.cmpi sge, %broadcast_in_dim3A_1213, %add3A_320 : vector<16xi32>
      %convert_element_type3A_1233 = arith.extui %ge3A_1232 : vector<16xi1> to vector<16xi32>
      %add3A_1234 = arith.addi %add3A_1231, %convert_element_type3A_1233 : vector<16xi32>
      %ge3A_1235 = arith.cmpi sge, %broadcast_in_dim3A_1213, %add3A_358 : vector<16xi32>
      %convert_element_type3A_1236 = arith.extui %ge3A_1235 : vector<16xi1> to vector<16xi32>
      %add3A_1237 = arith.addi %add3A_1234, %convert_element_type3A_1236 : vector<16xi32>
      %eq3A_1238 = arith.constant 6 : i32
      %eq3A_1239 = vector.broadcast %eq3A_1238 : i32 to vector<16xi32>
      %eq3A_1240 = arith.cmpi eq, %iota3A, %eq3A_1239 : vector<16xi32>
      %convert_element_type3A_1241 = arith.extui %eq3A_1240 : vector<16xi1> to vector<16xi32>
      %mul3A_1242 = arith.muli %add3A_1237, %convert_element_type3A_1241 : vector<16xi32>
      %add3A_1243 = arith.addi %add3A_1209, %mul3A_1242 : vector<16xi32>
      %broadcast_in_dim3A_1244 = arith.constant -1 : i32
      %broadcast_in_dim3A_1245 = vector.broadcast %broadcast_in_dim3A_1244 : i32 to vector<16xi32>
      %broadcast_in_dim3A_1246 = arith.constant 896 : i32
      %broadcast_in_dim3A_1247 = vector.broadcast %broadcast_in_dim3A_1246 : i32 to vector<16xi32>
      %ge3A_1248 = arith.cmpi sge, %broadcast_in_dim3A_1247, %broadcast_in_dim3A_3 : vector<16xi32>
      %convert_element_type3A_1249 = arith.extui %ge3A_1248 : vector<16xi1> to vector<16xi32>
      %add3A_1250 = arith.addi %broadcast_in_dim3A_1245, %convert_element_type3A_1249 : vector<16xi32>
      %ge3A_1251 = arith.cmpi sge, %broadcast_in_dim3A_1247, %add3A_130 : vector<16xi32>
      %convert_element_type3A_1252 = arith.extui %ge3A_1251 : vector<16xi1> to vector<16xi32>
      %add3A_1253 = arith.addi %add3A_1250, %convert_element_type3A_1252 : vector<16xi32>
      %ge3A_1254 = arith.cmpi sge, %broadcast_in_dim3A_1247, %add3A_168 : vector<16xi32>
      %convert_element_type3A_1255 = arith.extui %ge3A_1254 : vector<16xi1> to vector<16xi32>
      %add3A_1256 = arith.addi %add3A_1253, %convert_element_type3A_1255 : vector<16xi32>
      %ge3A_1257 = arith.cmpi sge, %broadcast_in_dim3A_1247, %add3A_206 : vector<16xi32>
      %convert_element_type3A_1258 = arith.extui %ge3A_1257 : vector<16xi1> to vector<16xi32>
      %add3A_1259 = arith.addi %add3A_1256, %convert_element_type3A_1258 : vector<16xi32>
      %ge3A_1260 = arith.cmpi sge, %broadcast_in_dim3A_1247, %add3A_244 : vector<16xi32>
      %convert_element_type3A_1261 = arith.extui %ge3A_1260 : vector<16xi1> to vector<16xi32>
      %add3A_1262 = arith.addi %add3A_1259, %convert_element_type3A_1261 : vector<16xi32>
      %ge3A_1263 = arith.cmpi sge, %broadcast_in_dim3A_1247, %add3A_282 : vector<16xi32>
      %convert_element_type3A_1264 = arith.extui %ge3A_1263 : vector<16xi1> to vector<16xi32>
      %add3A_1265 = arith.addi %add3A_1262, %convert_element_type3A_1264 : vector<16xi32>
      %ge3A_1266 = arith.cmpi sge, %broadcast_in_dim3A_1247, %add3A_320 : vector<16xi32>
      %convert_element_type3A_1267 = arith.extui %ge3A_1266 : vector<16xi1> to vector<16xi32>
      %add3A_1268 = arith.addi %add3A_1265, %convert_element_type3A_1267 : vector<16xi32>
      %ge3A_1269 = arith.cmpi sge, %broadcast_in_dim3A_1247, %add3A_358 : vector<16xi32>
      %convert_element_type3A_1270 = arith.extui %ge3A_1269 : vector<16xi1> to vector<16xi32>
      %add3A_1271 = arith.addi %add3A_1268, %convert_element_type3A_1270 : vector<16xi32>
      %eq3A_1272 = arith.constant 7 : i32
      %eq3A_1273 = vector.broadcast %eq3A_1272 : i32 to vector<16xi32>
      %eq3A_1274 = arith.cmpi eq, %iota3A, %eq3A_1273 : vector<16xi32>
      %convert_element_type3A_1275 = arith.extui %eq3A_1274 : vector<16xi1> to vector<16xi32>
      %mul3A_1276 = arith.muli %add3A_1271, %convert_element_type3A_1275 : vector<16xi32>
      %add3A_1277 = arith.addi %add3A_1243, %mul3A_1276 : vector<16xi32>
      %broadcast_in_dim3A_1278 = arith.constant -1 : i32
      %broadcast_in_dim3A_1279 = vector.broadcast %broadcast_in_dim3A_1278 : i32 to vector<16xi32>
      %broadcast_in_dim3A_1280 = arith.constant 1024 : i32
      %broadcast_in_dim3A_1281 = vector.broadcast %broadcast_in_dim3A_1280 : i32 to vector<16xi32>
      %ge3A_1282 = arith.cmpi sge, %broadcast_in_dim3A_1281, %broadcast_in_dim3A_3 : vector<16xi32>
      %convert_element_type3A_1283 = arith.extui %ge3A_1282 : vector<16xi1> to vector<16xi32>
      %add3A_1284 = arith.addi %broadcast_in_dim3A_1279, %convert_element_type3A_1283 : vector<16xi32>
      %ge3A_1285 = arith.cmpi sge, %broadcast_in_dim3A_1281, %add3A_130 : vector<16xi32>
      %convert_element_type3A_1286 = arith.extui %ge3A_1285 : vector<16xi1> to vector<16xi32>
      %add3A_1287 = arith.addi %add3A_1284, %convert_element_type3A_1286 : vector<16xi32>
      %ge3A_1288 = arith.cmpi sge, %broadcast_in_dim3A_1281, %add3A_168 : vector<16xi32>
      %convert_element_type3A_1289 = arith.extui %ge3A_1288 : vector<16xi1> to vector<16xi32>
      %add3A_1290 = arith.addi %add3A_1287, %convert_element_type3A_1289 : vector<16xi32>
      %ge3A_1291 = arith.cmpi sge, %broadcast_in_dim3A_1281, %add3A_206 : vector<16xi32>
      %convert_element_type3A_1292 = arith.extui %ge3A_1291 : vector<16xi1> to vector<16xi32>
      %add3A_1293 = arith.addi %add3A_1290, %convert_element_type3A_1292 : vector<16xi32>
      %ge3A_1294 = arith.cmpi sge, %broadcast_in_dim3A_1281, %add3A_244 : vector<16xi32>
      %convert_element_type3A_1295 = arith.extui %ge3A_1294 : vector<16xi1> to vector<16xi32>
      %add3A_1296 = arith.addi %add3A_1293, %convert_element_type3A_1295 : vector<16xi32>
      %ge3A_1297 = arith.cmpi sge, %broadcast_in_dim3A_1281, %add3A_282 : vector<16xi32>
      %convert_element_type3A_1298 = arith.extui %ge3A_1297 : vector<16xi1> to vector<16xi32>
      %add3A_1299 = arith.addi %add3A_1296, %convert_element_type3A_1298 : vector<16xi32>
      %ge3A_1300 = arith.cmpi sge, %broadcast_in_dim3A_1281, %add3A_320 : vector<16xi32>
      %convert_element_type3A_1301 = arith.extui %ge3A_1300 : vector<16xi1> to vector<16xi32>
      %add3A_1302 = arith.addi %add3A_1299, %convert_element_type3A_1301 : vector<16xi32>
      %ge3A_1303 = arith.cmpi sge, %broadcast_in_dim3A_1281, %add3A_358 : vector<16xi32>
      %convert_element_type3A_1304 = arith.extui %ge3A_1303 : vector<16xi1> to vector<16xi32>
      %add3A_1305 = arith.addi %add3A_1302, %convert_element_type3A_1304 : vector<16xi32>
      %eq3A_1306 = arith.constant 8 : i32
      %eq3A_1307 = vector.broadcast %eq3A_1306 : i32 to vector<16xi32>
      %eq3A_1308 = arith.cmpi eq, %iota3A, %eq3A_1307 : vector<16xi32>
      %convert_element_type3A_1309 = arith.extui %eq3A_1308 : vector<16xi1> to vector<16xi32>
      %mul3A_1310 = arith.muli %add3A_1305, %convert_element_type3A_1309 : vector<16xi32>
      %add3A_1311 = arith.addi %add3A_1277, %mul3A_1310 : vector<16xi32>
      %broadcast_in_dim3A_1312 = arith.constant -1 : i32
      %broadcast_in_dim3A_1313 = vector.broadcast %broadcast_in_dim3A_1312 : i32 to vector<16xi32>
      %broadcast_in_dim3A_1314 = arith.constant 1152 : i32
      %broadcast_in_dim3A_1315 = vector.broadcast %broadcast_in_dim3A_1314 : i32 to vector<16xi32>
      %ge3A_1316 = arith.cmpi sge, %broadcast_in_dim3A_1315, %broadcast_in_dim3A_3 : vector<16xi32>
      %convert_element_type3A_1317 = arith.extui %ge3A_1316 : vector<16xi1> to vector<16xi32>
      %add3A_1318 = arith.addi %broadcast_in_dim3A_1313, %convert_element_type3A_1317 : vector<16xi32>
      %ge3A_1319 = arith.cmpi sge, %broadcast_in_dim3A_1315, %add3A_130 : vector<16xi32>
      %convert_element_type3A_1320 = arith.extui %ge3A_1319 : vector<16xi1> to vector<16xi32>
      %add3A_1321 = arith.addi %add3A_1318, %convert_element_type3A_1320 : vector<16xi32>
      %ge3A_1322 = arith.cmpi sge, %broadcast_in_dim3A_1315, %add3A_168 : vector<16xi32>
      %convert_element_type3A_1323 = arith.extui %ge3A_1322 : vector<16xi1> to vector<16xi32>
      %add3A_1324 = arith.addi %add3A_1321, %convert_element_type3A_1323 : vector<16xi32>
      %ge3A_1325 = arith.cmpi sge, %broadcast_in_dim3A_1315, %add3A_206 : vector<16xi32>
      %convert_element_type3A_1326 = arith.extui %ge3A_1325 : vector<16xi1> to vector<16xi32>
      %add3A_1327 = arith.addi %add3A_1324, %convert_element_type3A_1326 : vector<16xi32>
      %ge3A_1328 = arith.cmpi sge, %broadcast_in_dim3A_1315, %add3A_244 : vector<16xi32>
      %convert_element_type3A_1329 = arith.extui %ge3A_1328 : vector<16xi1> to vector<16xi32>
      %add3A_1330 = arith.addi %add3A_1327, %convert_element_type3A_1329 : vector<16xi32>
      %ge3A_1331 = arith.cmpi sge, %broadcast_in_dim3A_1315, %add3A_282 : vector<16xi32>
      %convert_element_type3A_1332 = arith.extui %ge3A_1331 : vector<16xi1> to vector<16xi32>
      %add3A_1333 = arith.addi %add3A_1330, %convert_element_type3A_1332 : vector<16xi32>
      %ge3A_1334 = arith.cmpi sge, %broadcast_in_dim3A_1315, %add3A_320 : vector<16xi32>
      %convert_element_type3A_1335 = arith.extui %ge3A_1334 : vector<16xi1> to vector<16xi32>
      %add3A_1336 = arith.addi %add3A_1333, %convert_element_type3A_1335 : vector<16xi32>
      %ge3A_1337 = arith.cmpi sge, %broadcast_in_dim3A_1315, %add3A_358 : vector<16xi32>
      %convert_element_type3A_1338 = arith.extui %ge3A_1337 : vector<16xi1> to vector<16xi32>
      %add3A_1339 = arith.addi %add3A_1336, %convert_element_type3A_1338 : vector<16xi32>
      %eq3A_1340 = arith.constant 9 : i32
      %eq3A_1341 = vector.broadcast %eq3A_1340 : i32 to vector<16xi32>
      %eq3A_1342 = arith.cmpi eq, %iota3A, %eq3A_1341 : vector<16xi32>
      %convert_element_type3A_1343 = arith.extui %eq3A_1342 : vector<16xi1> to vector<16xi32>
      %mul3A_1344 = arith.muli %add3A_1339, %convert_element_type3A_1343 : vector<16xi32>
      %add3A_1345 = arith.addi %add3A_1311, %mul3A_1344 : vector<16xi32>
      %broadcast_in_dim3A_1346 = arith.constant -1 : i32
      %broadcast_in_dim3A_1347 = vector.broadcast %broadcast_in_dim3A_1346 : i32 to vector<16xi32>
      %broadcast_in_dim3A_1348 = arith.constant 1280 : i32
      %broadcast_in_dim3A_1349 = vector.broadcast %broadcast_in_dim3A_1348 : i32 to vector<16xi32>
      %ge3A_1350 = arith.cmpi sge, %broadcast_in_dim3A_1349, %broadcast_in_dim3A_3 : vector<16xi32>
      %convert_element_type3A_1351 = arith.extui %ge3A_1350 : vector<16xi1> to vector<16xi32>
      %add3A_1352 = arith.addi %broadcast_in_dim3A_1347, %convert_element_type3A_1351 : vector<16xi32>
      %ge3A_1353 = arith.cmpi sge, %broadcast_in_dim3A_1349, %add3A_130 : vector<16xi32>
      %convert_element_type3A_1354 = arith.extui %ge3A_1353 : vector<16xi1> to vector<16xi32>
      %add3A_1355 = arith.addi %add3A_1352, %convert_element_type3A_1354 : vector<16xi32>
      %ge3A_1356 = arith.cmpi sge, %broadcast_in_dim3A_1349, %add3A_168 : vector<16xi32>
      %convert_element_type3A_1357 = arith.extui %ge3A_1356 : vector<16xi1> to vector<16xi32>
      %add3A_1358 = arith.addi %add3A_1355, %convert_element_type3A_1357 : vector<16xi32>
      %ge3A_1359 = arith.cmpi sge, %broadcast_in_dim3A_1349, %add3A_206 : vector<16xi32>
      %convert_element_type3A_1360 = arith.extui %ge3A_1359 : vector<16xi1> to vector<16xi32>
      %add3A_1361 = arith.addi %add3A_1358, %convert_element_type3A_1360 : vector<16xi32>
      %ge3A_1362 = arith.cmpi sge, %broadcast_in_dim3A_1349, %add3A_244 : vector<16xi32>
      %convert_element_type3A_1363 = arith.extui %ge3A_1362 : vector<16xi1> to vector<16xi32>
      %add3A_1364 = arith.addi %add3A_1361, %convert_element_type3A_1363 : vector<16xi32>
      %ge3A_1365 = arith.cmpi sge, %broadcast_in_dim3A_1349, %add3A_282 : vector<16xi32>
      %convert_element_type3A_1366 = arith.extui %ge3A_1365 : vector<16xi1> to vector<16xi32>
      %add3A_1367 = arith.addi %add3A_1364, %convert_element_type3A_1366 : vector<16xi32>
      %ge3A_1368 = arith.cmpi sge, %broadcast_in_dim3A_1349, %add3A_320 : vector<16xi32>
      %convert_element_type3A_1369 = arith.extui %ge3A_1368 : vector<16xi1> to vector<16xi32>
      %add3A_1370 = arith.addi %add3A_1367, %convert_element_type3A_1369 : vector<16xi32>
      %ge3A_1371 = arith.cmpi sge, %broadcast_in_dim3A_1349, %add3A_358 : vector<16xi32>
      %convert_element_type3A_1372 = arith.extui %ge3A_1371 : vector<16xi1> to vector<16xi32>
      %add3A_1373 = arith.addi %add3A_1370, %convert_element_type3A_1372 : vector<16xi32>
      %eq3A_1374 = arith.constant 10 : i32
      %eq3A_1375 = vector.broadcast %eq3A_1374 : i32 to vector<16xi32>
      %eq3A_1376 = arith.cmpi eq, %iota3A, %eq3A_1375 : vector<16xi32>
      %convert_element_type3A_1377 = arith.extui %eq3A_1376 : vector<16xi1> to vector<16xi32>
      %mul3A_1378 = arith.muli %add3A_1373, %convert_element_type3A_1377 : vector<16xi32>
      %add3A_1379 = arith.addi %add3A_1345, %mul3A_1378 : vector<16xi32>
      %broadcast_in_dim3A_1380 = arith.constant -1 : i32
      %broadcast_in_dim3A_1381 = vector.broadcast %broadcast_in_dim3A_1380 : i32 to vector<16xi32>
      %broadcast_in_dim3A_1382 = arith.constant 1408 : i32
      %broadcast_in_dim3A_1383 = vector.broadcast %broadcast_in_dim3A_1382 : i32 to vector<16xi32>
      %ge3A_1384 = arith.cmpi sge, %broadcast_in_dim3A_1383, %broadcast_in_dim3A_3 : vector<16xi32>
      %convert_element_type3A_1385 = arith.extui %ge3A_1384 : vector<16xi1> to vector<16xi32>
      %add3A_1386 = arith.addi %broadcast_in_dim3A_1381, %convert_element_type3A_1385 : vector<16xi32>
      %ge3A_1387 = arith.cmpi sge, %broadcast_in_dim3A_1383, %add3A_130 : vector<16xi32>
      %convert_element_type3A_1388 = arith.extui %ge3A_1387 : vector<16xi1> to vector<16xi32>
      %add3A_1389 = arith.addi %add3A_1386, %convert_element_type3A_1388 : vector<16xi32>
      %ge3A_1390 = arith.cmpi sge, %broadcast_in_dim3A_1383, %add3A_168 : vector<16xi32>
      %convert_element_type3A_1391 = arith.extui %ge3A_1390 : vector<16xi1> to vector<16xi32>
      %add3A_1392 = arith.addi %add3A_1389, %convert_element_type3A_1391 : vector<16xi32>
      %ge3A_1393 = arith.cmpi sge, %broadcast_in_dim3A_1383, %add3A_206 : vector<16xi32>
      %convert_element_type3A_1394 = arith.extui %ge3A_1393 : vector<16xi1> to vector<16xi32>
      %add3A_1395 = arith.addi %add3A_1392, %convert_element_type3A_1394 : vector<16xi32>
      %ge3A_1396 = arith.cmpi sge, %broadcast_in_dim3A_1383, %add3A_244 : vector<16xi32>
      %convert_element_type3A_1397 = arith.extui %ge3A_1396 : vector<16xi1> to vector<16xi32>
      %add3A_1398 = arith.addi %add3A_1395, %convert_element_type3A_1397 : vector<16xi32>
      %ge3A_1399 = arith.cmpi sge, %broadcast_in_dim3A_1383, %add3A_282 : vector<16xi32>
      %convert_element_type3A_1400 = arith.extui %ge3A_1399 : vector<16xi1> to vector<16xi32>
      %add3A_1401 = arith.addi %add3A_1398, %convert_element_type3A_1400 : vector<16xi32>
      %ge3A_1402 = arith.cmpi sge, %broadcast_in_dim3A_1383, %add3A_320 : vector<16xi32>
      %convert_element_type3A_1403 = arith.extui %ge3A_1402 : vector<16xi1> to vector<16xi32>
      %add3A_1404 = arith.addi %add3A_1401, %convert_element_type3A_1403 : vector<16xi32>
      %ge3A_1405 = arith.cmpi sge, %broadcast_in_dim3A_1383, %add3A_358 : vector<16xi32>
      %convert_element_type3A_1406 = arith.extui %ge3A_1405 : vector<16xi1> to vector<16xi32>
      %add3A_1407 = arith.addi %add3A_1404, %convert_element_type3A_1406 : vector<16xi32>
      %eq3A_1408 = arith.constant 11 : i32
      %eq3A_1409 = vector.broadcast %eq3A_1408 : i32 to vector<16xi32>
      %eq3A_1410 = arith.cmpi eq, %iota3A, %eq3A_1409 : vector<16xi32>
      %convert_element_type3A_1411 = arith.extui %eq3A_1410 : vector<16xi1> to vector<16xi32>
      %mul3A_1412 = arith.muli %add3A_1407, %convert_element_type3A_1411 : vector<16xi32>
      %add3A_1413 = arith.addi %add3A_1379, %mul3A_1412 : vector<16xi32>
      %broadcast_in_dim3A_1414 = arith.constant -1 : i32
      %broadcast_in_dim3A_1415 = vector.broadcast %broadcast_in_dim3A_1414 : i32 to vector<16xi32>
      %broadcast_in_dim3A_1416 = arith.constant 1536 : i32
      %broadcast_in_dim3A_1417 = vector.broadcast %broadcast_in_dim3A_1416 : i32 to vector<16xi32>
      %ge3A_1418 = arith.cmpi sge, %broadcast_in_dim3A_1417, %broadcast_in_dim3A_3 : vector<16xi32>
      %convert_element_type3A_1419 = arith.extui %ge3A_1418 : vector<16xi1> to vector<16xi32>
      %add3A_1420 = arith.addi %broadcast_in_dim3A_1415, %convert_element_type3A_1419 : vector<16xi32>
      %ge3A_1421 = arith.cmpi sge, %broadcast_in_dim3A_1417, %add3A_130 : vector<16xi32>
      %convert_element_type3A_1422 = arith.extui %ge3A_1421 : vector<16xi1> to vector<16xi32>
      %add3A_1423 = arith.addi %add3A_1420, %convert_element_type3A_1422 : vector<16xi32>
      %ge3A_1424 = arith.cmpi sge, %broadcast_in_dim3A_1417, %add3A_168 : vector<16xi32>
      %convert_element_type3A_1425 = arith.extui %ge3A_1424 : vector<16xi1> to vector<16xi32>
      %add3A_1426 = arith.addi %add3A_1423, %convert_element_type3A_1425 : vector<16xi32>
      %ge3A_1427 = arith.cmpi sge, %broadcast_in_dim3A_1417, %add3A_206 : vector<16xi32>
      %convert_element_type3A_1428 = arith.extui %ge3A_1427 : vector<16xi1> to vector<16xi32>
      %add3A_1429 = arith.addi %add3A_1426, %convert_element_type3A_1428 : vector<16xi32>
      %ge3A_1430 = arith.cmpi sge, %broadcast_in_dim3A_1417, %add3A_244 : vector<16xi32>
      %convert_element_type3A_1431 = arith.extui %ge3A_1430 : vector<16xi1> to vector<16xi32>
      %add3A_1432 = arith.addi %add3A_1429, %convert_element_type3A_1431 : vector<16xi32>
      %ge3A_1433 = arith.cmpi sge, %broadcast_in_dim3A_1417, %add3A_282 : vector<16xi32>
      %convert_element_type3A_1434 = arith.extui %ge3A_1433 : vector<16xi1> to vector<16xi32>
      %add3A_1435 = arith.addi %add3A_1432, %convert_element_type3A_1434 : vector<16xi32>
      %ge3A_1436 = arith.cmpi sge, %broadcast_in_dim3A_1417, %add3A_320 : vector<16xi32>
      %convert_element_type3A_1437 = arith.extui %ge3A_1436 : vector<16xi1> to vector<16xi32>
      %add3A_1438 = arith.addi %add3A_1435, %convert_element_type3A_1437 : vector<16xi32>
      %ge3A_1439 = arith.cmpi sge, %broadcast_in_dim3A_1417, %add3A_358 : vector<16xi32>
      %convert_element_type3A_1440 = arith.extui %ge3A_1439 : vector<16xi1> to vector<16xi32>
      %add3A_1441 = arith.addi %add3A_1438, %convert_element_type3A_1440 : vector<16xi32>
      %eq3A_1442 = arith.constant 12 : i32
      %eq3A_1443 = vector.broadcast %eq3A_1442 : i32 to vector<16xi32>
      %eq3A_1444 = arith.cmpi eq, %iota3A, %eq3A_1443 : vector<16xi32>
      %convert_element_type3A_1445 = arith.extui %eq3A_1444 : vector<16xi1> to vector<16xi32>
      %mul3A_1446 = arith.muli %add3A_1441, %convert_element_type3A_1445 : vector<16xi32>
      %add3A_1447 = arith.addi %add3A_1413, %mul3A_1446 : vector<16xi32>
      %broadcast_in_dim3A_1448 = arith.constant -1 : i32
      %broadcast_in_dim3A_1449 = vector.broadcast %broadcast_in_dim3A_1448 : i32 to vector<16xi32>
      %broadcast_in_dim3A_1450 = arith.constant 1664 : i32
      %broadcast_in_dim3A_1451 = vector.broadcast %broadcast_in_dim3A_1450 : i32 to vector<16xi32>
      %ge3A_1452 = arith.cmpi sge, %broadcast_in_dim3A_1451, %broadcast_in_dim3A_3 : vector<16xi32>
      %convert_element_type3A_1453 = arith.extui %ge3A_1452 : vector<16xi1> to vector<16xi32>
      %add3A_1454 = arith.addi %broadcast_in_dim3A_1449, %convert_element_type3A_1453 : vector<16xi32>
      %ge3A_1455 = arith.cmpi sge, %broadcast_in_dim3A_1451, %add3A_130 : vector<16xi32>
      %convert_element_type3A_1456 = arith.extui %ge3A_1455 : vector<16xi1> to vector<16xi32>
      %add3A_1457 = arith.addi %add3A_1454, %convert_element_type3A_1456 : vector<16xi32>
      %ge3A_1458 = arith.cmpi sge, %broadcast_in_dim3A_1451, %add3A_168 : vector<16xi32>
      %convert_element_type3A_1459 = arith.extui %ge3A_1458 : vector<16xi1> to vector<16xi32>
      %add3A_1460 = arith.addi %add3A_1457, %convert_element_type3A_1459 : vector<16xi32>
      %ge3A_1461 = arith.cmpi sge, %broadcast_in_dim3A_1451, %add3A_206 : vector<16xi32>
      %convert_element_type3A_1462 = arith.extui %ge3A_1461 : vector<16xi1> to vector<16xi32>
      %add3A_1463 = arith.addi %add3A_1460, %convert_element_type3A_1462 : vector<16xi32>
      %ge3A_1464 = arith.cmpi sge, %broadcast_in_dim3A_1451, %add3A_244 : vector<16xi32>
      %convert_element_type3A_1465 = arith.extui %ge3A_1464 : vector<16xi1> to vector<16xi32>
      %add3A_1466 = arith.addi %add3A_1463, %convert_element_type3A_1465 : vector<16xi32>
      %ge3A_1467 = arith.cmpi sge, %broadcast_in_dim3A_1451, %add3A_282 : vector<16xi32>
      %convert_element_type3A_1468 = arith.extui %ge3A_1467 : vector<16xi1> to vector<16xi32>
      %add3A_1469 = arith.addi %add3A_1466, %convert_element_type3A_1468 : vector<16xi32>
      %ge3A_1470 = arith.cmpi sge, %broadcast_in_dim3A_1451, %add3A_320 : vector<16xi32>
      %convert_element_type3A_1471 = arith.extui %ge3A_1470 : vector<16xi1> to vector<16xi32>
      %add3A_1472 = arith.addi %add3A_1469, %convert_element_type3A_1471 : vector<16xi32>
      %ge3A_1473 = arith.cmpi sge, %broadcast_in_dim3A_1451, %add3A_358 : vector<16xi32>
      %convert_element_type3A_1474 = arith.extui %ge3A_1473 : vector<16xi1> to vector<16xi32>
      %add3A_1475 = arith.addi %add3A_1472, %convert_element_type3A_1474 : vector<16xi32>
      %eq3A_1476 = arith.constant 13 : i32
      %eq3A_1477 = vector.broadcast %eq3A_1476 : i32 to vector<16xi32>
      %eq3A_1478 = arith.cmpi eq, %iota3A, %eq3A_1477 : vector<16xi32>
      %convert_element_type3A_1479 = arith.extui %eq3A_1478 : vector<16xi1> to vector<16xi32>
      %mul3A_1480 = arith.muli %add3A_1475, %convert_element_type3A_1479 : vector<16xi32>
      %add3A_1481 = arith.addi %add3A_1447, %mul3A_1480 : vector<16xi32>
      %broadcast_in_dim3A_1482 = arith.constant -1 : i32
      %broadcast_in_dim3A_1483 = vector.broadcast %broadcast_in_dim3A_1482 : i32 to vector<16xi32>
      %broadcast_in_dim3A_1484 = arith.constant 1792 : i32
      %broadcast_in_dim3A_1485 = vector.broadcast %broadcast_in_dim3A_1484 : i32 to vector<16xi32>
      %ge3A_1486 = arith.cmpi sge, %broadcast_in_dim3A_1485, %broadcast_in_dim3A_3 : vector<16xi32>
      %convert_element_type3A_1487 = arith.extui %ge3A_1486 : vector<16xi1> to vector<16xi32>
      %add3A_1488 = arith.addi %broadcast_in_dim3A_1483, %convert_element_type3A_1487 : vector<16xi32>
      %ge3A_1489 = arith.cmpi sge, %broadcast_in_dim3A_1485, %add3A_130 : vector<16xi32>
      %convert_element_type3A_1490 = arith.extui %ge3A_1489 : vector<16xi1> to vector<16xi32>
      %add3A_1491 = arith.addi %add3A_1488, %convert_element_type3A_1490 : vector<16xi32>
      %ge3A_1492 = arith.cmpi sge, %broadcast_in_dim3A_1485, %add3A_168 : vector<16xi32>
      %convert_element_type3A_1493 = arith.extui %ge3A_1492 : vector<16xi1> to vector<16xi32>
      %add3A_1494 = arith.addi %add3A_1491, %convert_element_type3A_1493 : vector<16xi32>
      %ge3A_1495 = arith.cmpi sge, %broadcast_in_dim3A_1485, %add3A_206 : vector<16xi32>
      %convert_element_type3A_1496 = arith.extui %ge3A_1495 : vector<16xi1> to vector<16xi32>
      %add3A_1497 = arith.addi %add3A_1494, %convert_element_type3A_1496 : vector<16xi32>
      %ge3A_1498 = arith.cmpi sge, %broadcast_in_dim3A_1485, %add3A_244 : vector<16xi32>
      %convert_element_type3A_1499 = arith.extui %ge3A_1498 : vector<16xi1> to vector<16xi32>
      %add3A_1500 = arith.addi %add3A_1497, %convert_element_type3A_1499 : vector<16xi32>
      %ge3A_1501 = arith.cmpi sge, %broadcast_in_dim3A_1485, %add3A_282 : vector<16xi32>
      %convert_element_type3A_1502 = arith.extui %ge3A_1501 : vector<16xi1> to vector<16xi32>
      %add3A_1503 = arith.addi %add3A_1500, %convert_element_type3A_1502 : vector<16xi32>
      %ge3A_1504 = arith.cmpi sge, %broadcast_in_dim3A_1485, %add3A_320 : vector<16xi32>
      %convert_element_type3A_1505 = arith.extui %ge3A_1504 : vector<16xi1> to vector<16xi32>
      %add3A_1506 = arith.addi %add3A_1503, %convert_element_type3A_1505 : vector<16xi32>
      %ge3A_1507 = arith.cmpi sge, %broadcast_in_dim3A_1485, %add3A_358 : vector<16xi32>
      %convert_element_type3A_1508 = arith.extui %ge3A_1507 : vector<16xi1> to vector<16xi32>
      %add3A_1509 = arith.addi %add3A_1506, %convert_element_type3A_1508 : vector<16xi32>
      %eq3A_1510 = arith.constant 14 : i32
      %eq3A_1511 = vector.broadcast %eq3A_1510 : i32 to vector<16xi32>
      %eq3A_1512 = arith.cmpi eq, %iota3A, %eq3A_1511 : vector<16xi32>
      %convert_element_type3A_1513 = arith.extui %eq3A_1512 : vector<16xi1> to vector<16xi32>
      %mul3A_1514 = arith.muli %add3A_1509, %convert_element_type3A_1513 : vector<16xi32>
      %add3A_1515 = arith.addi %add3A_1481, %mul3A_1514 : vector<16xi32>
      %broadcast_in_dim3A_1516 = arith.constant -1 : i32
      %broadcast_in_dim3A_1517 = vector.broadcast %broadcast_in_dim3A_1516 : i32 to vector<16xi32>
      %broadcast_in_dim3A_1518 = arith.constant 1920 : i32
      %broadcast_in_dim3A_1519 = vector.broadcast %broadcast_in_dim3A_1518 : i32 to vector<16xi32>
      %ge3A_1520 = arith.cmpi sge, %broadcast_in_dim3A_1519, %broadcast_in_dim3A_3 : vector<16xi32>
      %convert_element_type3A_1521 = arith.extui %ge3A_1520 : vector<16xi1> to vector<16xi32>
      %add3A_1522 = arith.addi %broadcast_in_dim3A_1517, %convert_element_type3A_1521 : vector<16xi32>
      %ge3A_1523 = arith.cmpi sge, %broadcast_in_dim3A_1519, %add3A_130 : vector<16xi32>
      %convert_element_type3A_1524 = arith.extui %ge3A_1523 : vector<16xi1> to vector<16xi32>
      %add3A_1525 = arith.addi %add3A_1522, %convert_element_type3A_1524 : vector<16xi32>
      %ge3A_1526 = arith.cmpi sge, %broadcast_in_dim3A_1519, %add3A_168 : vector<16xi32>
      %convert_element_type3A_1527 = arith.extui %ge3A_1526 : vector<16xi1> to vector<16xi32>
      %add3A_1528 = arith.addi %add3A_1525, %convert_element_type3A_1527 : vector<16xi32>
      %ge3A_1529 = arith.cmpi sge, %broadcast_in_dim3A_1519, %add3A_206 : vector<16xi32>
      %convert_element_type3A_1530 = arith.extui %ge3A_1529 : vector<16xi1> to vector<16xi32>
      %add3A_1531 = arith.addi %add3A_1528, %convert_element_type3A_1530 : vector<16xi32>
      %ge3A_1532 = arith.cmpi sge, %broadcast_in_dim3A_1519, %add3A_244 : vector<16xi32>
      %convert_element_type3A_1533 = arith.extui %ge3A_1532 : vector<16xi1> to vector<16xi32>
      %add3A_1534 = arith.addi %add3A_1531, %convert_element_type3A_1533 : vector<16xi32>
      %ge3A_1535 = arith.cmpi sge, %broadcast_in_dim3A_1519, %add3A_282 : vector<16xi32>
      %convert_element_type3A_1536 = arith.extui %ge3A_1535 : vector<16xi1> to vector<16xi32>
      %add3A_1537 = arith.addi %add3A_1534, %convert_element_type3A_1536 : vector<16xi32>
      %ge3A_1538 = arith.cmpi sge, %broadcast_in_dim3A_1519, %add3A_320 : vector<16xi32>
      %convert_element_type3A_1539 = arith.extui %ge3A_1538 : vector<16xi1> to vector<16xi32>
      %add3A_1540 = arith.addi %add3A_1537, %convert_element_type3A_1539 : vector<16xi32>
      %ge3A_1541 = arith.cmpi sge, %broadcast_in_dim3A_1519, %add3A_358 : vector<16xi32>
      %convert_element_type3A_1542 = arith.extui %ge3A_1541 : vector<16xi1> to vector<16xi32>
      %add3A_1543 = arith.addi %add3A_1540, %convert_element_type3A_1542 : vector<16xi32>
      %eq3A_1544 = arith.constant 15 : i32
      %eq3A_1545 = vector.broadcast %eq3A_1544 : i32 to vector<16xi32>
      %eq3A_1546 = arith.cmpi eq, %iota3A, %eq3A_1545 : vector<16xi32>
      %convert_element_type3A_1547 = arith.extui %eq3A_1546 : vector<16xi1> to vector<16xi32>
      %mul3A_1548 = arith.muli %add3A_1543, %convert_element_type3A_1547 : vector<16xi32>
      %add3A_1549 = arith.addi %add3A_1515, %mul3A_1548 : vector<16xi32>
      %swap3A_1550 = arith.constant 0 : index
      %swap3A_1551 = tpu.vector_load %arg13[%swap3A_1550] {strides = array<i32>} : memref<32xi32, #tpu.memory_space<vmem>>, vector<16xi32>,
      tpu.vector_store %arg13[%swap3A_1550], %add3A_1549 {strides = array<i32>} : memref<32xi32, #tpu.memory_space<vmem>>, vector<16xi32>,
      %broadcast_in_dim3A_1552 = arith.constant -1 : i32
      %broadcast_in_dim3A_1553 = vector.broadcast %broadcast_in_dim3A_1552 : i32 to vector<16xi32>
      %broadcast_in_dim3A_1554 = arith.constant 2048 : i32
      %broadcast_in_dim3A_1555 = vector.broadcast %broadcast_in_dim3A_1554 : i32 to vector<16xi32>
      %ge3A_1556 = arith.cmpi sge, %broadcast_in_dim3A_1555, %broadcast_in_dim3A_3 : vector<16xi32>
      %convert_element_type3A_1557 = arith.extui %ge3A_1556 : vector<16xi1> to vector<16xi32>
      %add3A_1558 = arith.addi %broadcast_in_dim3A_1553, %convert_element_type3A_1557 : vector<16xi32>
      %ge3A_1559 = arith.cmpi sge, %broadcast_in_dim3A_1555, %add3A_130 : vector<16xi32>
      %convert_element_type3A_1560 = arith.extui %ge3A_1559 : vector<16xi1> to vector<16xi32>
      %add3A_1561 = arith.addi %add3A_1558, %convert_element_type3A_1560 : vector<16xi32>
      %ge3A_1562 = arith.cmpi sge, %broadcast_in_dim3A_1555, %add3A_168 : vector<16xi32>
      %convert_element_type3A_1563 = arith.extui %ge3A_1562 : vector<16xi1> to vector<16xi32>
      %add3A_1564 = arith.addi %add3A_1561, %convert_element_type3A_1563 : vector<16xi32>
      %ge3A_1565 = arith.cmpi sge, %broadcast_in_dim3A_1555, %add3A_206 : vector<16xi32>
      %convert_element_type3A_1566 = arith.extui %ge3A_1565 : vector<16xi1> to vector<16xi32>
      %add3A_1567 = arith.addi %add3A_1564, %convert_element_type3A_1566 : vector<16xi32>
      %ge3A_1568 = arith.cmpi sge, %broadcast_in_dim3A_1555, %add3A_244 : vector<16xi32>
      %convert_element_type3A_1569 = arith.extui %ge3A_1568 : vector<16xi1> to vector<16xi32>
      %add3A_1570 = arith.addi %add3A_1567, %convert_element_type3A_1569 : vector<16xi32>
      %ge3A_1571 = arith.cmpi sge, %broadcast_in_dim3A_1555, %add3A_282 : vector<16xi32>
      %convert_element_type3A_1572 = arith.extui %ge3A_1571 : vector<16xi1> to vector<16xi32>
      %add3A_1573 = arith.addi %add3A_1570, %convert_element_type3A_1572 : vector<16xi32>
      %ge3A_1574 = arith.cmpi sge, %broadcast_in_dim3A_1555, %add3A_320 : vector<16xi32>
      %convert_element_type3A_1575 = arith.extui %ge3A_1574 : vector<16xi1> to vector<16xi32>
      %add3A_1576 = arith.addi %add3A_1573, %convert_element_type3A_1575 : vector<16xi32>
      %ge3A_1577 = arith.cmpi sge, %broadcast_in_dim3A_1555, %add3A_358 : vector<16xi32>
      %convert_element_type3A_1578 = arith.extui %ge3A_1577 : vector<16xi1> to vector<16xi32>
      %add3A_1579 = arith.addi %add3A_1576, %convert_element_type3A_1578 : vector<16xi32>
      %eq3A_1580 = arith.constant 0 : i32
      %eq3A_1581 = vector.broadcast %eq3A_1580 : i32 to vector<16xi32>
      %eq3A_1582 = arith.cmpi eq, %iota3A, %eq3A_1581 : vector<16xi32>
      %convert_element_type3A_1583 = arith.extui %eq3A_1582 : vector<16xi1> to vector<16xi32>
      %mul3A_1584 = arith.muli %add3A_1579, %convert_element_type3A_1583 : vector<16xi32>
      %add3A_1585 = arith.addi %broadcast_in_dim3A_3, %mul3A_1584 : vector<16xi32>
      %broadcast_in_dim3A_1586 = arith.constant -1 : i32
      %broadcast_in_dim3A_1587 = vector.broadcast %broadcast_in_dim3A_1586 : i32 to vector<16xi32>
      %broadcast_in_dim3A_1588 = arith.constant 2176 : i32
      %broadcast_in_dim3A_1589 = vector.broadcast %broadcast_in_dim3A_1588 : i32 to vector<16xi32>
      %ge3A_1590 = arith.cmpi sge, %broadcast_in_dim3A_1589, %broadcast_in_dim3A_3 : vector<16xi32>
      %convert_element_type3A_1591 = arith.extui %ge3A_1590 : vector<16xi1> to vector<16xi32>
      %add3A_1592 = arith.addi %broadcast_in_dim3A_1587, %convert_element_type3A_1591 : vector<16xi32>
      %ge3A_1593 = arith.cmpi sge, %broadcast_in_dim3A_1589, %add3A_130 : vector<16xi32>
      %convert_element_type3A_1594 = arith.extui %ge3A_1593 : vector<16xi1> to vector<16xi32>
      %add3A_1595 = arith.addi %add3A_1592, %convert_element_type3A_1594 : vector<16xi32>
      %ge3A_1596 = arith.cmpi sge, %broadcast_in_dim3A_1589, %add3A_168 : vector<16xi32>
      %convert_element_type3A_1597 = arith.extui %ge3A_1596 : vector<16xi1> to vector<16xi32>
      %add3A_1598 = arith.addi %add3A_1595, %convert_element_type3A_1597 : vector<16xi32>
      %ge3A_1599 = arith.cmpi sge, %broadcast_in_dim3A_1589, %add3A_206 : vector<16xi32>
      %convert_element_type3A_1600 = arith.extui %ge3A_1599 : vector<16xi1> to vector<16xi32>
      %add3A_1601 = arith.addi %add3A_1598, %convert_element_type3A_1600 : vector<16xi32>
      %ge3A_1602 = arith.cmpi sge, %broadcast_in_dim3A_1589, %add3A_244 : vector<16xi32>
      %convert_element_type3A_1603 = arith.extui %ge3A_1602 : vector<16xi1> to vector<16xi32>
      %add3A_1604 = arith.addi %add3A_1601, %convert_element_type3A_1603 : vector<16xi32>
      %ge3A_1605 = arith.cmpi sge, %broadcast_in_dim3A_1589, %add3A_282 : vector<16xi32>
      %convert_element_type3A_1606 = arith.extui %ge3A_1605 : vector<16xi1> to vector<16xi32>
      %add3A_1607 = arith.addi %add3A_1604, %convert_element_type3A_1606 : vector<16xi32>
      %ge3A_1608 = arith.cmpi sge, %broadcast_in_dim3A_1589, %add3A_320 : vector<16xi32>
      %convert_element_type3A_1609 = arith.extui %ge3A_1608 : vector<16xi1> to vector<16xi32>
      %add3A_1610 = arith.addi %add3A_1607, %convert_element_type3A_1609 : vector<16xi32>
      %ge3A_1611 = arith.cmpi sge, %broadcast_in_dim3A_1589, %add3A_358 : vector<16xi32>
      %convert_element_type3A_1612 = arith.extui %ge3A_1611 : vector<16xi1> to vector<16xi32>
      %add3A_1613 = arith.addi %add3A_1610, %convert_element_type3A_1612 : vector<16xi32>
      %eq3A_1614 = arith.constant 1 : i32
      %eq3A_1615 = vector.broadcast %eq3A_1614 : i32 to vector<16xi32>
      %eq3A_1616 = arith.cmpi eq, %iota3A, %eq3A_1615 : vector<16xi32>
      %convert_element_type3A_1617 = arith.extui %eq3A_1616 : vector<16xi1> to vector<16xi32>
      %mul3A_1618 = arith.muli %add3A_1613, %convert_element_type3A_1617 : vector<16xi32>
      %add3A_1619 = arith.addi %add3A_1585, %mul3A_1618 : vector<16xi32>
      %broadcast_in_dim3A_1620 = arith.constant -1 : i32
      %broadcast_in_dim3A_1621 = vector.broadcast %broadcast_in_dim3A_1620 : i32 to vector<16xi32>
      %broadcast_in_dim3A_1622 = arith.constant 2304 : i32
      %broadcast_in_dim3A_1623 = vector.broadcast %broadcast_in_dim3A_1622 : i32 to vector<16xi32>
      %ge3A_1624 = arith.cmpi sge, %broadcast_in_dim3A_1623, %broadcast_in_dim3A_3 : vector<16xi32>
      %convert_element_type3A_1625 = arith.extui %ge3A_1624 : vector<16xi1> to vector<16xi32>
      %add3A_1626 = arith.addi %broadcast_in_dim3A_1621, %convert_element_type3A_1625 : vector<16xi32>
      %ge3A_1627 = arith.cmpi sge, %broadcast_in_dim3A_1623, %add3A_130 : vector<16xi32>
      %convert_element_type3A_1628 = arith.extui %ge3A_1627 : vector<16xi1> to vector<16xi32>
      %add3A_1629 = arith.addi %add3A_1626, %convert_element_type3A_1628 : vector<16xi32>
      %ge3A_1630 = arith.cmpi sge, %broadcast_in_dim3A_1623, %add3A_168 : vector<16xi32>
      %convert_element_type3A_1631 = arith.extui %ge3A_1630 : vector<16xi1> to vector<16xi32>
      %add3A_1632 = arith.addi %add3A_1629, %convert_element_type3A_1631 : vector<16xi32>
      %ge3A_1633 = arith.cmpi sge, %broadcast_in_dim3A_1623, %add3A_206 : vector<16xi32>
      %convert_element_type3A_1634 = arith.extui %ge3A_1633 : vector<16xi1> to vector<16xi32>
      %add3A_1635 = arith.addi %add3A_1632, %convert_element_type3A_1634 : vector<16xi32>
      %ge3A_1636 = arith.cmpi sge, %broadcast_in_dim3A_1623, %add3A_244 : vector<16xi32>
      %convert_element_type3A_1637 = arith.extui %ge3A_1636 : vector<16xi1> to vector<16xi32>
      %add3A_1638 = arith.addi %add3A_1635, %convert_element_type3A_1637 : vector<16xi32>
      %ge3A_1639 = arith.cmpi sge, %broadcast_in_dim3A_1623, %add3A_282 : vector<16xi32>
      %convert_element_type3A_1640 = arith.extui %ge3A_1639 : vector<16xi1> to vector<16xi32>
      %add3A_1641 = arith.addi %add3A_1638, %convert_element_type3A_1640 : vector<16xi32>
      %ge3A_1642 = arith.cmpi sge, %broadcast_in_dim3A_1623, %add3A_320 : vector<16xi32>
      %convert_element_type3A_1643 = arith.extui %ge3A_1642 : vector<16xi1> to vector<16xi32>
      %add3A_1644 = arith.addi %add3A_1641, %convert_element_type3A_1643 : vector<16xi32>
      %ge3A_1645 = arith.cmpi sge, %broadcast_in_dim3A_1623, %add3A_358 : vector<16xi32>
      %convert_element_type3A_1646 = arith.extui %ge3A_1645 : vector<16xi1> to vector<16xi32>
      %add3A_1647 = arith.addi %add3A_1644, %convert_element_type3A_1646 : vector<16xi32>
      %eq3A_1648 = arith.constant 2 : i32
      %eq3A_1649 = vector.broadcast %eq3A_1648 : i32 to vector<16xi32>
      %eq3A_1650 = arith.cmpi eq, %iota3A, %eq3A_1649 : vector<16xi32>
      %convert_element_type3A_1651 = arith.extui %eq3A_1650 : vector<16xi1> to vector<16xi32>
      %mul3A_1652 = arith.muli %add3A_1647, %convert_element_type3A_1651 : vector<16xi32>
      %add3A_1653 = arith.addi %add3A_1619, %mul3A_1652 : vector<16xi32>
      %broadcast_in_dim3A_1654 = arith.constant -1 : i32
      %broadcast_in_dim3A_1655 = vector.broadcast %broadcast_in_dim3A_1654 : i32 to vector<16xi32>
      %broadcast_in_dim3A_1656 = arith.constant 2432 : i32
      %broadcast_in_dim3A_1657 = vector.broadcast %broadcast_in_dim3A_1656 : i32 to vector<16xi32>
      %ge3A_1658 = arith.cmpi sge, %broadcast_in_dim3A_1657, %broadcast_in_dim3A_3 : vector<16xi32>
      %convert_element_type3A_1659 = arith.extui %ge3A_1658 : vector<16xi1> to vector<16xi32>
      %add3A_1660 = arith.addi %broadcast_in_dim3A_1655, %convert_element_type3A_1659 : vector<16xi32>
      %ge3A_1661 = arith.cmpi sge, %broadcast_in_dim3A_1657, %add3A_130 : vector<16xi32>
      %convert_element_type3A_1662 = arith.extui %ge3A_1661 : vector<16xi1> to vector<16xi32>
      %add3A_1663 = arith.addi %add3A_1660, %convert_element_type3A_1662 : vector<16xi32>
      %ge3A_1664 = arith.cmpi sge, %broadcast_in_dim3A_1657, %add3A_168 : vector<16xi32>
      %convert_element_type3A_1665 = arith.extui %ge3A_1664 : vector<16xi1> to vector<16xi32>
      %add3A_1666 = arith.addi %add3A_1663, %convert_element_type3A_1665 : vector<16xi32>
      %ge3A_1667 = arith.cmpi sge, %broadcast_in_dim3A_1657, %add3A_206 : vector<16xi32>
      %convert_element_type3A_1668 = arith.extui %ge3A_1667 : vector<16xi1> to vector<16xi32>
      %add3A_1669 = arith.addi %add3A_1666, %convert_element_type3A_1668 : vector<16xi32>
      %ge3A_1670 = arith.cmpi sge, %broadcast_in_dim3A_1657, %add3A_244 : vector<16xi32>
      %convert_element_type3A_1671 = arith.extui %ge3A_1670 : vector<16xi1> to vector<16xi32>
      %add3A_1672 = arith.addi %add3A_1669, %convert_element_type3A_1671 : vector<16xi32>
      %ge3A_1673 = arith.cmpi sge, %broadcast_in_dim3A_1657, %add3A_282 : vector<16xi32>
      %convert_element_type3A_1674 = arith.extui %ge3A_1673 : vector<16xi1> to vector<16xi32>
      %add3A_1675 = arith.addi %add3A_1672, %convert_element_type3A_1674 : vector<16xi32>
      %ge3A_1676 = arith.cmpi sge, %broadcast_in_dim3A_1657, %add3A_320 : vector<16xi32>
      %convert_element_type3A_1677 = arith.extui %ge3A_1676 : vector<16xi1> to vector<16xi32>
      %add3A_1678 = arith.addi %add3A_1675, %convert_element_type3A_1677 : vector<16xi32>
      %ge3A_1679 = arith.cmpi sge, %broadcast_in_dim3A_1657, %add3A_358 : vector<16xi32>
      %convert_element_type3A_1680 = arith.extui %ge3A_1679 : vector<16xi1> to vector<16xi32>
      %add3A_1681 = arith.addi %add3A_1678, %convert_element_type3A_1680 : vector<16xi32>
      %eq3A_1682 = arith.constant 3 : i32
      %eq3A_1683 = vector.broadcast %eq3A_1682 : i32 to vector<16xi32>
      %eq3A_1684 = arith.cmpi eq, %iota3A, %eq3A_1683 : vector<16xi32>
      %convert_element_type3A_1685 = arith.extui %eq3A_1684 : vector<16xi1> to vector<16xi32>
      %mul3A_1686 = arith.muli %add3A_1681, %convert_element_type3A_1685 : vector<16xi32>
      %add3A_1687 = arith.addi %add3A_1653, %mul3A_1686 : vector<16xi32>
      %broadcast_in_dim3A_1688 = arith.constant -1 : i32
      %broadcast_in_dim3A_1689 = vector.broadcast %broadcast_in_dim3A_1688 : i32 to vector<16xi32>
      %broadcast_in_dim3A_1690 = arith.constant 2560 : i32
      %broadcast_in_dim3A_1691 = vector.broadcast %broadcast_in_dim3A_1690 : i32 to vector<16xi32>
      %ge3A_1692 = arith.cmpi sge, %broadcast_in_dim3A_1691, %broadcast_in_dim3A_3 : vector<16xi32>
      %convert_element_type3A_1693 = arith.extui %ge3A_1692 : vector<16xi1> to vector<16xi32>
      %add3A_1694 = arith.addi %broadcast_in_dim3A_1689, %convert_element_type3A_1693 : vector<16xi32>
      %ge3A_1695 = arith.cmpi sge, %broadcast_in_dim3A_1691, %add3A_130 : vector<16xi32>
      %convert_element_type3A_1696 = arith.extui %ge3A_1695 : vector<16xi1> to vector<16xi32>
      %add3A_1697 = arith.addi %add3A_1694, %convert_element_type3A_1696 : vector<16xi32>
      %ge3A_1698 = arith.cmpi sge, %broadcast_in_dim3A_1691, %add3A_168 : vector<16xi32>
      %convert_element_type3A_1699 = arith.extui %ge3A_1698 : vector<16xi1> to vector<16xi32>
      %add3A_1700 = arith.addi %add3A_1697, %convert_element_type3A_1699 : vector<16xi32>
      %ge3A_1701 = arith.cmpi sge, %broadcast_in_dim3A_1691, %add3A_206 : vector<16xi32>
      %convert_element_type3A_1702 = arith.extui %ge3A_1701 : vector<16xi1> to vector<16xi32>
      %add3A_1703 = arith.addi %add3A_1700, %convert_element_type3A_1702 : vector<16xi32>
      %ge3A_1704 = arith.cmpi sge, %broadcast_in_dim3A_1691, %add3A_244 : vector<16xi32>
      %convert_element_type3A_1705 = arith.extui %ge3A_1704 : vector<16xi1> to vector<16xi32>
      %add3A_1706 = arith.addi %add3A_1703, %convert_element_type3A_1705 : vector<16xi32>
      %ge3A_1707 = arith.cmpi sge, %broadcast_in_dim3A_1691, %add3A_282 : vector<16xi32>
      %convert_element_type3A_1708 = arith.extui %ge3A_1707 : vector<16xi1> to vector<16xi32>
      %add3A_1709 = arith.addi %add3A_1706, %convert_element_type3A_1708 : vector<16xi32>
      %ge3A_1710 = arith.cmpi sge, %broadcast_in_dim3A_1691, %add3A_320 : vector<16xi32>
      %convert_element_type3A_1711 = arith.extui %ge3A_1710 : vector<16xi1> to vector<16xi32>
      %add3A_1712 = arith.addi %add3A_1709, %convert_element_type3A_1711 : vector<16xi32>
      %ge3A_1713 = arith.cmpi sge, %broadcast_in_dim3A_1691, %add3A_358 : vector<16xi32>
      %convert_element_type3A_1714 = arith.extui %ge3A_1713 : vector<16xi1> to vector<16xi32>
      %add3A_1715 = arith.addi %add3A_1712, %convert_element_type3A_1714 : vector<16xi32>
      %eq3A_1716 = arith.constant 4 : i32
      %eq3A_1717 = vector.broadcast %eq3A_1716 : i32 to vector<16xi32>
      %eq3A_1718 = arith.cmpi eq, %iota3A, %eq3A_1717 : vector<16xi32>
      %convert_element_type3A_1719 = arith.extui %eq3A_1718 : vector<16xi1> to vector<16xi32>
      %mul3A_1720 = arith.muli %add3A_1715, %convert_element_type3A_1719 : vector<16xi32>
      %add3A_1721 = arith.addi %add3A_1687, %mul3A_1720 : vector<16xi32>
      %broadcast_in_dim3A_1722 = arith.constant -1 : i32
      %broadcast_in_dim3A_1723 = vector.broadcast %broadcast_in_dim3A_1722 : i32 to vector<16xi32>
      %broadcast_in_dim3A_1724 = arith.constant 2688 : i32
      %broadcast_in_dim3A_1725 = vector.broadcast %broadcast_in_dim3A_1724 : i32 to vector<16xi32>
      %ge3A_1726 = arith.cmpi sge, %broadcast_in_dim3A_1725, %broadcast_in_dim3A_3 : vector<16xi32>
      %convert_element_type3A_1727 = arith.extui %ge3A_1726 : vector<16xi1> to vector<16xi32>
      %add3A_1728 = arith.addi %broadcast_in_dim3A_1723, %convert_element_type3A_1727 : vector<16xi32>
      %ge3A_1729 = arith.cmpi sge, %broadcast_in_dim3A_1725, %add3A_130 : vector<16xi32>
      %convert_element_type3A_1730 = arith.extui %ge3A_1729 : vector<16xi1> to vector<16xi32>
      %add3A_1731 = arith.addi %add3A_1728, %convert_element_type3A_1730 : vector<16xi32>
      %ge3A_1732 = arith.cmpi sge, %broadcast_in_dim3A_1725, %add3A_168 : vector<16xi32>
      %convert_element_type3A_1733 = arith.extui %ge3A_1732 : vector<16xi1> to vector<16xi32>
      %add3A_1734 = arith.addi %add3A_1731, %convert_element_type3A_1733 : vector<16xi32>
      %ge3A_1735 = arith.cmpi sge, %broadcast_in_dim3A_1725, %add3A_206 : vector<16xi32>
      %convert_element_type3A_1736 = arith.extui %ge3A_1735 : vector<16xi1> to vector<16xi32>
      %add3A_1737 = arith.addi %add3A_1734, %convert_element_type3A_1736 : vector<16xi32>
      %ge3A_1738 = arith.cmpi sge, %broadcast_in_dim3A_1725, %add3A_244 : vector<16xi32>
      %convert_element_type3A_1739 = arith.extui %ge3A_1738 : vector<16xi1> to vector<16xi32>
      %add3A_1740 = arith.addi %add3A_1737, %convert_element_type3A_1739 : vector<16xi32>
      %ge3A_1741 = arith.cmpi sge, %broadcast_in_dim3A_1725, %add3A_282 : vector<16xi32>
      %convert_element_type3A_1742 = arith.extui %ge3A_1741 : vector<16xi1> to vector<16xi32>
      %add3A_1743 = arith.addi %add3A_1740, %convert_element_type3A_1742 : vector<16xi32>
      %ge3A_1744 = arith.cmpi sge, %broadcast_in_dim3A_1725, %add3A_320 : vector<16xi32>
      %convert_element_type3A_1745 = arith.extui %ge3A_1744 : vector<16xi1> to vector<16xi32>
      %add3A_1746 = arith.addi %add3A_1743, %convert_element_type3A_1745 : vector<16xi32>
      %ge3A_1747 = arith.cmpi sge, %broadcast_in_dim3A_1725, %add3A_358 : vector<16xi32>
      %convert_element_type3A_1748 = arith.extui %ge3A_1747 : vector<16xi1> to vector<16xi32>
      %add3A_1749 = arith.addi %add3A_1746, %convert_element_type3A_1748 : vector<16xi32>
      %eq3A_1750 = arith.constant 5 : i32
      %eq3A_1751 = vector.broadcast %eq3A_1750 : i32 to vector<16xi32>
      %eq3A_1752 = arith.cmpi eq, %iota3A, %eq3A_1751 : vector<16xi32>
      %convert_element_type3A_1753 = arith.extui %eq3A_1752 : vector<16xi1> to vector<16xi32>
      %mul3A_1754 = arith.muli %add3A_1749, %convert_element_type3A_1753 : vector<16xi32>
      %add3A_1755 = arith.addi %add3A_1721, %mul3A_1754 : vector<16xi32>
      %broadcast_in_dim3A_1756 = arith.constant -1 : i32
      %broadcast_in_dim3A_1757 = vector.broadcast %broadcast_in_dim3A_1756 : i32 to vector<16xi32>
      %broadcast_in_dim3A_1758 = arith.constant 2816 : i32
      %broadcast_in_dim3A_1759 = vector.broadcast %broadcast_in_dim3A_1758 : i32 to vector<16xi32>
      %ge3A_1760 = arith.cmpi sge, %broadcast_in_dim3A_1759, %broadcast_in_dim3A_3 : vector<16xi32>
      %convert_element_type3A_1761 = arith.extui %ge3A_1760 : vector<16xi1> to vector<16xi32>
      %add3A_1762 = arith.addi %broadcast_in_dim3A_1757, %convert_element_type3A_1761 : vector<16xi32>
      %ge3A_1763 = arith.cmpi sge, %broadcast_in_dim3A_1759, %add3A_130 : vector<16xi32>
      %convert_element_type3A_1764 = arith.extui %ge3A_1763 : vector<16xi1> to vector<16xi32>
      %add3A_1765 = arith.addi %add3A_1762, %convert_element_type3A_1764 : vector<16xi32>
      %ge3A_1766 = arith.cmpi sge, %broadcast_in_dim3A_1759, %add3A_168 : vector<16xi32>
      %convert_element_type3A_1767 = arith.extui %ge3A_1766 : vector<16xi1> to vector<16xi32>
      %add3A_1768 = arith.addi %add3A_1765, %convert_element_type3A_1767 : vector<16xi32>
      %ge3A_1769 = arith.cmpi sge, %broadcast_in_dim3A_1759, %add3A_206 : vector<16xi32>
      %convert_element_type3A_1770 = arith.extui %ge3A_1769 : vector<16xi1> to vector<16xi32>
      %add3A_1771 = arith.addi %add3A_1768, %convert_element_type3A_1770 : vector<16xi32>
      %ge3A_1772 = arith.cmpi sge, %broadcast_in_dim3A_1759, %add3A_244 : vector<16xi32>
      %convert_element_type3A_1773 = arith.extui %ge3A_1772 : vector<16xi1> to vector<16xi32>
      %add3A_1774 = arith.addi %add3A_1771, %convert_element_type3A_1773 : vector<16xi32>
      %ge3A_1775 = arith.cmpi sge, %broadcast_in_dim3A_1759, %add3A_282 : vector<16xi32>
      %convert_element_type3A_1776 = arith.extui %ge3A_1775 : vector<16xi1> to vector<16xi32>
      %add3A_1777 = arith.addi %add3A_1774, %convert_element_type3A_1776 : vector<16xi32>
      %ge3A_1778 = arith.cmpi sge, %broadcast_in_dim3A_1759, %add3A_320 : vector<16xi32>
      %convert_element_type3A_1779 = arith.extui %ge3A_1778 : vector<16xi1> to vector<16xi32>
      %add3A_1780 = arith.addi %add3A_1777, %convert_element_type3A_1779 : vector<16xi32>
      %ge3A_1781 = arith.cmpi sge, %broadcast_in_dim3A_1759, %add3A_358 : vector<16xi32>
      %convert_element_type3A_1782 = arith.extui %ge3A_1781 : vector<16xi1> to vector<16xi32>
      %add3A_1783 = arith.addi %add3A_1780, %convert_element_type3A_1782 : vector<16xi32>
      %eq3A_1784 = arith.constant 6 : i32
      %eq3A_1785 = vector.broadcast %eq3A_1784 : i32 to vector<16xi32>
      %eq3A_1786 = arith.cmpi eq, %iota3A, %eq3A_1785 : vector<16xi32>
      %convert_element_type3A_1787 = arith.extui %eq3A_1786 : vector<16xi1> to vector<16xi32>
      %mul3A_1788 = arith.muli %add3A_1783, %convert_element_type3A_1787 : vector<16xi32>
      %add3A_1789 = arith.addi %add3A_1755, %mul3A_1788 : vector<16xi32>
      %broadcast_in_dim3A_1790 = arith.constant -1 : i32
      %broadcast_in_dim3A_1791 = vector.broadcast %broadcast_in_dim3A_1790 : i32 to vector<16xi32>
      %broadcast_in_dim3A_1792 = arith.constant 2944 : i32
      %broadcast_in_dim3A_1793 = vector.broadcast %broadcast_in_dim3A_1792 : i32 to vector<16xi32>
      %ge3A_1794 = arith.cmpi sge, %broadcast_in_dim3A_1793, %broadcast_in_dim3A_3 : vector<16xi32>
      %convert_element_type3A_1795 = arith.extui %ge3A_1794 : vector<16xi1> to vector<16xi32>
      %add3A_1796 = arith.addi %broadcast_in_dim3A_1791, %convert_element_type3A_1795 : vector<16xi32>
      %ge3A_1797 = arith.cmpi sge, %broadcast_in_dim3A_1793, %add3A_130 : vector<16xi32>
      %convert_element_type3A_1798 = arith.extui %ge3A_1797 : vector<16xi1> to vector<16xi32>
      %add3A_1799 = arith.addi %add3A_1796, %convert_element_type3A_1798 : vector<16xi32>
      %ge3A_1800 = arith.cmpi sge, %broadcast_in_dim3A_1793, %add3A_168 : vector<16xi32>
      %convert_element_type3A_1801 = arith.extui %ge3A_1800 : vector<16xi1> to vector<16xi32>
      %add3A_1802 = arith.addi %add3A_1799, %convert_element_type3A_1801 : vector<16xi32>
      %ge3A_1803 = arith.cmpi sge, %broadcast_in_dim3A_1793, %add3A_206 : vector<16xi32>
      %convert_element_type3A_1804 = arith.extui %ge3A_1803 : vector<16xi1> to vector<16xi32>
      %add3A_1805 = arith.addi %add3A_1802, %convert_element_type3A_1804 : vector<16xi32>
      %ge3A_1806 = arith.cmpi sge, %broadcast_in_dim3A_1793, %add3A_244 : vector<16xi32>
      %convert_element_type3A_1807 = arith.extui %ge3A_1806 : vector<16xi1> to vector<16xi32>
      %add3A_1808 = arith.addi %add3A_1805, %convert_element_type3A_1807 : vector<16xi32>
      %ge3A_1809 = arith.cmpi sge, %broadcast_in_dim3A_1793, %add3A_282 : vector<16xi32>
      %convert_element_type3A_1810 = arith.extui %ge3A_1809 : vector<16xi1> to vector<16xi32>
      %add3A_1811 = arith.addi %add3A_1808, %convert_element_type3A_1810 : vector<16xi32>
      %ge3A_1812 = arith.cmpi sge, %broadcast_in_dim3A_1793, %add3A_320 : vector<16xi32>
      %convert_element_type3A_1813 = arith.extui %ge3A_1812 : vector<16xi1> to vector<16xi32>
      %add3A_1814 = arith.addi %add3A_1811, %convert_element_type3A_1813 : vector<16xi32>
      %ge3A_1815 = arith.cmpi sge, %broadcast_in_dim3A_1793, %add3A_358 : vector<16xi32>
      %convert_element_type3A_1816 = arith.extui %ge3A_1815 : vector<16xi1> to vector<16xi32>
      %add3A_1817 = arith.addi %add3A_1814, %convert_element_type3A_1816 : vector<16xi32>
      %eq3A_1818 = arith.constant 7 : i32
      %eq3A_1819 = vector.broadcast %eq3A_1818 : i32 to vector<16xi32>
      %eq3A_1820 = arith.cmpi eq, %iota3A, %eq3A_1819 : vector<16xi32>
      %convert_element_type3A_1821 = arith.extui %eq3A_1820 : vector<16xi1> to vector<16xi32>
      %mul3A_1822 = arith.muli %add3A_1817, %convert_element_type3A_1821 : vector<16xi32>
      %add3A_1823 = arith.addi %add3A_1789, %mul3A_1822 : vector<16xi32>
      %swap3A_1824 = arith.constant 16 : index
      %swap3A_1825 = tpu.vector_load %arg13[%swap3A_1824] {strides = array<i32>} : memref<32xi32, #tpu.memory_space<vmem>>, vector<16xi32>,
      tpu.vector_store %arg13[%swap3A_1824], %add3A_1823 {strides = array<i32>} : memref<32xi32, #tpu.memory_space<vmem>>, vector<16xi32>,
      "tpu.region"() ({
        %run_scoped3A = tpu.sem_alloc : memref<!tpu.dma_semaphore, #tpu.memory_space<semaphore_mem>>
        tpu.enqueue_dma source(%arg13 : memref<32xi32, #tpu.memory_space<vmem>>) target(%arg6 : memref<32xi32, #tpu.memory_space<hbm>>) target_semaphore(%run_scoped3A : memref<!tpu.dma_semaphore, #tpu.memory_space<semaphore_mem>>)
        tpu.wait_dma2 semaphore(%run_scoped3A : memref<!tpu.dma_semaphore, #tpu.memory_space<semaphore_mem>>) src(%arg13 : memref<32xi32, #tpu.memory_space<vmem>>) dst(%arg6 : memref<32xi32, #tpu.memory_space<hbm>>)
        tpu.yield
      }) : () -> ()
    } else {
    }
    return
  }
}

#map = affine_map<(d0, d1) -> (0)>
#map1 = affine_map<(d0, d1) -> (0, 0)>
module attributes {stable_mosaic.version = 14 : i64} {
  func.func @_unsort_body(%arg0: i32, %arg1: i32, %arg2: memref<2048xi32, #tpu.memory_space<hbm>>, %arg3: memref<3072x1024xf32, #tpu.memory_space<hbm>>, %arg4: memref<2048x1024xf32, #tpu.memory_space<hbm>>, %arg5: memref<64xi32, #tpu.memory_space<vmem>>, %arg6: memref<64x1024xf32, #tpu.memory_space<vmem>>, %arg7: memref<!tpu.dma_semaphore, #tpu.memory_space<semaphore_mem>>) attributes {dimension_semantics = [#tpu.dimension_semantics<core_parallel>, #tpu.dimension_semantics<subcore_parallel>], iteration_bounds = array<i64: 2, 16>, scalar_prefetch = 0 : i64, scratch_operands = 3 : i64, tpu.core_type = #tpu.core_type<sc_vector_subcore>, window_params = [{transform_indices = #map}, {transform_indices = #map1}, {transform_indices = #map1}]} {
    %mul3A = arith.constant 2 : i32
    %mul3A_0 = arith.muli %arg1, %mul3A : i32
    %add3A = arith.addi %mul3A_0, %arg0 : i32
    %mul3A_1 = arith.constant 64 : i32
    %mul3A_2 = arith.muli %add3A, %mul3A_1 : i32
    "tpu.region"() ({
      %run_scoped3A = tpu.sem_alloc : memref<!tpu.dma_semaphore, #tpu.memory_space<semaphore_mem>>
      %dma_start3A_7 = tpu.memref_slice %arg2[%mul3A_2] : memref<2048xi32, #tpu.memory_space<hbm>> -> memref<64xi32, #tpu.memory_space<hbm>>
      %dma_start3A_8 = tpu.memref_slice %arg2[%mul3A_2] : memref<2048xi32, #tpu.memory_space<hbm>> -> memref<64xi32, #tpu.memory_space<hbm>>
      tpu.enqueue_dma source(%dma_start3A_8 : memref<64xi32, #tpu.memory_space<hbm>>) target(%arg5 : memref<64xi32, #tpu.memory_space<vmem>>) target_semaphore(%run_scoped3A : memref<!tpu.dma_semaphore, #tpu.memory_space<semaphore_mem>>)
      %dma_wait3A_9 = tpu.memref_slice %arg2[%mul3A_2] : memref<2048xi32, #tpu.memory_space<hbm>> -> memref<64xi32, #tpu.memory_space<hbm>>
      %dma_wait3A_10 = tpu.memref_slice %arg2[%mul3A_2] : memref<2048xi32, #tpu.memory_space<hbm>> -> memref<64xi32, #tpu.memory_space<hbm>>
      tpu.wait_dma2 semaphore(%run_scoped3A : memref<!tpu.dma_semaphore, #tpu.memory_space<semaphore_mem>>) src(%dma_wait3A_10 : memref<64xi32, #tpu.memory_space<hbm>>) dst(%arg5 : memref<64xi32, #tpu.memory_space<vmem>>)
      tpu.yield
    }) : () -> ()
    %dma_start3A = arith.constant 0 : i32
    %dma_start3A_3 = arith.constant 0 : i32
    %dma_start3A_4 = tpu.memref_slice %arg3[%dma_start3A, %dma_start3A_3] : memref<3072x1024xf32, #tpu.memory_space<hbm>> -> memref<3072x1024xf32, #tpu.memory_space<hbm>>
    tpu.enqueue_indirect_dma source(%dma_start3A_4 : memref<3072x1024xf32, #tpu.memory_space<hbm>>) target(%arg6 : memref<64x1024xf32, #tpu.memory_space<vmem>>) offsets(%arg5 : memref<64xi32, #tpu.memory_space<vmem>>) semaphore(%arg7 : memref<!tpu.dma_semaphore, #tpu.memory_space<semaphore_mem>>)
    %dma_wait3A = arith.constant 0 : i32
    %dma_wait3A_5 = arith.constant 0 : i32
    %dma_wait3A_6 = tpu.memref_slice %arg3[%dma_wait3A, %dma_wait3A_5] : memref<3072x1024xf32, #tpu.memory_space<hbm>> -> memref<3072x1024xf32, #tpu.memory_space<hbm>>
    tpu.wait_indirect_dma semaphore(%arg7 : memref<!tpu.dma_semaphore, #tpu.memory_space<semaphore_mem>>) src(%dma_wait3A_6 : memref<3072x1024xf32, #tpu.memory_space<hbm>>) dst(%arg6 : memref<64x1024xf32, #tpu.memory_space<vmem>>)
    "tpu.region"() ({
      %run_scoped3A = tpu.sem_alloc : memref<!tpu.dma_semaphore, #tpu.memory_space<semaphore_mem>>
      %dma_start3A_7 = arith.constant 0 : i32
      %dma_start3A_8 = tpu.memref_slice %arg4[%mul3A_2, %dma_start3A_7] : memref<2048x1024xf32, #tpu.memory_space<hbm>> -> memref<64x1024xf32, #tpu.memory_space<hbm>>
      %dma_start3A_9 = arith.constant 0 : i32
      %dma_start3A_10 = tpu.memref_slice %arg4[%mul3A_2, %dma_start3A_9] : memref<2048x1024xf32, #tpu.memory_space<hbm>> -> memref<64x1024xf32, #tpu.memory_space<hbm>>
      tpu.enqueue_dma source(%arg6 : memref<64x1024xf32, #tpu.memory_space<vmem>>) target(%dma_start3A_10 : memref<64x1024xf32, #tpu.memory_space<hbm>>) target_semaphore(%run_scoped3A : memref<!tpu.dma_semaphore, #tpu.memory_space<semaphore_mem>>)
      %dma_wait3A_11 = arith.constant 0 : i32
      %dma_wait3A_12 = tpu.memref_slice %arg4[%mul3A_2, %dma_wait3A_11] : memref<2048x1024xf32, #tpu.memory_space<hbm>> -> memref<64x1024xf32, #tpu.memory_space<hbm>>
      %dma_wait3A_13 = arith.constant 0 : i32
      %dma_wait3A_14 = tpu.memref_slice %arg4[%mul3A_2, %dma_wait3A_13] : memref<2048x1024xf32, #tpu.memory_space<hbm>> -> memref<64x1024xf32, #tpu.memory_space<hbm>>
      tpu.wait_dma2 semaphore(%run_scoped3A : memref<!tpu.dma_semaphore, #tpu.memory_space<semaphore_mem>>) src(%arg6 : memref<64x1024xf32, #tpu.memory_space<vmem>>) dst(%dma_wait3A_14 : memref<64x1024xf32, #tpu.memory_space<hbm>>)
      tpu.yield
    }) : () -> ()
    return
  }
}

module attributes {stable_mosaic.version = 14 : i64} {
  func.func @_gate_body(%arg0: i32, %arg1: memref<512x1024xf32, #tpu.memory_space<vmem>>, %arg2: memref<1024x512xf32, #tpu.memory_space<vmem>>, %arg3: memref<512xf32, #tpu.memory_space<vmem>>, %arg4: memref<512x128xf32, #tpu.memory_space<vmem>>, %arg5: memref<128xf32, #tpu.memory_space<vmem>>, %arg6: memref<512x128xf32, #tpu.memory_space<vmem>>, %arg7: memref<1x1x512xi32, #tpu.memory_space<vmem>>) attributes {dimension_semantics = [#tpu.dimension_semantics<arbitrary>], iteration_bounds = array<i64: 4>, scalar_prefetch = 0 : i64, scratch_operands = 0 : i64, tpu.core_type = #tpu.core_type<tc>, window_params = [{transform_indices = @transform_0, window_bounds = array<i64: 512, 1024>}, {pipeline_mode = #tpu.pipeline_mode<synchronous>, transform_indices = @transform_1, window_bounds = array<i64: 1024, 512>}, {pipeline_mode = #tpu.pipeline_mode<synchronous>, transform_indices = @transform_2, window_bounds = array<i64: 512>}, {pipeline_mode = #tpu.pipeline_mode<synchronous>, transform_indices = @transform_3, window_bounds = array<i64: 512, 128>}, {pipeline_mode = #tpu.pipeline_mode<synchronous>, transform_indices = @transform_4, window_bounds = array<i64: 128>}, {transform_indices = @transform_5, window_bounds = array<i64: 512, 128>}, {transform_indices = @transform_6, window_bounds = array<i64: 1, 1, 512>}]} {
    %get3A = arith.constant 0 : index
    %get3A_0 = arith.constant 0 : index
    %get3A_1 = vector.load %arg1[%get3A, %get3A_0] : memref<512x1024xf32, #tpu.memory_space<vmem>>, vector<512x1024xf32>
    %get3A_2 = arith.constant 0 : index
    %get3A_3 = arith.constant 0 : index
    %get3A_4 = vector.load %arg2[%get3A_2, %get3A_3] : memref<1024x512xf32, #tpu.memory_space<vmem>>, vector<1024x512xf32>
    %dot_general3A = arith.constant dense<0.000000e+00> : vector<512x512xf32>
    %dot_general3A_5 = tpu.matmul %get3A_1, %get3A_4, %dot_general3A {dimension_numbers = #tpu.dot_dimension_numbers<[1], [0], [0], [1], [0, 0, 1, 1], [], []>, transpose_lhs_hint = false} : vector<512x1024xf32>, vector<1024x512xf32>, vector<512x512xf32> -> vector<512x512xf32>
    %get3A_6 = arith.constant 0 : index
    %get3A_7 = vector.load %arg3[%get3A_6] : memref<512xf32, #tpu.memory_space<vmem>>, vector<512xf32>
    %broadcast_in_dim3A = vector.shape_cast %get3A_7 : vector<512xf32> to vector<1x512xf32>
    %add3A = vector.broadcast %broadcast_in_dim3A : vector<1x512xf32> to vector<512x512xf32>
    %add3A_8 = arith.addf %dot_general3A_5, %add3A : vector<512x512xf32>
    %max3A = arith.constant 0.000000e+00 : f32
    %max3A_9 = vector.broadcast %max3A : f32 to vector<512x512xf32>
    %max3A_10 = arith.maximumf %add3A_8, %max3A_9 : vector<512x512xf32>
    %get3A_11 = arith.constant 0 : index
    %get3A_12 = arith.constant 0 : index
    %get3A_13 = vector.load %arg4[%get3A_11, %get3A_12] : memref<512x128xf32, #tpu.memory_space<vmem>>, vector<512x128xf32>
    %dot_general3A_14 = arith.constant dense<0.000000e+00> : vector<512x128xf32>
    %dot_general3A_15 = tpu.matmul %max3A_10, %get3A_13, %dot_general3A_14 {dimension_numbers = #tpu.dot_dimension_numbers<[1], [0], [0], [1], [0, 0, 1, 1], [], []>, transpose_lhs_hint = false} : vector<512x512xf32>, vector<512x128xf32>, vector<512x128xf32> -> vector<512x128xf32>
    %get3A_16 = arith.constant 0 : index
    %get3A_17 = vector.load %arg5[%get3A_16] : memref<128xf32, #tpu.memory_space<vmem>>, vector<128xf32>
    %broadcast_in_dim3A_18 = vector.shape_cast %get3A_17 : vector<128xf32> to vector<1x128xf32>
    %add3A_19 = vector.broadcast %broadcast_in_dim3A_18 : vector<1x128xf32> to vector<512x128xf32>
    %add3A_20 = arith.addf %dot_general3A_15, %add3A_19 : vector<512x128xf32>
    %iota3A = tpu.iota {dimensions = array<i32: 1>} : vector<512x128xi32>
    %lt3A = arith.constant 8 : i32
    %lt3A_21 = vector.broadcast %lt3A : i32 to vector<512x128xi32>
    %lt3A_22 = arith.cmpi slt, %iota3A, %lt3A_21 : vector<512x128xi32>
    %jit3A = arith.constant 0xFF800000 : f32
    %broadcast_in_dim3A_23 = vector.broadcast %jit3A : f32 to vector<512x128xf32>
    %select_n3A = arith.select %lt3A_22, %add3A_20, %broadcast_in_dim3A_23 : vector<512x128xi1>, vector<512x128xf32>
    %reduce_max3A = arith.constant dense<0xFF800000> : vector<512xf32>
    %reduce_max3A_24 = vector.multi_reduction <maximumf>, %select_n3A, %reduce_max3A [1] : vector<512x128xf32> to vector<512xf32>
    %broadcast_in_dim3A_25 = vector.shape_cast %reduce_max3A_24 : vector<512xf32> to vector<512x1xf32>
    %sub3A = vector.broadcast %broadcast_in_dim3A_25 : vector<512x1xf32> to vector<512x128xf32>
    %sub3A_26 = arith.subf %select_n3A, %sub3A : vector<512x128xf32>
    %exp3A = math.exp %sub3A_26 : vector<512x128xf32>
    %reduce_sum3A = arith.constant dense<0.000000e+00> : vector<512xf32>
    %reduce_sum3A_27 = vector.multi_reduction <add>, %exp3A, %reduce_sum3A [1] : vector<512x128xf32> to vector<512xf32>
    %broadcast_in_dim3A_28 = vector.shape_cast %reduce_sum3A_27 : vector<512xf32> to vector<512x1xf32>
    %div3A = arith.constant 1.000000e+00 : f32
    %div3A_29 = vector.broadcast %div3A : f32 to vector<512x1xf32>
    %div3A_30 = arith.divf %div3A_29, %broadcast_in_dim3A_28 : vector<512x1xf32>
    %broadcast_in_dim3A_31 = vector.shape_cast %div3A_30 : vector<512x1xf32> to vector<512x1xf32>
    %broadcast_in_dim3A_32 = vector.broadcast %broadcast_in_dim3A_31 : vector<512x1xf32> to vector<512x128xf32>
    %swap3A = arith.constant 0 : index
    %swap3A_33 = arith.constant 0 : index
    %swap3A_34 = vector.load %arg6[%swap3A, %swap3A_33] : memref<512x128xf32, #tpu.memory_space<vmem>>, vector<512x128xf32>
    tpu.vector_store %arg6[%swap3A, %swap3A_33], %broadcast_in_dim3A_32 {strides = array<i32>} : memref<512x128xf32, #tpu.memory_space<vmem>>, vector<512x128xf32>,
    %argmax3A = tpu.reduce_index %select_n3A {axis = 1 : i32, kind = #tpu.reduction_kind<arg_max>} : vector<512x128xf32> -> vector<512xi32>
    %reshape3A = vector.shape_cast %argmax3A : vector<512xi32> to vector<1x1x512xi32>
    %swap3A_35 = arith.constant 0 : index
    %swap3A_36 = arith.constant 0 : index
    %swap3A_37 = arith.constant 0 : index
    %swap3A_38 = vector.load %arg7[%swap3A_35, %swap3A_36, %swap3A_37] : memref<1x1x512xi32, #tpu.memory_space<vmem>>, vector<1x1x512xi32>
    tpu.vector_store %arg7[%swap3A_35, %swap3A_36, %swap3A_37], %reshape3A {strides = array<i32>} : memref<1x1x512xi32, #tpu.memory_space<vmem>>, vector<1x1x512xi32>,
    return
  }
  func.func @transform_0(%arg0: i32) -> (i32, i32) {
    %c0_i32 = arith.constant 0 : i32
    %c0_i32_0 = arith.constant 0 : i32
    return %arg0, %c0_i32 : i32, i32
  }
  func.func @transform_1(%arg0: i32) -> (i32, i32) {
    %c0_i32 = arith.constant 0 : i32
    %c0_i32_0 = arith.constant 0 : i32
    %c0_i32_1 = arith.constant 0 : i32
    return %c0_i32, %c0_i32_0 : i32, i32
  }
  func.func @transform_2(%arg0: i32) -> i32 {
    %c0_i32 = arith.constant 0 : i32
    %c0_i32_0 = arith.constant 0 : i32
    return %c0_i32 : i32
  }
  func.func @transform_3(%arg0: i32) -> (i32, i32) {
    %c0_i32 = arith.constant 0 : i32
    %c0_i32_0 = arith.constant 0 : i32
    %c0_i32_1 = arith.constant 0 : i32
    return %c0_i32, %c0_i32_0 : i32, i32
  }
  func.func @transform_4(%arg0: i32) -> i32 {
    %c0_i32 = arith.constant 0 : i32
    %c0_i32_0 = arith.constant 0 : i32
    return %c0_i32 : i32
  }
  func.func @transform_5(%arg0: i32) -> (i32, i32) {
    %c0_i32 = arith.constant 0 : i32
    %c0_i32_0 = arith.constant 0 : i32
    return %arg0, %c0_i32 : i32, i32
  }
  func.func @transform_6(%arg0: i32) -> (i32, i32, i32) {
    %c0_i32 = arith.constant 0 : i32
    %c0_i32_0 = arith.constant 0 : i32
    %c0_i32_1 = arith.constant 0 : i32
    return %arg0, %c0_i32, %c0_i32_0 : i32, i32, i32
  }
}

module attributes {stable_mosaic.version = 14 : i64} {
  func.func @_expert_body(%arg0: i32, %arg1: memref<32xi32, #tpu.memory_space<smem>>, %arg2: memref<128x1024xf32, #tpu.memory_space<vmem>>, %arg3: memref<1x1024x512xf32, #tpu.memory_space<vmem>>, %arg4: memref<1x1x512xf32, #tpu.memory_space<vmem>>, %arg5: memref<1x512x1024xf32, #tpu.memory_space<vmem>>, %arg6: memref<1x1x1024xf32, #tpu.memory_space<vmem>>, %arg7: memref<128x128xf32, #tpu.memory_space<vmem>>, %arg8: memref<128x1024xf32, #tpu.memory_space<vmem>>) attributes {dimension_semantics = [#tpu.dimension_semantics<arbitrary>], iteration_bounds = array<i64: 24>, scalar_prefetch = 1 : i64, scratch_operands = 0 : i64, tpu.core_type = #tpu.core_type<tc>, window_params = [{transform_indices = @transform_0, window_bounds = array<i64: 128, 1024>}, {transform_indices = @transform_1, window_bounds = array<i64: 1, 1024, 512>}, {transform_indices = @transform_2, window_bounds = array<i64: 1, 1, 512>}, {transform_indices = @transform_3, window_bounds = array<i64: 1, 512, 1024>}, {transform_indices = @transform_4, window_bounds = array<i64: 1, 1, 1024>}, {transform_indices = @transform_5, window_bounds = array<i64: 128, 128>}, {transform_indices = @transform_6, window_bounds = array<i64: 128, 1024>}]} {
    %get3A = arith.constant 0 : index
    %get3A_0 = arith.constant 0 : index
    %get3A_1 = vector.load %arg2[%get3A, %get3A_0] : memref<128x1024xf32, #tpu.memory_space<vmem>>, vector<128x1024xf32>
    %convert_element_type3A = arith.truncf %get3A_1 : vector<128x1024xf32> to vector<128x1024xbf16>
    %get3A_2 = arith.constant 0 : index
    %get3A_3 = arith.constant 0 : index
    %get3A_4 = arith.constant 0 : index
    %get3A_5 = vector.load %arg3[%get3A_2, %get3A_3, %get3A_4] : memref<1x1024x512xf32, #tpu.memory_space<vmem>>, vector<1x1024x512xf32>
    %get3A_6 = vector.shape_cast %get3A_5 : vector<1x1024x512xf32> to vector<1024x512xf32>
    %convert_element_type3A_7 = arith.truncf %get3A_6 : vector<1024x512xf32> to vector<1024x512xbf16>
    %dot_general3A = arith.constant dense<0.000000e+00> : vector<128x512xf32>
    %dot_general3A_8 = tpu.matmul %convert_element_type3A, %convert_element_type3A_7, %dot_general3A {dimension_numbers = #tpu.dot_dimension_numbers<[1], [0], [0], [1], [0, 0, 1, 1], [], []>, transpose_lhs_hint = false} : vector<128x1024xbf16>, vector<1024x512xbf16>, vector<128x512xf32> -> vector<128x512xf32>
    %get3A_9 = arith.constant 0 : index
    %get3A_10 = arith.constant 0 : index
    %get3A_11 = arith.constant 0 : index
    %get3A_12 = vector.load %arg4[%get3A_9, %get3A_10, %get3A_11] : memref<1x1x512xf32, #tpu.memory_space<vmem>>, vector<1x1x512xf32>
    %get3A_13 = vector.shape_cast %get3A_12 : vector<1x1x512xf32> to vector<1x512xf32>
    %add3A = vector.broadcast %get3A_13 : vector<1x512xf32> to vector<128x512xf32>
    %add3A_14 = arith.addf %dot_general3A_8, %add3A : vector<128x512xf32>
    %max3A = arith.constant 0.000000e+00 : f32
    %max3A_15 = vector.broadcast %max3A : f32 to vector<128x512xf32>
    %max3A_16 = arith.maximumf %add3A_14, %max3A_15 : vector<128x512xf32>
    %convert_element_type3A_17 = arith.truncf %max3A_16 : vector<128x512xf32> to vector<128x512xbf16>
    %get3A_18 = arith.constant 0 : index
    %get3A_19 = arith.constant 0 : index
    %get3A_20 = arith.constant 0 : index
    %get3A_21 = vector.load %arg5[%get3A_18, %get3A_19, %get3A_20] : memref<1x512x1024xf32, #tpu.memory_space<vmem>>, vector<1x512x1024xf32>
    %get3A_22 = vector.shape_cast %get3A_21 : vector<1x512x1024xf32> to vector<512x1024xf32>
    %convert_element_type3A_23 = arith.truncf %get3A_22 : vector<512x1024xf32> to vector<512x1024xbf16>
    %dot_general3A_24 = arith.constant dense<0.000000e+00> : vector<128x1024xf32>
    %dot_general3A_25 = tpu.matmul %convert_element_type3A_17, %convert_element_type3A_23, %dot_general3A_24 {dimension_numbers = #tpu.dot_dimension_numbers<[1], [0], [0], [1], [0, 0, 1, 1], [], []>, transpose_lhs_hint = false} : vector<128x512xbf16>, vector<512x1024xbf16>, vector<128x1024xf32> -> vector<128x1024xf32>
    %get3A_26 = arith.constant 0 : index
    %get3A_27 = arith.constant 0 : index
    %get3A_28 = arith.constant 0 : index
    %get3A_29 = vector.load %arg6[%get3A_26, %get3A_27, %get3A_28] : memref<1x1x1024xf32, #tpu.memory_space<vmem>>, vector<1x1x1024xf32>
    %get3A_30 = vector.shape_cast %get3A_29 : vector<1x1x1024xf32> to vector<1x1024xf32>
    %add3A_31 = vector.broadcast %get3A_30 : vector<1x1024xf32> to vector<128x1024xf32>
    %add3A_32 = arith.addf %dot_general3A_25, %add3A_31 : vector<128x1024xf32>
    %get3A_33 = arith.constant 0 : index
    %get3A_34 = arith.constant 0 : index
    %get3A_35 = vector.load %arg7[%get3A_33, %get3A_34] : memref<128x128xf32, #tpu.memory_space<vmem>>, vector<128x1xf32>
    %mul3A = vector.broadcast %get3A_35 : vector<128x1xf32> to vector<128x1024xf32>
    %mul3A_36 = arith.mulf %add3A_32, %mul3A : vector<128x1024xf32>
    %mul3A_37 = arith.mulf %mul3A_36, %mul3A_36 : vector<128x1024xf32>
    %reduce_sum3A = arith.constant dense<0.000000e+00> : vector<128xf32>
    %reduce_sum3A_38 = vector.multi_reduction <add>, %mul3A_37, %reduce_sum3A [1] : vector<128x1024xf32> to vector<128xf32>
    %broadcast_in_dim3A = vector.shape_cast %reduce_sum3A_38 : vector<128xf32> to vector<128x1xf32>
    %sqrt3A = math.sqrt %broadcast_in_dim3A : vector<128x1xf32>
    %max3A_39 = arith.constant 9.99999997E-7 : f32
    %max3A_40 = vector.broadcast %max3A_39 : f32 to vector<128x1xf32>
    %max3A_41 = arith.maximumf %sqrt3A, %max3A_40 : vector<128x1xf32>
    %div3A = vector.broadcast %max3A_41 : vector<128x1xf32> to vector<128x1024xf32>
    %div3A_42 = arith.divf %mul3A_36, %div3A : vector<128x1024xf32>
    %add3A_43 = arith.addf %div3A_42, %get3A_1 : vector<128x1024xf32>
    %swap3A = arith.constant 0 : index
    %swap3A_44 = arith.constant 0 : index
    %swap3A_45 = vector.load %arg8[%swap3A, %swap3A_44] : memref<128x1024xf32, #tpu.memory_space<vmem>>, vector<128x1024xf32>
    tpu.vector_store %arg8[%swap3A, %swap3A_44], %add3A_43 {strides = array<i32>} : memref<128x1024xf32, #tpu.memory_space<vmem>>, vector<128x1024xf32>,
    return
  }
  func.func @transform_0(%arg0: i32, %arg1: memref<32xi32, #tpu.memory_space<smem>>) -> (i32, i32) {
    %c0_i32 = arith.constant 0 : i32
    %c0_i32_0 = arith.constant 0 : i32
    return %arg0, %c0_i32 : i32, i32
  }
  func.func @transform_1(%arg0: i32, %arg1: memref<32xi32, #tpu.memory_space<smem>>) -> (i32, i32, i32) {
    %get3A = arith.index_cast %arg0 : i32 to index
    %get3A_0 = memref.load %arg1[%get3A] : memref<32xi32, #tpu.memory_space<smem>>
    %c0_i32 = arith.constant 0 : i32
    %c0_i32_1 = arith.constant 0 : i32
    %c0_i32_2 = arith.constant 0 : i32
    return %get3A_0, %c0_i32, %c0_i32_1 : i32, i32, i32
  }
  func.func @transform_2(%arg0: i32, %arg1: memref<32xi32, #tpu.memory_space<smem>>) -> (i32, i32, i32) {
    %get3A = arith.index_cast %arg0 : i32 to index
    %get3A_0 = memref.load %arg1[%get3A] : memref<32xi32, #tpu.memory_space<smem>>
    %c0_i32 = arith.constant 0 : i32
    %c0_i32_1 = arith.constant 0 : i32
    %c0_i32_2 = arith.constant 0 : i32
    return %get3A_0, %c0_i32, %c0_i32_1 : i32, i32, i32
  }
  func.func @transform_3(%arg0: i32, %arg1: memref<32xi32, #tpu.memory_space<smem>>) -> (i32, i32, i32) {
    %get3A = arith.index_cast %arg0 : i32 to index
    %get3A_0 = memref.load %arg1[%get3A] : memref<32xi32, #tpu.memory_space<smem>>
    %c0_i32 = arith.constant 0 : i32
    %c0_i32_1 = arith.constant 0 : i32
    %c0_i32_2 = arith.constant 0 : i32
    return %get3A_0, %c0_i32, %c0_i32_1 : i32, i32, i32
  }
  func.func @transform_4(%arg0: i32, %arg1: memref<32xi32, #tpu.memory_space<smem>>) -> (i32, i32, i32) {
    %get3A = arith.index_cast %arg0 : i32 to index
    %get3A_0 = memref.load %arg1[%get3A] : memref<32xi32, #tpu.memory_space<smem>>
    %c0_i32 = arith.constant 0 : i32
    %c0_i32_1 = arith.constant 0 : i32
    %c0_i32_2 = arith.constant 0 : i32
    return %get3A_0, %c0_i32, %c0_i32_1 : i32, i32, i32
  }
  func.func @transform_5(%arg0: i32, %arg1: memref<32xi32, #tpu.memory_space<smem>>) -> (i32, i32) {
    %c0_i32 = arith.constant 0 : i32
    %c0_i32_0 = arith.constant 0 : i32
    return %arg0, %c0_i32 : i32, i32
  }
  func.func @transform_6(%arg0: i32, %arg1: memref<32xi32, #tpu.memory_space<smem>>) -> (i32, i32) {
    %c0_i32 = arith.constant 0 : i32
    %c0_i32_0 = arith.constant 0 : i32
    return %arg0, %c0_i32 : i32, i32
  }
}

</mosaic_0001>

<sc_bundles>
// kernel: kernel.6.cloned.1.call-start
scs
__scs_entry_jumppad:
0x0: {  	(pc) =	sbr.rel $0x88, $3  }
0x1: {  	(tag) =	ssettag $0x0;
	lr =	simm.s32 $0x1  }
0x2: {  	[smem:$0x3F98] =	sst lr;
	_ =	strace $0xD0000000  }
0x3: {  	_ = 	snop  }
0x4: {  	_ = 	snop  }
0x5: {  	_ = 	snop  }
0x6: {  	_ = 	snop  }
0x7: {  	_ = 	snop  }
__scs_overlays_trampoline_lowered:
0x8: {  	[smem:$0x3FA7] =	sst s0  }
0x9: {  	[smem:$0x3FA8] =	sst s1  }
0xa: {  	[smem:$0x3FA9] =	sst s2  }
0xb: {  	[smem:$0x3FAA] =	sst s3  }
0xc: {  	[smem:$0x3FAB] =	sst s4  }
0xd: {  	[smem:$0x3FAC] =	sst s5  }
0xe: {  	[smem:$0x3FAD] =	sst s6  }
0xf: {  	[smem:$0x3FAE] =	sst s7  }
0x10: {  	[smem:$0x3FAF] =	sst s8  }
0x11: {  	[smem:$0x3FB0] =	sst s9;
	s0 =	simm.s32 @!p0 $0x0  }
0x12: {  	s1 =	sld [smem:$0x3F96];
	s0 =	simm.s32 @p0 $0x1  }
0x13: {  	[smem:$0x3FB1] =	sst s0;
	s0 =	simm.s32 @!p1 $0x0  }
0x14: {  	s2 =	sld [smem:$0x3F95];
	s0 =	simm.s32 @p1 $0x1  }
0x15: {  	[smem:$0x3FB2] =	sst s0;
	s0 =	simm.s32 @!p2 $0x0  }
0x16: {  	s3 =	sld [smem:$0x3FDB];
	s0 =	simm.s32 @p2 $0x1  }
0x17: {  	s4 =	simm.s32 $0x1BF5;
	[smem:$0x3FB4] =	sst s0  }
0x18: {  	s0 =	sld [smem:$0x3F97];
	_ =	swait.ge [sflag:s4], $0x0  }
0x19: {  	s7 =	sld [smem:$0x3F98]  }
0x1a: {  	s8 =	sadd.s32 $0xFFFFE003, lr  }
0x1b: {  	s9 =	sadd.s32 $0xFFFFFEF7, lr;
	s5 =	simm.s32 $0xFFFFFFFF;
	p2 =	slt.u32 s8, $0xFFFFF086  }
0x1c: {  	p1 =	slt.u32 s9, $0xF7A;
	s5 =	simm.s32 @!p2 $0x0  }
0x1d: {  	s5 =	simm.s32 @p1 $0x1;
	p0 =	seq.s32 s7, s2  }
0x1e: {  	s7 =	smul.u32 @!p0 $0xF7A, s2;
	p2 =	seq.s32 @!p0 s5, $0x0  }
0x1f: {  	s9 =	smul.u32 $0xF7A, s1;
	s8 =	simm.s32 @!p0 $0x1BF5;
	p2 =	por !p2, p0  }
0x20: {  	[sflag:s8] =	ssyncset.s32 @!p0 $0xFFFFF086;
	s6 =	sadd.s32 @!p0 s3, s7;
	s7 =	simm.s32 @!p0 $0x108  }
0x21: {  	s3 =	sadd.s32 s3, s9;
	s6 =	sadd.s32 @!p0 $0x88, s6;
	s7 =	simm.s32 @p2 $0x1082  }
0x22: {  	[simem:s7], [sflag:s8] =	dma.local @!p0 [hbm:s6], $0xF7A  }
0x23: {  	s9 =	sor.u32 $0xD0000000, s2;
	s6 =	simm.s32 $0x108;
	_ =	swait.ge @!p0 [sflag:s8], $0x0  }
0x24: {  	s3 =	sadd.s32 $0x88, s3;
	s6 =	simm.s32 @!p1 $0x1082;
	[sflag:s4] =	ssyncset.s32 $0xFFFFF086  }
0x25: {  	[simem:s6], [sflag:s4] =	dma.local [hbm:s3], $0xF7A  }
0x26: {  	[smem:$0x3F98] =	sst s1;
	(tag) =	ssettag s2;
	_ =	strace s9  }
0x27: {  	s1 =	sld [smem:$0x3FA8]  }
0x28: {  	s2 =	sld [smem:$0x3FA9]  }
0x29: {  	s4 =	sld [smem:$0x3FAB]  }
0x2a: {  	p0 =	seq.s32 s5, $0x0;
	s5 =	sld [smem:$0x3FAC]  }
0x2b: {  	s6 =	sld [smem:$0x3FAD]  }
0x2c: {  	s7 =	sld [smem:$0x3FAE]  }
0x2d: {  	s3 =	simm.s32 $0x108;
	s8 =	sld [smem:$0x3FAF]  }
0x2e: {  	s3 =	simm.s32 @!p0 $0x1082;
	s9 =	sld [smem:$0x3FB0]  }
0x2f: {  	lr =	sadd.s32 s0, s3;
	s0 =	sld [smem:$0x3FA7]  }
0x30: {  	s3 =	sld [smem:$0x3FAA]  }
0x31: {  	[smem:$0x3FB3] =	sst s10  }
0x32: {  	s10 =	sld [smem:$0x3FB1];
	_ =	sdelay $0x3  }
0x33: {  	p0 =	seq.s32 s10, $0x1;
	s10 =	sld [smem:$0x3FB3];
	_ =	sdelay $0x3  }
0x34: {  	[smem:$0x3FB3] =	sst s10  }
0x35: {  	s10 =	sld [smem:$0x3FB2];
	_ =	sdelay $0x3  }
0x36: {  	p1 =	seq.s32 s10, $0x1;
	s10 =	sld [smem:$0x3FB3];
	_ =	sdelay $0x3  }
0x37: {  	[smem:$0x3FB3] =	sst s10  }
0x38: {  	s10 =	sld [smem:$0x3FB4]  }
0x39: {  	_ = 	snop;
	(pc) =	sbr.ind lr, $3  }
0x3a: {  	_ = 	snop  }
0x3b: {  	_ = 	snop  }
0x3c: {  	p2 =	seq.s32 s10, $0x1;
	s10 =	sld [smem:$0x3FB3]  }
0x3d: {  	_ =	shalt  }
0x3e: {  	_ =	shalt  }
0x3f: {  	_ =	shalt  }
0x40: {  	_ =	shalt  }
0x41: {  	_ =	shalt  }
0x42: {  	_ =	shalt  }
0x43: {  	_ =	shalt  }
0x44: {  	_ =	shalt  }
0x45: {  	_ =	shalt  }
0x46: {  	_ =	shalt  }
0x47: {  	_ =	shalt  }
0x48: {  	_ =	shalt  }
0x49: {  	_ =	shalt  }
0x4a: {  	_ =	shalt  }
0x4b: {  	_ =	shalt  }
0x4c: {  	_ =	shalt  }
0x4d: {  	_ =	shalt  }
0x4e: {  	_ =	shalt  }
0x4f: {  	_ =	shalt  }
0x50: {  	_ =	shalt  }
0x51: {  	_ =	shalt  }
0x52: {  	_ =	shalt  }
0x53: {  	_ =	shalt  }
0x54: {  	_ =	shalt  }
0x55: {  	_ =	shalt  }
0x56: {  	_ =	shalt  }
0x57: {  	_ =	shalt  }
0x58: {  	_ =	shalt  }
0x59: {  	_ =	shalt  }
0x5a: {  	_ =	shalt  }
0x5b: {  	_ =	shalt  }
0x5c: {  	_ =	shalt  }
0x5d: {  	_ =	shalt  }
0x5e: {  	_ =	shalt  }
0x5f: {  	_ =	shalt  }
0x60: {  	_ =	shalt  }
0x61: {  	_ =	shalt  }
0x62: {  	_ =	shalt  }
0x63: {  	_ =	shalt  }
0x64: {  	_ =	shalt  }
0x65: {  	_ =	shalt  }
0x66: {  	_ =	shalt  }
0x67: {  	_ =	shalt  }
0x68: {  	_ =	shalt  }
0x69: {  	_ =	shalt  }
0x6a: {  	_ =	shalt  }
0x6b: {  	_ =	shalt  }
0x6c: {  	_ =	shalt  }
0x6d: {  	_ =	shalt  }
0x6e: {  	_ =	shalt  }
0x6f: {  	_ =	shalt  }
0x70: {  	_ =	shalt  }
0x71: {  	_ =	shalt  }
0x72: {  	_ =	shalt  }
0x73: {  	_ =	shalt  }
0x74: {  	_ =	shalt  }
0x75: {  	_ =	shalt  }
0x76: {  	_ =	shalt  }
0x77: {  	_ =	shalt  }
0x78: {  	_ =	shalt  }
0x79: {  	_ =	shalt  }
0x7a: {  	_ =	shalt  }
0x7b: {  	_ =	shalt  }
0x7c: {  	_ =	shalt  }
0x7d: {  	_ =	shalt  }
0x7e: {  	_ =	shalt  }
0x7f: {  	_ =	shalt  }
0x80: {  	_ =	shalt  }
0x81: {  	_ =	shalt  }
0x82: {  	_ =	shalt  }
0x83: {  	_ =	shalt  }
0x84: {  	_ =	shalt  }
0x85: {  	_ =	shalt  }
0x86: {  	_ =	shalt  }
0x87: {  	_ =	shalt  }
.Lfunc_end0:
.L_simem_size_0:
called_computation_lowered:
.L_overlay_start_0:
0x88: {  	s2 =	sld [smem:$0x3FD9]  }
0x89: {  	s3 =	sld [smem:$0x3FFE];
	_ =	sdelay $0x1  }
0x8a: {  	s1 =	srdreg.scid  }
0x8b: {  	s0 =	sand.u32 $0x1, s1  }
0x8c: {  	s17 =	sshll.u32 s0, $0xA;
	s2 =	sadd.s32 s3, s2  }
0x8d: {  	s2 =	sadd.s32 s2, s17  }
0x8e: {  	[smem:$0x3FBF] =	sst s2  }
0x8f: {  	_ = 	snop  }
0x90: {  	s2 =	sld [smem:$0x3FC9]  }
0x91: {  	s18 =	sld [smem:$0x3FD0];
	(tm) =	ssettm $0x1  }
0x92: {  	s4 =	sld [smem:$0x3FFB];
	_ =	sdelay $0x3  }
0x93: {  	_ =	strace s4  }
0x94: {  	s4 =	sld [smem:$0x3FFC];
	_ =	sdelay $0x3  }
0x95: {  	_ =	strace s4  }
0x96: {  	s4 =	sld [smem:$0x3FFD];
	_ =	sdelay $0x3  }
0x97: {  	_ =	strace s4  }
0x98: {  	_ =	strace $0x8FFFFFFF  }
0x99: {  	s19 =	sld [smem:$0x3FDB];
	_ =	sdelay $0x1  }
0x9a: {  	s5 =	simm.s32 $_scs_section_size  }
0x9b: {  	s6 =	simm.s32 $_size__tile_overlayer_lowered;
	s7 =	simm.s32 $_tile_overlayer_lowered  }
0x9c: {  	s22 =	simm.s32 $0x1BFF;
	s21 =	sshll.u32 s7, $0x1;
	s4 =	sadd.s32 s5, s19  }
0x9d: {  	s8 =	simm.s32 $0x0;
	s20 =	sshll.u32 s6, $0x1;
	s6 =	sadd.s32 s21, s4  }
0x9e: {  	[timem:s8], [sflag:s22] =	dma.local [hbm:s6], s20  }
0x9f: {  	_ =	swait.ge [sflag:s22], s20  }
0xa0: {  	s5 =	ssub.s32 $0x0, s20;
	[sflag:s22] =	ssyncset.done $0x0  }
0xa1: {  	[sflag:s22] =	ssyncadd.s32 s5;
	_ =	sdelay $0x1  }
0xa2: {  	s23 =	simm.s32 $0x1B8B  }
0xa3: {  	_ =	swait.ge [sflag:s23], $0x1  }
0xa4: {  	[sflag:s23] =	ssyncset.done $0x0  }
0xa5: {  	s25 =	simm.s32 $0x1B8E;
	s24 =	sld [smem:$0x3FFE];
	[sflag:s23] =	ssyncadd.s32 $0xFFFFFFFF  }
0xa6: {  	s26 =	simm.s32 $execute0_lowered;
	[smem:$0x3FD2] =	sst s25  }
0xa7: {  	s6 =	sshll.u32 s26, $0x1;
	_ =	strace $0x80000046;
	[dreg:$0x1] =	wrdreg $0xFFFFFFFF  }
0xa8: {  	s28 =	simm.s32 $_size_execute0_lowered;
	s4 =	sadd.s32 s4, s6;
	[dreg:$0x0] =	wrdreg $0x0  }
0xa9: {  	s6 =	sshll.u32 s28, $0x1;
	[dreg:$0x2] =	wrdreg s4  }
0xaa: {  	[dreg:$0x3] =	wrdreg s6  }
0xab: {  	[dreg:$0x4] =	wrdreg $0xC0  }
0xac: {  	_ =	task [dreg:s8], $0x5FFFF  }
0xad: {  	[dreg:$0x1] =	wrdreg $0xFFFFFFFF  }
0xae: {  	[dreg:$0x0] =	wrdreg $0x60  }
0xaf: {  	[dreg:$0x2] =	wrdreg s24  }
0xb0: {  	[dreg:$0x3] =	wrdreg s2  }
0xb1: {  	[dreg:$0x4] =	wrdreg s18  }
0xb2: {  	[dreg:$0x5] =	wrdreg $0x9  }
0xb3: {  	_ =	task.clear_ibuf [dreg:s8], $0x6FFFF;
	_ =	strace $0x90000046  }
0xb4: {  	s29 =	simm.s32 $0x9;
	_ =	strace $0x80000048  }
0xb5: {  	_ =	swait.ge [sflag:s29], $0x1  }
0xb6: {  	[sflag:s29] =	ssyncadd.s32 $0xFFFFFFFF  }
0xb7: {  	_ =	strace $0x90000048  }
0xb8: {  	_ =	sfence  }
0xb9: {  	s30 =	sld [smem:$0x0];
	_ =	sdelay $0x2  }
0xba: {  	s31 =	sshll.u32 s1, $0xD;
	s1 =	sshrl.u32 s1, $0x2  }
0xbb: {  	s3 =	sand.u32 $0x4000, s31;
	s1 =	sadd.s32 s1, s30  }
0xbc: {  	s0 =	sor.u32 s3, s0;
	s1 =	sshll.u32 s1, $0x11  }
0xbd: {  	s0 =	sor.u32 s1, s0  }
0xbe: {  	s0 =	sadd.s32 $0x8F2B, s0  }
0xbf: {  	[sflag:s0] =	ssyncadd.remote.s32 $0x1  }
0xc0: {  	_ =	sfence.sel $0xFFFF  }
0xc1: {  	[dreg:$0x0] =	wrdreg $0xFFFFFFFF;
	(pc) =	sbr.abs _section_cstart, $3  }
0xc2: {  	[dreg:$0x1] =	wrdreg $0xFFFFFFFF  }
0xc3: {  	_ =	task.clear_ibuf [dreg:s8], $0x2FFFF;
	_ =	strace $0x9FFFFFFF  }
0xc4: {  	(tm) =	ssettm $0x7FFFFFFF  }
0xc5: {  	_ =	shalt  }
tec
execute0_lowered:
.L_overlay_start_1:
0x0: {  	(tag) =	ssettag $0x1  }
0x1: {  	s0 =	rddreg [dreg:$0x0]  }
0x2: {  	s1 =	rddreg [dreg:$0x1]  }
0x3: {  	s3 =	simm.s32 $0x0;
	s2 =	srdreg.scid;
	s15 =	stileid.u32  }
0x4: {  	s18 =	simm.s32 $0x3;
	s19 =	simm.s32 $0x800;
	s28 =	simm.s32 $0x40  }
0x5: {  	s29 =	simm.s32 $0x1;
	s30 =	simm.s32 $0x2;
	s31 =	simm.s32 $0x0  }
0x6: {  	[smem:$0x7FF] =	sst s3;
	s2 =	sand.u32 $0x1, s2;
	s4 =	sshll.u32 s15, $0x1  }
0x7: {  	s21 =	sadd.s32 $0xA000, s0;
	s11 =	sadd.s32 $0xA300, s0;
	s12 =	sadd.s32 $0xA400, s0  }
0x8: {  	s13 =	sadd.s32 $0xA500, s0;
	s23 =	sshll.u32 s15, $0x3;
	s25 =	sshll.u32 s15, $0x9  }
0x9: {  	_ =	strace $0x80000047;
	s5 =	sor.u32 s2, s4;
	s4 =	sadd.s32 $0x9E00, s0  }
0xa: {  	s20 =	ssub.s32 $0x2, s2;
	[dreg:$0x4] =	wrdreg s21;
	s24 =	sshll.u32 s2, $0x2  }
0xb: {  	s2 =	sshll.u32 s2, $0x8;
	s21 =	simm.s32 $0x10880;
	s6 =	sshll.u32 s5, $0xA  }
0xc: {  	s7 =	sshll.u32 s5, $0x3;
	s9 =	sshrl.u32 s20, $0x1;
	s22 =	sshll.u32 s5, $0xD  }
0xd: {  	s26 =	sor.u32 s2, s25;
	p0 =	sne.s32 s5, $0x0;
	s2 =	simm.s32 $0xD880  }
0xe: {  	s25 =	simm.s32 $0xF880;
	s10 =	sadd.s32 s6, s0;
	s8 =	sadd.s32 s7, s0  }
0xf: {  	v3 =	vlaneseq.u32;
	v0 =	vimm.s32 $0x0;
	s6 =	sadd.s32 $0xA200, s0;
	s14 =	ssub.s32 s20, s9;
	s7 =	sshll.u32 s5, $0x6  }
.Ltmp0:
0x10: {  	vm0 =	vmmov $0xffff;
	vm9 =	vcmask $0x2320;
	vm10 =	vcmask $0x2724;
	s9 =	sadd.s32 s1, s22;
	s0 =	sor.u32 s23, s24;
	(pc) =	sbr.rel .LBB2_1-.Ltmp0, $4  }
0x11: {  	vm11 =	vcmask $0x2B28;
	vm12 =	vcmask $0x2F2C;
	vm13 =	vcmask $0x3330;
	s17 =	sshrl.u32 s26, $0x2;
	s20 =	simm.s32 $0x880;
	s5 =	simm.s32 $0xD080  }
0x12: {  	vm1 =	vcmask $0x3B00;
	v4 =	vimm.s32 $0xFFFFFFFF;
	vm14 =	vcmask $0x3734;
	s22 =	simm.s32 $0xE080;
	s23 =	simm.s32 $0xE880;
	s24 =	simm.s32 $0xF080  }
0x13: {  	vm15 =	vcmask $0x3B38;
	v2 =	vshrl.u32 v3, $0x3;
	v1 =	vand.u32 $0x7, v3;
	s26 =	simm.s32 $0x10080;
	s8 =	sadd.s32 $0x6A200, s8;
	s10 =	sadd.s32 $0x1E00, s10  }
0x14: {  	v3 =	vor.u32 $0x8, v3;
	v4 =	vsel vm1, $0x0, v4;
	v2 =	vmul.u32 $0x8, v2;
	s14 =	smax.u32 s14, $0x1;
	s15 =	smax.u32 s0, $0x1;
	s16 =	ssub.s32 $0x80, s0  }
.LBB2_6:
0x15: {  	s31 =	sadd.s32 $0x1, s31  }
0x16: {  	p1 =	sne.s32 s31, s14  }
.Ltmp1:
0x17: {  	_ = 	snop;
	(pc) =	sbr.rel @!p1 .LBB2_7-.Ltmp1, $1  }
0x18: {  	_ =	sdelay $0x3  }
.LBB2_1:
0x19: {  	[tilespmem:s3], [sflag:$0x3] =	stream.linear.gather [hbm4b:s4+s3], $0x800, $0x38;
	[tilespmem:$0x12A00] =	vst v63  }
0x1a: {  	_ =	swait.ge [sflag:s18], $0x800  }
0x1b: {  	[sflag:s18] =	ssyncset.done $0x0  }
0x1c: {  	[sflag:s18] =	ssyncadd.s32 $0xFFFFF800  }
0x1d: {  	[tilespmem:$0x12900] =	vst v0  }
0x1e: {  	[tilespmem:$0x12910] =	vst v0  }
0x1f: {  	[tilespmem:$0x12920] =	vst v0  }
0x20: {  	[tilespmem:$0x12930] =	vst v0  }
0x21: {  	[tilespmem:$0x12940] =	vst v0  }
0x22: {  	[tilespmem:$0x12950] =	vst v0  }
0x23: {  	[tilespmem:$0x12960] =	vst v0  }
0x24: {  	[tilespmem:$0x12970] =	vst v0  }
0x25: {  	[tilespmem:$0x12980] =	vst v0  }
0x26: {  	[tilespmem:$0x12990] =	vst v0  }
0x27: {  	[tilespmem:$0x129A0] =	vst v0  }
.Ltmp2:
0x28: {  	[tilespmem:$0x129B0] =	vst v0;
	(pc) =	sbr.rel @!p0 .LBB2_2-.Ltmp2, $4  }
0x29: {  	[tilespmem:$0x129C0] =	vst v0  }
0x2a: {  	v12 =	vimm.s32 $0x0;
	v13 =	vimm.s32 $0x0;
	[tilespmem:$0x129D0] =	vst v0  }
0x2b: {  	v14 =	vimm.s32 $0x0;
	v15 =	vimm.s32 $0x0;
	v16 =	vimm.s32 $0x0;
	[tilespmem:$0x129E0] =	vst v0  }
0x2c: {  	v17 =	vimm.s32 $0x0;
	v18 =	vimm.s32 $0x0;
	v19 =	vimm.s32 $0x0;
	[tilespmem:$0x129F0] =	vst v0  }
0x2d: {  	p1 =	seq.s32 s15, $0x1  }
.Ltmp3:
0x2e: {  	_ = 	snop;
	(pc) =	sbr.rel @p1 .LBB2_10-.Ltmp3, $4  }
0x2f: {  	_ = 	snop  }
0x30: {  	v12 =	vimm.s32 $0x0;
	v11 =	vimm.s32 $0x0  }
0x31: {  	v10 =	vimm.s32 $0x0;
	v9 =	vimm.s32 $0x0;
	v8 =	vimm.s32 $0x0  }
0x32: {  	v13 =	vld [tilespmem:s3+$0x0];
	s0 =	sadd.s32 $0xFFFFFFFF, s15;
	v7 =	vimm.s32 $0x0;
	v6 =	vimm.s32 $0x0;
	v5 =	vimm.s32 $0x0;
	s1 =	simm.s32 $0x0  }
.LBB2_9:
0x33: {  	p1 =	seq.s32 s0, $0x1;
	_ =	sdelay $0x3  }
0x34: {  	vm1 =	veq.s32 v13, $0x0;
	vm2 =	veq.s32 v13, $0x1;
	vm3 =	veq.s32 v13, $0x2  }
0x35: {  	v14 =	vmpcnt.ones.xlane vm1;
	v15 =	vmpcnt.ones.xlane vm2;
	vm1 =	veq.s32 v13, $0x3  }
0x36: {  	v16 =	vmpcnt.ones.xlane vm3;
	v17 =	vmpcnt.ones.xlane vm1;
	vm1 =	veq.s32 v13, $0x4  }
0x37: {  	v12 =	vadd.s32 v14, v12;
	v11 =	vadd.s32 v15, v11;
	v14 =	vmpcnt.ones.xlane vm1  }
0x38: {  	v10 =	vadd.s32 v16, v10;
	vm1 =	veq.s32 v13, $0x5;
	[tilespmem:$0x12900] =	vst v12;
	v9 =	vadd.s32 v17, v9  }
0x39: {  	[tilespmem:$0x12910] =	vst v11;
	v8 =	vadd.s32 v14, v8;
	v14 =	vmpcnt.ones.xlane vm1;
	vm1 =	veq.s32 v13, $0x6  }
0x3a: {  	[tilespmem:$0x12920] =	vst v10;
	v15 =	vmpcnt.ones.xlane vm1;
	vm1 =	veq.s32 v13, $0x7  }
0x3b: {  	[tilespmem:$0x12930] =	vst v9;
	v7 =	vadd.s32 v14, v7;
	v13 =	vmpcnt.ones.xlane vm1  }
.Ltmp4:
0x3c: {  	[tilespmem:$0x12940] =	vst v8;
	v6 =	vadd.s32 v15, v6;
	(pc) =	sbr.rel @!p1 .LBB2_9-.Ltmp4, $4  }
0x3d: {  	[tilespmem:$0x12950] =	vst v7;
	v5 =	vadd.s32 v13, v5  }
0x3e: {  	[tilespmem:$0x12960] =	vst v6  }
0x3f: {  	s1 =	sadd.s32 $0x10, s1;
	[tilespmem:$0x12970] =	vst v5  }
0x40: {  	s0 =	sadd.s32 $0xFFFFFFFF, s0;
	v13 =	vld [tilespmem:s1+$0x0]  }
.LBB2_10:
0x41: {  	_ =	sdelay $0x3  }
0x42: {  	vm1 =	veq.s32 v13, $0x0  }
0x43: {  	vm2 =	veq.s32 v13, $0x1;
	v14 =	vmpcnt.ones.xlane vm1  }
0x44: {  	vm1 =	veq.s32 v13, $0x2;
	v15 =	vmpcnt.ones.xlane vm2  }
0x45: {  	vm2 =	veq.s32 v13, $0x3;
	v16 =	vmpcnt.ones.xlane vm1;
	v19 =	vadd.s32 v14, v12  }
0x46: {  	vm1 =	veq.s32 v13, $0x4;
	v12 =	vmpcnt.ones.xlane vm2;
	v18 =	vadd.s32 v15, v11;
	[tilespmem:$0x12900] =	vst v19  }
0x47: {  	v61 =	vmpcnt.ones.xlane vm1;
	vm1 =	veq.s32 v13, $0x5;
	v17 =	vadd.s32 v16, v10;
	[tilespmem:$0x12910] =	vst v18  }
0x48: {  	v62 =	vmpcnt.ones.xlane vm1;
	vm1 =	veq.s32 v13, $0x6;
	v16 =	vadd.s32 v12, v9;
	[tilespmem:$0x12920] =	vst v17  }
0x49: {  	v15 =	vadd.s32 v61, v8;
	v63 =	vmpcnt.ones.xlane vm1;
	vm1 =	veq.s32 v13, $0x7;
	[tilespmem:$0x12930] =	vst v16  }
0x4a: {  	v14 =	vadd.s32 v62, v7;
	v7 =	vmpcnt.ones.xlane vm1;
	[tilespmem:$0x12940] =	vst v15  }
0x4b: {  	v13 =	vadd.s32 v63, v6;
	[tilespmem:$0x12950] =	vst v14  }
0x4c: {  	v12 =	vadd.s32 v7, v5;
	[tilespmem:$0x12960] =	vst v13  }
0x4d: {  	[tilespmem:$0x12970] =	vst v12  }
.LBB2_2:
0x4e: {  	p1 =	sne.s32 s16, $0x1  }
.Ltmp5:
0x4f: {  	_ = 	snop;
	(pc) =	sbr.rel @!p1 .LBB2_4-.Ltmp5, $4  }
0x50: {  	_ = 	snop  }
0x51: {  	v9 =	vimm.s32 $0x0;
	v11 =	vimm.s32 $0x0  }
0x52: {  	v20 =	vimm.s32 $0x0;
	v10 =	vimm.s32 $0x0;
	v8 =	vimm.s32 $0x0  }
0x53: {  	v21 =	vld [tilespmem:s17+$0x0];
	s0 =	sadd.s32 $0xFFFFFFFF, s16;
	v7 =	vimm.s32 $0x0;
	v6 =	vimm.s32 $0x0;
	v5 =	vimm.s32 $0x0;
	s1 =	smov.u32 s17  }
.LBB2_3:
0x54: {  	p1 =	sne.s32 s0, $0x1;
	_ =	sdelay $0x3  }
0x55: {  	vm1 =	veq.s32 v21, $0x0;
	vm2 =	veq.s32 v21, $0x1;
	vm3 =	veq.s32 v21, $0x2  }
0x56: {  	v22 =	vmpcnt.ones.xlane vm1;
	v23 =	vmpcnt.ones.xlane vm2;
	vm1 =	veq.s32 v21, $0x3  }
0x57: {  	v24 =	vmpcnt.ones.xlane vm3;
	v25 =	vmpcnt.ones.xlane vm1;
	vm1 =	veq.s32 v21, $0x4  }
0x58: {  	v9 =	vadd.s32 v22, v9;
	v11 =	vadd.s32 v23, v11;
	v22 =	vmpcnt.ones.xlane vm1  }
0x59: {  	v20 =	vadd.s32 v24, v20;
	vm1 =	veq.s32 v21, $0x5;
	[tilespmem:$0x12980] =	vst v9;
	v10 =	vadd.s32 v25, v10  }
0x5a: {  	[tilespmem:$0x12990] =	vst v11;
	v8 =	vadd.s32 v22, v8;
	v22 =	vmpcnt.ones.xlane vm1;
	vm1 =	veq.s32 v21, $0x6  }
0x5b: {  	[tilespmem:$0x129A0] =	vst v20;
	v23 =	vmpcnt.ones.xlane vm1;
	vm1 =	veq.s32 v21, $0x7  }
0x5c: {  	[tilespmem:$0x129B0] =	vst v10;
	v7 =	vadd.s32 v22, v7;
	v21 =	vmpcnt.ones.xlane vm1  }
.Ltmp6:
0x5d: {  	[tilespmem:$0x129C0] =	vst v8;
	v6 =	vadd.s32 v23, v6;
	(pc) =	sbr.rel @p1 .LBB2_3-.Ltmp6, $4  }
0x5e: {  	[tilespmem:$0x129D0] =	vst v7;
	v5 =	vadd.s32 v21, v5  }
0x5f: {  	[tilespmem:$0x129E0] =	vst v6  }
0x60: {  	s1 =	sadd.s32 $0x10, s1;
	[tilespmem:$0x129F0] =	vst v5  }
0x61: {  	s0 =	sadd.s32 $0xFFFFFFFF, s0;
	v21 =	vld [tilespmem:s1+$0x0]  }
.LBB2_4:
0x62: {  	_ =	sdelay $0x3  }
0x63: {  	vm1 =	veq.s32 v21, $0x0;
	vm2 =	veq.s32 v21, $0x1;
	vm3 =	veq.s32 v21, $0x2  }
0x64: {  	v22 =	vmpcnt.ones.xlane vm1;
	v23 =	vmpcnt.ones.xlane vm2;
	vm1 =	veq.s32 v21, $0x3  }
0x65: {  	v24 =	vmpcnt.ones.xlane vm3;
	v25 =	vmpcnt.ones.xlane vm1  }
0x66: {  	vm1 =	veq.s32 v21, $0x4;
	v9 =	vadd.s32 v22, v9;
	v11 =	vadd.s32 v23, v11  }
0x67: {  	v59 =	vmpcnt.ones.xlane vm1;
	v20 =	vadd.s32 v24, v20;
	vm1 =	veq.s32 v21, $0x5  }
0x68: {  	v10 =	vadd.s32 v25, v10;
	v60 =	vmpcnt.ones.xlane vm1;
	vm1 =	veq.s32 v21, $0x6  }
0x69: {  	v62 =	vadd.s32 v9, v19;
	v31 =	vadd.s32 v11, v18;
	v33 =	vadd.s32 v20, v17  }
0x6a: {  	v19 =	vadd.s32 $0xFFFFFFFF, v19;
	v8 =	vadd.s32 v59, v8;
	v61 =	vmpcnt.ones.xlane vm1  }
0x6b: {  	vm1 =	veq.s32 v21, $0x7;
	v36 =	vadd.s32 v10, v16;
	v63 =	vadd.s32 v60, v7  }
0x6c: {  	v7 =	vadd.s32 $0x7F, v62;
	v29 =	vmpcnt.ones.xlane vm1;
	v39 =	vadd.s32 v8, v15  }
0x6d: {  	v24 =	vshra.s32 v7, $0x1F;
	v30 =	vand.u32 $0x7F, v7;
	vm1 =	vlt.s32 v7, $0x1  }
0x6e: {  	v22 =	vadd.s32 v61, v6;
	v24 =	vshrl.u32 v24, $0x19;
	vm2 =	vne.s32 v30, $0x0  }
0x6f: {  	v23 =	vadd.s32 v29, v5;
	v6 =	vadd.s32 v24, v7;
	vm1 =	vmand vm1, vm2  }
0x70: {  	v44 =	vadd.s32 v22, v13;
	v6 =	vshra.s32 v6, $0x7;
	v7 =	vsel vm1, $0xFFFFFFFF, v0  }
0x71: {  	v45 =	vadd.s32 $0x7F, v44;
	v6 =	vadd.s32 v7, v6;
	v7 =	vadd.s32 $0x7F, v31  }
0x72: {  	v5 =	vshll.u32 v6, $0x7;
	v24 =	vshra.s32 v7, $0x1F;
	v32 =	vand.u32 $0x7F, v7  }
0x73: {  	vm1 =	vlt.s32 v7, $0x1;
	v24 =	vshrl.u32 v24, $0x19;
	vm2 =	vne.s32 v32, $0x0  }
0x74: {  	v51 =	vadd.s32 v18, v5;
	v7 =	vadd.s32 v24, v7;
	vm1 =	vmand vm1, vm2  }
0x75: {  	v24 =	vadd.s32 $0x7F, v33;
	v7 =	vshra.s32 v7, $0x7;
	v34 =	vsel vm1, $0xFFFFFFFF, v0  }
0x76: {  	v35 =	vshra.s32 v24, $0x1F;
	v26 =	vand.u32 $0x7F, v24;
	vm1 =	vlt.s32 v24, $0x1  }
0x77: {  	v7 =	vadd.s32 v34, v7;
	v25 =	vshrl.u32 v35, $0x19;
	vm2 =	vne.s32 v26, $0x0  }
0x78: {  	v24 =	vadd.s32 v25, v24;
	vm1 =	vmand vm1, vm2;
	v25 =	vadd.s32 $0x7F, v36  }
0x79: {  	v7 =	vadd.s32 v6, v7;
	v24 =	vshra.s32 v24, $0x7;
	v37 =	vsel vm1, $0xFFFFFFFF, v0  }
0x7a: {  	v38 =	vshra.s32 v25, $0x1F;
	v27 =	vand.u32 $0x7F, v25;
	vm1 =	vlt.s32 v25, $0x1  }
0x7b: {  	v24 =	vadd.s32 v37, v24;
	v26 =	vshrl.u32 v38, $0x19;
	vm2 =	vne.s32 v27, $0x0  }
0x7c: {  	[tilespmem:$0x12980] =	vst v9;
	v24 =	vadd.s32 v7, v24;
	v26 =	vadd.s32 v26, v25;
	vm1 =	vmand vm1, vm2  }
0x7d: {  	[tilespmem:$0x12990] =	vst v11;
	v25 =	vadd.s32 $0x7F, v39;
	v9 =	vshra.s32 v26, $0x7;
	v11 =	vsel vm1, $0xFFFFFFFF, v0  }
0x7e: {  	[tilespmem:$0x129A0] =	vst v20;
	v40 =	vshra.s32 v25, $0x1F;
	v41 =	vand.u32 $0x7F, v25;
	vm1 =	vlt.s32 v25, $0x1  }
0x7f: {  	[tilespmem:$0x129B0] =	vst v10;
	v42 =	vshrl.u32 v40, $0x19;
	vm2 =	vne.s32 v41, $0x0;
	v9 =	vadd.s32 v11, v9  }
0x80: {  	[tilespmem:$0x129C0] =	vst v8;
	v11 =	vadd.s32 v63, v14;
	v10 =	vadd.s32 v42, v25;
	vm1 =	vmand vm1, vm2  }
0x81: {  	[tilespmem:$0x129D0] =	vst v63;
	v11 =	vadd.s32 $0x7F, v11;
	v8 =	vshra.s32 v10, $0x7;
	v10 =	vsel vm1, $0xFFFFFFFF, v0  }
0x82: {  	[tilespmem:$0x129E0] =	vst v22;
	v9 =	vadd.s32 v24, v9;
	v43 =	vand.u32 $0x7F, v11;
	v10 =	vadd.s32 v10, v8  }
0x83: {  	[tilespmem:$0x129F0] =	vst v23;
	v8 =	vshll.u32 v9, $0x7;
	v10 =	vadd.s32 v9, v10;
	v9 =	vshra.s32 v11, $0x1F  }
0x84: {  	v46 =	vld [tilespmem:s7+$0x0];
	vm1 =	vlt.s32 v11, $0x1;
	vm2 =	vne.s32 v43, $0x0;
	v9 =	vshrl.u32 v9, $0x19  }
0x85: {  	vm1 =	vmand vm1, vm2;
	v9 =	vadd.s32 v9, v11;
	v11 =	vshra.s32 v45, $0x1F  }
0x86: {  	v48 =	vsel vm1, $0xFFFFFFFF, v0;
	v47 =	vshra.s32 v9, $0x7;
	v11 =	vshrl.u32 v11, $0x19  }
0x87: {  	v9 =	vshll.u32 v10, $0x7;
	v22 =	vadd.s32 v48, v47;
	v11 =	vadd.s32 v11, v45  }
0x88: {  	v22 =	vadd.s32 v10, v22;
	v10 =	vshrl.u32 v11, $0x7;
	v11 =	vand.u32 $0x7F, v45  }
0x89: {  	vm2 =	vlt.s32 v45, $0x1;
	vm1 =	veq.s32 v46, $0x0;
	vm3 =	vne.s32 v11, $0x0  }
0x8a: {  	v11 =	vsel vm1, $0x1, v0;
	vm3 =	vmand vm2, vm3;
	vm2 =	veq.s32 v46, $0x1  }
0x8b: {  	(xrf0) =	vadd.scan.msk.s32 $0xffff, v11;
	v49 =	vsel vm3, $0xFFFFFFFF, v0;
	v11 =	vsel vm2, $0x1, v0;
	vm3 =	veq.s32 v46, $0x2  }
0x8c: {  	vm4 =	veq.s32 v46, $0x3;
	vm5 =	veq.s32 v46, $0x4;
	(xrf0) =	vadd.scan.msk.s32 $0xffff, v11;
	v11 =	vsel vm3, $0x1, v0  }
0x8d: {  	vm6 =	veq.s32 v46, $0x5;
	vm7 =	veq.s32 v46, $0x6;
	v50 =	vsel vm4, $0x1, v0;
	(xrf0) =	vadd.scan.msk.s32 $0xffff, v11  }
0x8e: {  	vm8 =	veq.s32 v46, $0x7;
	v52 =	vsel vm5, $0x1, v0;
	v54 =	vsel vm6, $0x1, v0;
	(xrf0) =	vadd.scan.msk.s32 $0xffff, v50  }
0x8f: {  	v56 =	vsel vm7, $0x1, v0;
	v6 =	vshll.u32 v7, $0x7;
	v7 =	vshll.u32 v24, $0x7  }
0x90: {  	v59 =	vsel vm8, $0x1, v0;
	v17 =	vadd.s32 v17, v6;
	v16 =	vadd.s32 v16, v7;
	(xrf0) =	vadd.scan.msk.s32 $0xffff, v52  }
0x91: {  	v61 =	vnsel vm4, $0x0, v16;
	v53 =	vnsel vm2, $0x0, v51;
	v20 =	vadd.s32 v49, v10;
	v55, _, _ =	vpop (xrf0);
	(xrf0) =	vadd.scan.msk.s32 $0xffff, v54  }
0x92: {  	v10 =	vshll.u32 v22, $0x7;
	v58 =	vnsel vm3, $0x0, v17;
	v20 =	vadd.s32 v22, v20;
	v57, _, _ =	vpop (xrf0);
	(xrf0) =	vadd.scan.msk.s32 $0xffff, v56  }
0x93: {  	v62 =	vadd.s32 v53, v58;
	v11 =	vshll.u32 v20, $0x7;
	v21 =	vadd.s32 $0xFFFFFFFF, v57;
	v60, _, _ =	vpop (xrf0);
	(xrf0) =	vadd.scan.msk.s32 $0xffff, v59  }
0x94: {  	v20 =	vadd.s32 v61, v62;
	v21 =	vnsel vm2, $0x0, v21;
	v63 =	vadd.s32 $0xFFFFFFFF, v60;
	v28, _, _ =	vpop (xrf0)  }
0x95: {  	v22 =	vnsel vm3, $0x0, v63;
	v24 =	vadd.s32 $0xFFFFFFFF, v28;
	v20 =	vadd.s32 v21, v20  }
0x96: {  	v15 =	vadd.s32 v15, v8;
	v30, _, _ =	vpop (xrf0);
	v29 =	vnsel vm4, $0x0, v24;
	v20 =	vadd.s32 v22, v20  }
0x97: {  	v31 =	vnsel vm5, $0x0, v15;
	v24 =	vadd.s32 $0xFFFFFFFF, v30;
	v32, _, _ =	vpop (xrf0);
	v20 =	vadd.s32 v29, v20  }
0x98: {  	v33 =	vnsel vm5, $0x0, v24;
	v34 =	vadd.s32 $0xFFFFFFFF, v32;
	v35, _, _ =	vpop (xrf0);
	v20 =	vadd.s32 v31, v20  }
0x99: {  	v36 =	vnsel vm6, $0x0, v34;
	v37 =	vadd.s32 $0xFFFFFFFF, v35;
	v38, _, _ =	vpop (xrf0);
	v20 =	vadd.s32 v33, v20  }
0x9a: {  	v39 =	vnsel vm7, $0x0, v37;
	v40 =	vadd.s32 $0xFFFFFFFF, v38;
	v20 =	vadd.s32 v36, v20  }
0x9b: {  	v41 =	vadd.s32 v55, v19;
	v42 =	vnsel vm8, $0x0, v40;
	v20 =	vadd.s32 v39, v20  }
0x9c: {  	v14 =	vadd.s32 v14, v9;
	v43 =	vnsel vm1, $0x0, v41;
	v20 =	vadd.s32 v42, v20  }
0x9d: {  	v44 =	vnsel vm6, $0x0, v14;
	v13 =	vadd.s32 v13, v10;
	v20 =	vadd.s32 v43, v20  }
0x9e: {  	v45 =	vnsel vm7, $0x0, v13;
	v12 =	vadd.s32 v12, v11;
	v20 =	vadd.s32 v44, v20  }
0x9f: {  	v46 =	vnsel vm8, $0x0, v12;
	v20 =	vadd.s32 v45, v20  }
0xa0: {  	v27 =	vmpcnt.ones.xlane vm7;
	v20 =	vadd.s32 v46, v20  }
0xa1: {  	v26 =	vmpcnt.ones.xlane vm6;
	v25 =	vmpcnt.ones.xlane vm5;
	[tilespmem:$0x800] =	vst v20  }
0xa2: {  	v47 =	vmpcnt.ones.xlane vm2;
	v23 =	vmpcnt.ones.xlane vm3;
	v20 =	vld [tilespmem:s7+$0x10]  }
0xa3: {  	v21 =	vmpcnt.ones.xlane vm1;
	v28 =	vmpcnt.ones.xlane vm8  }
0xa4: {  	v18 =	vadd.s32 v51, v47;
	v54 =	vadd.s32 v27, v13;
	v24 =	vmpcnt.ones.xlane vm4  }
0xa5: {  	v30 =	vadd.s32 v21, v19;
	v58 =	vadd.s32 v28, v12;
	v33 =	vadd.s32 v23, v17  }
0xa6: {  	v34 =	vadd.s32 v24, v16;
	v35 =	vadd.s32 v25, v15;
	v36 =	vadd.s32 v26, v14  }
0xa7: {  	vm1 =	veq.s32 v20, $0x0;
	vm2 =	veq.s32 v20, $0x1;
	vm3 =	veq.s32 v20, $0x2  }
0xa8: {  	vm4 =	veq.s32 v20, $0x3;
	vm5 =	veq.s32 v20, $0x4;
	v29 =	vsel vm1, $0x1, v0  }
0xa9: {  	vm6 =	veq.s32 v20, $0x5;
	vm7 =	veq.s32 v20, $0x6;
	v31 =	vsel vm2, $0x1, v0;
	(xrf0) =	vadd.scan.msk.s32 $0xffff, v29  }
0xaa: {  	vm8 =	veq.s32 v20, $0x7;
	v22 =	vnsel vm2, $0x0, v18;
	v32 =	vsel vm3, $0x1, v0;
	(xrf0) =	vadd.scan.msk.s32 $0xffff, v31  }
0xab: {  	v33 =	vnsel vm3, $0x0, v33;
	v48 =	vsel vm4, $0x1, v0;
	v34 =	vnsel vm4, $0x0, v34;
	(xrf0) =	vadd.scan.msk.s32 $0xffff, v32  }
0xac: {  	v49 =	vsel vm5, $0x1, v0;
	v50 =	vnsel vm5, $0x0, v35;
	v22 =	vadd.s32 v22, v33;
	(xrf0) =	vadd.scan.msk.s32 $0xffff, v48  }
0xad: {  	v51 =	vsel vm6, $0x1, v0;
	v52 =	vnsel vm6, $0x0, v36;
	v22 =	vadd.s32 v34, v22;
	(xrf0) =	vadd.scan.msk.s32 $0xffff, v49  }
0xae: {  	v53 =	vsel vm7, $0x1, v0;
	v57 =	vsel vm8, $0x1, v0;
	v55 =	vadd.s32 v50, v22;
	(xrf0) =	vadd.scan.msk.s32 $0xffff, v51  }
0xaf: {  	v60 =	vnsel vm8, $0x0, v58;
	v33 =	vnsel vm7, $0x0, v54;
	v20 =	vadd.s32 v52, v55;
	v56, _, _ =	vpop (xrf0);
	(xrf0) =	vadd.scan.msk.s32 $0xffff, v53  }
0xb0: {  	v54 =	vmpcnt.ones.xlane vm6;
	v20 =	vadd.s32 v33, v20;
	v22 =	vadd.s32 v56, v30;
	v59, _, _ =	vpop (xrf0);
	(xrf0) =	vadd.scan.msk.s32 $0xffff, v57  }
0xb1: {  	v20 =	vadd.s32 v60, v20;
	v22 =	vnsel vm1, $0x0, v22;
	v29 =	vadd.s32 $0xFFFFFFFF, v59;
	v61, _, _ =	vpop (xrf0)  }
0xb2: {  	v29 =	vnsel vm2, $0x0, v29;
	v62 =	vadd.s32 $0xFFFFFFFF, v61;
	v63, _, _ =	vpop (xrf0);
	v20 =	vadd.s32 v22, v20  }
0xb3: {  	v33 =	vnsel vm3, $0x0, v62;
	v34 =	vadd.s32 $0xFFFFFFFF, v63;
	v35, _, _ =	vpop (xrf0);
	v20 =	vadd.s32 v29, v20  }
0xb4: {  	v36 =	vnsel vm4, $0x0, v34;
	v37 =	vadd.s32 $0xFFFFFFFF, v35;
	v38, _, _ =	vpop (xrf0);
	v20 =	vadd.s32 v33, v20  }
0xb5: {  	v39 =	vnsel vm5, $0x0, v37;
	v40 =	vadd.s32 $0xFFFFFFFF, v38;
	v41, _, _ =	vpop (xrf0);
	v20 =	vadd.s32 v36, v20  }
0xb6: {  	v42 =	vnsel vm6, $0x0, v40;
	v43 =	vadd.s32 $0xFFFFFFFF, v41;
	v44, _, _ =	vpop (xrf0);
	v20 =	vadd.s32 v39, v20  }
0xb7: {  	v45 =	vnsel vm7, $0x0, v43;
	v46 =	vadd.s32 $0xFFFFFFFF, v44;
	v20 =	vadd.s32 v42, v20  }
0xb8: {  	v52 =	vmpcnt.ones.xlane vm4;
	v47 =	vnsel vm8, $0x0, v46;
	v20 =	vadd.s32 v45, v20  }
0xb9: {  	v55 =	vmpcnt.ones.xlane vm7;
	v49 =	vmpcnt.ones.xlane vm2;
	v20 =	vadd.s32 v47, v20  }
0xba: {  	v48 =	vmpcnt.ones.xlane vm1;
	v51 =	vmpcnt.ones.xlane vm3;
	v24 =	vadd.s32 v24, v52;
	[tilespmem:$0x810] =	vst v20  }
0xbb: {  	v58 =	vadd.s32 v27, v55;
	v53 =	vmpcnt.ones.xlane vm5;
	v18 =	vadd.s32 v49, v18;
	v50 =	vld [tilespmem:s7+$0x20]  }
0xbc: {  	v16 =	vadd.s32 v16, v24;
	v23 =	vadd.s32 v23, v51;
	v56 =	vmpcnt.ones.xlane vm8  }
0xbd: {  	v13 =	vadd.s32 v13, v58;
	v57 =	vadd.s32 v26, v54;
	v17 =	vadd.s32 v17, v23  }
0xbe: {  	v14 =	vadd.s32 v14, v57;
	v59 =	vadd.s32 v28, v56;
	v20 =	vadd.s32 v21, v48  }
0xbf: {  	v12 =	vadd.s32 v12, v59;
	v21 =	vadd.s32 v25, v53;
	v19 =	vadd.s32 v20, v19  }
0xc0: {  	v15 =	vadd.s32 v15, v21;
	vm1 =	veq.s32 v50, $0x0;
	vm2 =	veq.s32 v50, $0x1  }
0xc1: {  	vm3 =	veq.s32 v50, $0x2;
	vm4 =	veq.s32 v50, $0x3;
	v60 =	vsel vm1, $0x1, v0  }
0xc2: {  	vm5 =	veq.s32 v50, $0x4;
	vm6 =	veq.s32 v50, $0x5;
	v61 =	vsel vm2, $0x1, v0;
	(xrf0) =	vadd.scan.msk.s32 $0xffff, v60  }
0xc3: {  	vm7 =	veq.s32 v50, $0x6;
	vm8 =	veq.s32 v50, $0x7;
	v62 =	vsel vm3, $0x1, v0;
	(xrf0) =	vadd.scan.msk.s32 $0xffff, v61  }
0xc4: {  	v22 =	vnsel vm2, $0x0, v18;
	v23 =	vnsel vm3, $0x0, v17;
	v63 =	vsel vm4, $0x1, v0;
	(xrf0) =	vadd.scan.msk.s32 $0xffff, v62  }
0xc5: {  	v33 =	vnsel vm4, $0x0, v16;
	v34 =	vsel vm5, $0x1, v0;
	v22 =	vadd.s32 v22, v23;
	(xrf0) =	vadd.scan.msk.s32 $0xffff, v63  }
0xc6: {  	v21 =	vnsel vm5, $0x0, v15;
	v35 =	vsel vm6, $0x1, v0;
	v22 =	vadd.s32 v33, v22;
	(xrf0) =	vadd.scan.msk.s32 $0xffff, v34  }
0xc7: {  	v36 =	vnsel vm6, $0x0, v14;
	v37 =	vsel vm7, $0x1, v0;
	v21 =	vadd.s32 v21, v22;
	(xrf0) =	vadd.scan.msk.s32 $0xffff, v35  }
0xc8: {  	v38 =	vnsel vm7, $0x0, v13;
	v40 =	vsel vm8, $0x1, v0;
	v21 =	vadd.s32 v36, v21;
	v39, _, _ =	vpop (xrf0);
	(xrf0) =	vadd.scan.msk.s32 $0xffff, v37  }
0xc9: {  	v42 =	vnsel vm8, $0x0, v12;
	v21 =	vadd.s32 v38, v21;
	v22 =	vadd.s32 v39, v19;
	v41, _, _ =	vpop (xrf0);
	(xrf0) =	vadd.scan.msk.s32 $0xffff, v40  }
0xca: {  	v20 =	vadd.s32 v42, v21;
	v22 =	vnsel vm1, $0x0, v22;
	v43 =	vadd.s32 $0xFFFFFFFF, v41;
	v44, _, _ =	vpop (xrf0)  }
0xcb: {  	v45 =	vnsel vm2, $0x0, v43;
	v46 =	vadd.s32 $0xFFFFFFFF, v44;
	v47, _, _ =	vpop (xrf0);
	v20 =	vadd.s32 v22, v20  }
0xcc: {  	v48 =	vnsel vm3, $0x0, v46;
	v49 =	vadd.s32 $0xFFFFFFFF, v47;
	v50, _, _ =	vpop (xrf0);
	v20 =	vadd.s32 v45, v20  }
0xcd: {  	v51 =	vnsel vm4, $0x0, v49;
	v52 =	vadd.s32 $0xFFFFFFFF, v50;
	v53, _, _ =	vpop (xrf0);
	v20 =	vadd.s32 v48, v20  }
0xce: {  	v54 =	vnsel vm5, $0x0, v52;
	v55 =	vadd.s32 $0xFFFFFFFF, v53;
	v56, _, _ =	vpop (xrf0);
	v20 =	vadd.s32 v51, v20  }
0xcf: {  	v57 =	vnsel vm6, $0x0, v55;
	v58 =	vadd.s32 $0xFFFFFFFF, v56;
	v59, _, _ =	vpop (xrf0);
	v20 =	vadd.s32 v54, v20  }
0xd0: {  	v60 =	vnsel vm7, $0x0, v58;
	v61 =	vadd.s32 $0xFFFFFFFF, v59;
	v20 =	vadd.s32 v57, v20  }
0xd1: {  	v62 =	vnsel vm8, $0x0, v61;
	v20 =	vadd.s32 v60, v20  }
0xd2: {  	v20 =	vadd.s32 v62, v20  }
0xd3: {  	v32 =	vmpcnt.ones.xlane vm2;
	[tilespmem:$0x820] =	vst v20  }
0xd4: {  	v33 =	vmpcnt.ones.xlane vm3;
	v63 =	vmpcnt.ones.xlane vm1;
	v20 =	vld [tilespmem:s7+$0x30]  }
0xd5: {  	v18 =	vadd.s32 v32, v18;
	v36 =	vmpcnt.ones.xlane vm6;
	v34 =	vmpcnt.ones.xlane vm4  }
0xd6: {  	v17 =	vadd.s32 v33, v17;
	v38 =	vmpcnt.ones.xlane vm8;
	v35 =	vmpcnt.ones.xlane vm5  }
0xd7: {  	v14 =	vadd.s32 v36, v14;
	v37 =	vmpcnt.ones.xlane vm7;
	v16 =	vadd.s32 v34, v16  }
0xd8: {  	v12 =	vadd.s32 v38, v12;
	v19 =	vadd.s32 v63, v19;
	v15 =	vadd.s32 v35, v15  }
0xd9: {  	v13 =	vadd.s32 v37, v13;
	vm4 =	veq.s32 v20, $0x0;
	vm2 =	veq.s32 v20, $0x1  }
0xda: {  	vm1 =	veq.s32 v20, $0x2;
	vm3 =	veq.s32 v20, $0x3;
	v39 =	vsel vm4, $0x1, v0  }
0xdb: {  	vm5 =	veq.s32 v20, $0x4;
	vm6 =	veq.s32 v20, $0x5;
	v40 =	vsel vm2, $0x1, v0;
	(xrf0) =	vadd.scan.msk.s32 $0xffff, v39  }
0xdc: {  	vm7 =	veq.s32 v20, $0x6;
	vm8 =	veq.s32 v20, $0x7;
	v41 =	vsel vm1, $0x1, v0;
	(xrf0) =	vadd.scan.msk.s32 $0xffff, v40  }
0xdd: {  	v18 =	vnsel vm2, $0x0, v18;
	v17 =	vnsel vm1, $0x0, v17;
	v42 =	vsel vm3, $0x1, v0;
	(xrf0) =	vadd.scan.msk.s32 $0xffff, v41  }
0xde: {  	v16 =	vnsel vm3, $0x0, v16;
	v43 =	vsel vm5, $0x1, v0;
	v17 =	vadd.s32 v18, v17;
	(xrf0) =	vadd.scan.msk.s32 $0xffff, v42  }
0xdf: {  	v15 =	vnsel vm5, $0x0, v15;
	v44 =	vsel vm6, $0x1, v0;
	v16 =	vadd.s32 v16, v17;
	(xrf0) =	vadd.scan.msk.s32 $0xffff, v43  }
0xe0: {  	v14 =	vnsel vm6, $0x0, v14;
	v45 =	vsel vm7, $0x1, v0;
	v15 =	vadd.s32 v15, v16;
	(xrf0) =	vadd.scan.msk.s32 $0xffff, v44  }
0xe1: {  	v13 =	vnsel vm7, $0x0, v13;
	v47 =	vsel vm8, $0x1, v0;
	v14 =	vadd.s32 v14, v15;
	v46, _, _ =	vpop (xrf0);
	(xrf0) =	vadd.scan.msk.s32 $0xffff, v45  }
0xe2: {  	v12 =	vnsel vm8, $0x0, v12;
	v13 =	vadd.s32 v13, v14;
	v48 =	vadd.s32 v46, v19;
	v49, _, _ =	vpop (xrf0);
	(xrf0) =	vadd.scan.msk.s32 $0xffff, v47  }
0xe3: {  	v12 =	vadd.s32 v12, v13;
	v50, _, _ =	vpop (xrf0);
	v15 =	vnsel vm4, $0x0, v48;
	v16 =	vadd.s32 $0xFFFFFFFF, v49  }
0xe4: {  	v51, _, _ =	vpop (xrf0);
	v16 =	vnsel vm2, $0x0, v16;
	v14 =	vadd.s32 $0xFFFFFFFF, v50;
	v12 =	vadd.s32 v15, v12  }
0xe5: {  	v52, _, _ =	vpop (xrf0);
	v14 =	vnsel vm1, $0x0, v14;
	v13 =	vadd.s32 $0xFFFFFFFF, v51;
	v12 =	vadd.s32 v16, v12  }
0xe6: {  	v53, _, _ =	vpop (xrf0);
	v13 =	vnsel vm3, $0x0, v13;
	v15 =	vadd.s32 $0xFFFFFFFF, v52;
	v12 =	vadd.s32 v14, v12  }
0xe7: {  	v54, _, _ =	vpop (xrf0);
	v15 =	vnsel vm5, $0x0, v15;
	v16 =	vadd.s32 $0xFFFFFFFF, v53;
	v12 =	vadd.s32 v13, v12  }
0xe8: {  	v55 =	vnsel vm6, $0x0, v16;
	v14 =	vadd.s32 $0xFFFFFFFF, v54;
	v56, _, _ =	vpop (xrf0);
	v12 =	vadd.s32 v15, v12  }
0xe9: {  	v14 =	vnsel vm7, $0x0, v14;
	v57 =	vadd.s32 $0xFFFFFFFF, v56;
	v12 =	vadd.s32 v55, v12  }
0xea: {  	v58 =	vnsel vm8, $0x0, v57;
	v12 =	vadd.s32 v14, v12  }
0xeb: {  	v12 =	vadd.s32 v58, v12  }
0xec: {  	[tilespmem:$0x830] =	vst v12  }
0xed: {  	[hbm4b:s8+s3] =	stream.linear.scatter [tilespmem:s19], [sflag:$0x3], $0x40, $0x38;
	[tilespmem:$0x12A00] =	vst v63  }
0xee: {  	_ =	swait.ge [sflag:s18], $0x40  }
0xef: {  	[sflag:s18] =	ssyncset.done $0x0  }
0xf0: {  	[sflag:s18] =	ssyncadd.s32 $0xFFFFFFC0  }
0xf1: {  	[tilespmem:s20], [sflag:$0x3] =	stream.linear.gather [hbm4b:s9+s3], $0x10000, $0x38;
	[tilespmem:$0x12A00] =	vst v63  }
0xf2: {  	_ =	swait.ge [sflag:s18], $0x10000  }
0xf3: {  	[sflag:s18] =	ssyncset.done $0x0  }
0xf4: {  	[sflag:s18] =	ssyncadd.s32 $0xFFFF0000  }
0xf5: {  	[tilespmem:s21], [sflag:$0x3] =	stream.linear.gather [hbm4b:s10+s3], $0x2000, $0x38;
	[tilespmem:$0x12A00] =	vst v63  }
0xf6: {  	_ =	swait.ge [sflag:s18], $0x2000  }
0xf7: {  	[sflag:s18] =	ssyncset.done $0x0  }
0xf8: {  	[sflag:s18] =	ssyncadd.s32 $0xFFFFE000  }
0xf9: {  	v59 =	vld [tilespmem:$0x800];
	_ =	sdelay $0x4  }
0xfa: {  	v60 =	vshll.u32 v59, $0x3  }
0xfb: {  	v12 =	vand.u32 $0x7, v59;
	v13 =	vand.u32 $0xFFFFFFC0, v60  }
0xfc: {  	v12 =	vor.u32 v12, v13  }
0xfd: {  	v13 =	vperm.xlane v12, v1;
	_ =	sdelay $0x1  }
0xfe: {  	v13 =	vadd.s32 v2, v13;
	_ =	sdelay $0x4  }
0xff: {  	[hbm4b:s6+s3] =	stream.indirect_vreg.scatter [tilespmem:s20], [sflag:$0x1], $0x80, v13, vm0, $0xb8;
	[tilespmem:$0x12A00] =	vst v63  }
0x100: {  	s0 =	simm.s32 $0x1080;
	v12 =	vperm.xlane v12, v3  }
0x101: {  	[hbm4b:s11+s3] =	stream.indirect_vreg.scatter [tilespmem:s0], [sflag:$0x1], $0x80, v13, vm0, $0xb8;
	[tilespmem:$0x12A00] =	vst v63  }
0x102: {  	s1 =	simm.s32 $0x1880;
	v12 =	vadd.s32 v2, v12  }
0x103: {  	[hbm4b:s12+s3] =	stream.indirect_vreg.scatter [tilespmem:s1], [sflag:$0x1], $0x80, v13, vm0, $0xb8;
	[tilespmem:$0x12A00] =	vst v63  }
0x104: {  	s1 =	simm.s32 $0x2080  }
0x105: {  	[hbm4b:s13+s3] =	stream.indirect_vreg.scatter [tilespmem:s1], [sflag:$0x1], $0x80, v13, vm0, $0xb8;
	[tilespmem:$0x12A00] =	vst v63  }
0x106: {  	s1 =	simm.s32 $0x2880  }
0x107: {  	[hbm4b:s6+s3] =	stream.indirect_vreg.scatter [tilespmem:s1], [sflag:$0x1], $0x80, v12, vm0, $0xb8;
	[tilespmem:$0x12A00] =	vst v63  }
0x108: {  	s1 =	simm.s32 $0x3080  }
0x109: {  	[hbm4b:s11+s3] =	stream.indirect_vreg.scatter [tilespmem:s1], [sflag:$0x1], $0x80, v12, vm0, $0xb8;
	[tilespmem:$0x12A00] =	vst v63  }
0x10a: {  	s1 =	simm.s32 $0x3880  }
0x10b: {  	[hbm4b:s12+s3] =	stream.indirect_vreg.scatter [tilespmem:s1], [sflag:$0x1], $0x80, v12, vm0, $0xb8;
	[tilespmem:$0x12A00] =	vst v63  }
0x10c: {  	s1 =	simm.s32 $0x4080  }
0x10d: {  	[hbm4b:s13+s3] =	stream.indirect_vreg.scatter [tilespmem:s1], [sflag:$0x1], $0x80, v12, vm0, $0xb8;
	[tilespmem:$0x12A00] =	vst v63  }
0x10e: {  	v12 =	vld [tilespmem:$0x810];
	_ =	sdelay $0x4  }
0x10f: {  	v61 =	vshll.u32 v12, $0x3  }
0x110: {  	v12 =	vand.u32 $0x7, v12;
	v13 =	vand.u32 $0xFFFFFFC0, v61  }
0x111: {  	v12 =	vor.u32 v12, v13  }
0x112: {  	v13 =	vperm.xlane v12, v1;
	_ =	sdelay $0x1  }
0x113: {  	v13 =	vadd.s32 v2, v13;
	_ =	sdelay $0x3  }
0x114: {  	s1 =	simm.s32 $0x4880  }
0x115: {  	[hbm4b:s6+s3] =	stream.indirect_vreg.scatter [tilespmem:s1], [sflag:$0x1], $0x80, v13, vm0, $0xb8;
	[tilespmem:$0x12A00] =	vst v63  }
0x116: {  	v12 =	vperm.xlane v12, v3;
	s1 =	simm.s32 $0x5080  }
0x117: {  	[hbm4b:s11+s3] =	stream.indirect_vreg.scatter [tilespmem:s1], [sflag:$0x1], $0x80, v13, vm0, $0xb8;
	[tilespmem:$0x12A00] =	vst v63  }
0x118: {  	v12 =	vadd.s32 v2, v12;
	s1 =	simm.s32 $0x5880  }
0x119: {  	[hbm4b:s12+s3] =	stream.indirect_vreg.scatter [tilespmem:s1], [sflag:$0x1], $0x80, v13, vm0, $0xb8;
	[tilespmem:$0x12A00] =	vst v63  }
0x11a: {  	s1 =	simm.s32 $0x6080  }
0x11b: {  	[hbm4b:s13+s3] =	stream.indirect_vreg.scatter [tilespmem:s1], [sflag:$0x1], $0x80, v13, vm0, $0xb8;
	[tilespmem:$0x12A00] =	vst v63  }
0x11c: {  	s1 =	simm.s32 $0x6880  }
0x11d: {  	[hbm4b:s6+s3] =	stream.indirect_vreg.scatter [tilespmem:s1], [sflag:$0x1], $0x80, v12, vm0, $0xb8;
	[tilespmem:$0x12A00] =	vst v63  }
0x11e: {  	s1 =	simm.s32 $0x7080  }
0x11f: {  	[hbm4b:s11+s3] =	stream.indirect_vreg.scatter [tilespmem:s1], [sflag:$0x1], $0x80, v12, vm0, $0xb8;
	[tilespmem:$0x12A00] =	vst v63  }
0x120: {  	s1 =	simm.s32 $0x7880  }
0x121: {  	[hbm4b:s12+s3] =	stream.indirect_vreg.scatter [tilespmem:s1], [sflag:$0x1], $0x80, v12, vm0, $0xb8;
	[tilespmem:$0x12A00] =	vst v63  }
0x122: {  	s1 =	simm.s32 $0x8080  }
0x123: {  	[hbm4b:s13+s3] =	stream.indirect_vreg.scatter [tilespmem:s1], [sflag:$0x1], $0x80, v12, vm0, $0xb8;
	[tilespmem:$0x12A00] =	vst v63  }
0x124: {  	v12 =	vld [tilespmem:$0x820];
	_ =	sdelay $0x4  }
0x125: {  	v62 =	vshll.u32 v12, $0x3  }
0x126: {  	v12 =	vand.u32 $0x7, v12;
	v13 =	vand.u32 $0xFFFFFFC0, v62  }
0x127: {  	v12 =	vor.u32 v12, v13  }
0x128: {  	v13 =	vperm.xlane v12, v1;
	_ =	sdelay $0x1  }
0x129: {  	v13 =	vadd.s32 v2, v13;
	_ =	sdelay $0x3  }
0x12a: {  	s1 =	simm.s32 $0x8880  }
0x12b: {  	[hbm4b:s6+s3] =	stream.indirect_vreg.scatter [tilespmem:s1], [sflag:$0x1], $0x80, v13, vm0, $0xb8;
	[tilespmem:$0x12A00] =	vst v63  }
0x12c: {  	v12 =	vperm.xlane v12, v3;
	s1 =	simm.s32 $0x9080  }
0x12d: {  	[hbm4b:s11+s3] =	stream.indirect_vreg.scatter [tilespmem:s1], [sflag:$0x1], $0x80, v13, vm0, $0xb8;
	[tilespmem:$0x12A00] =	vst v63  }
0x12e: {  	v12 =	vadd.s32 v2, v12;
	s1 =	simm.s32 $0x9880  }
0x12f: {  	[hbm4b:s12+s3] =	stream.indirect_vreg.scatter [tilespmem:s1], [sflag:$0x1], $0x80, v13, vm0, $0xb8;
	[tilespmem:$0x12A00] =	vst v63  }
0x130: {  	s1 =	simm.s32 $0xA080  }
0x131: {  	[hbm4b:s13+s3] =	stream.indirect_vreg.scatter [tilespmem:s1], [sflag:$0x1], $0x80, v13, vm0, $0xb8;
	[tilespmem:$0x12A00] =	vst v63  }
0x132: {  	s1 =	simm.s32 $0xA880  }
0x133: {  	[hbm4b:s6+s3] =	stream.indirect_vreg.scatter [tilespmem:s1], [sflag:$0x1], $0x80, v12, vm0, $0xb8;
	[tilespmem:$0x12A00] =	vst v63  }
0x134: {  	s1 =	simm.s32 $0xB080  }
0x135: {  	[hbm4b:s11+s3] =	stream.indirect_vreg.scatter [tilespmem:s1], [sflag:$0x1], $0x80, v12, vm0, $0xb8;
	[tilespmem:$0x12A00] =	vst v63  }
0x136: {  	s1 =	simm.s32 $0xB880  }
0x137: {  	[hbm4b:s12+s3] =	stream.indirect_vreg.scatter [tilespmem:s1], [sflag:$0x1], $0x80, v12, vm0, $0xb8;
	[tilespmem:$0x12A00] =	vst v63  }
0x138: {  	s1 =	simm.s32 $0xC080  }
0x139: {  	[hbm4b:s13+s3] =	stream.indirect_vreg.scatter [tilespmem:s1], [sflag:$0x1], $0x80, v12, vm0, $0xb8;
	[tilespmem:$0x12A00] =	vst v63  }
0x13a: {  	v12 =	vld [tilespmem:$0x830];
	_ =	sdelay $0x4  }
0x13b: {  	v63 =	vshll.u32 v12, $0x3  }
0x13c: {  	v12 =	vand.u32 $0x7, v12;
	v13 =	vand.u32 $0xFFFFFFC0, v63  }
0x13d: {  	v12 =	vor.u32 v12, v13  }
0x13e: {  	v13 =	vperm.xlane v12, v1;
	_ =	sdelay $0x1  }
0x13f: {  	v13 =	vadd.s32 v2, v13;
	_ =	sdelay $0x3  }
0x140: {  	s1 =	simm.s32 $0xC880  }
0x141: {  	[hbm4b:s6+s3] =	stream.indirect_vreg.scatter [tilespmem:s1], [sflag:$0x1], $0x80, v13, vm0, $0xb8;
	[tilespmem:$0x12A00] =	vst v63  }
0x142: {  	v12 =	vperm.xlane v12, v3  }
0x143: {  	[hbm4b:s11+s3] =	stream.indirect_vreg.scatter [tilespmem:s5], [sflag:$0x1], $0x80, v13, vm0, $0xb8;
	[tilespmem:$0x12A00] =	vst v63  }
0x144: {  	v12 =	vadd.s32 v2, v12  }
0x145: {  	[hbm4b:s12+s3] =	stream.indirect_vreg.scatter [tilespmem:s2], [sflag:$0x1], $0x80, v13, vm0, $0xb8;
	[tilespmem:$0x12A00] =	vst v63  }
0x146: {  	_ = 	snop  }
0x147: {  	[hbm4b:s13+s3] =	stream.indirect_vreg.scatter [tilespmem:s22], [sflag:$0x1], $0x80, v13, vm0, $0xb8;
	[tilespmem:$0x12A00] =	vst v63  }
0x148: {  	_ = 	snop  }
0x149: {  	[hbm4b:s6+s3] =	stream.indirect_vreg.scatter [tilespmem:s23], [sflag:$0x1], $0x80, v12, vm0, $0xb8;
	[tilespmem:$0x12A00] =	vst v63  }
0x14a: {  	_ = 	snop  }
0x14b: {  	[hbm4b:s11+s3] =	stream.indirect_vreg.scatter [tilespmem:s24], [sflag:$0x1], $0x80, v12, vm0, $0xb8;
	[tilespmem:$0x12A00] =	vst v63  }
0x14c: {  	_ = 	snop  }
0x14d: {  	[hbm4b:s12+s3] =	stream.indirect_vreg.scatter [tilespmem:s25], [sflag:$0x1], $0x80, v12, vm0, $0xb8;
	[tilespmem:$0x12A00] =	vst v63  }
0x14e: {  	_ = 	snop  }
0x14f: {  	[hbm4b:s13+s3] =	stream.indirect_vreg.scatter [tilespmem:s26], [sflag:$0x1], $0x80, v12, vm0, $0xb8;
	[tilespmem:$0x12A00] =	vst v63  }
0x150: {  	s1 =	rddreg [dreg:$0x2]  }
0x151: {  	[hbm4b:s1+s28] =	stream.indirect.scatter [tilespmem:s21], [sflag:$0x2], $0x80, s19, s28, $0xb8;
	[tilespmem:$0x12A00] =	vst v63  }
0x152: {  	_ =	swait.ge [sflag:s29], $0x10000  }
.Ltmp7:
0x153: {  	[sflag:s29] =	ssyncset.done $0x0;
	(pc) =	sbr.rel @p0 .LBB2_6-.Ltmp7, $4  }
0x154: {  	[sflag:s29] =	ssyncadd.s32 $0xFFFF0000  }
0x155: {  	_ =	swait.ge [sflag:s30], $0x2000  }
0x156: {  	[sflag:s30] =	ssyncset.done $0x0  }
0x157: {  	[sflag:s30] =	ssyncadd.s32 $0xFFFFE000  }
0x158: {  	vm1 =	vlt.s32 v5, $0x1;
	vm2 =	vlt.s32 v6, $0x1  }
0x159: {  	v12 =	vsel vm1, $0x1, v0;
	v13 =	vsel vm2, $0x1, v0;
	vm1 =	vlt.s32 v7, $0x1  }
0x15a: {  	vm2 =	vcmask $0x300;
	v12 =	vadd.s32 v12, v13;
	v17 =	vsel vm1, $0x1, v0  }
0x15b: {  	vm1 =	vlt.s32 v8, $0x1;
	v13 =	vsel vm2, $0xFFFFFFFF, v0;
	vm2 =	vcmask $0x704  }
0x15c: {  	v12 =	vadd.s32 v17, v12;
	v18 =	vsel vm1, $0x1, v0;
	vm1 =	vlt.s32 v9, $0x1  }
0x15d: {  	v16 =	vsel vm2, $0xFFFFFFFF, v0;
	v19 =	vsel vm1, $0x1, v0;
	vm1 =	vlt.s32 v10, $0x1  }
0x15e: {  	vm2 =	vcmask $0xB08;
	v20 =	vsel vm1, $0x1, v0;
	vm1 =	vlt.s32 v11, $0x1  }
0x15f: {  	v12 =	vadd.s32 v18, v12;
	v21 =	vsel vm1, $0x1, v0;
	vm1 =	vlt.s32 v5, $0x81  }
0x160: {  	v12 =	vadd.s32 v19, v12;
	v14 =	vsel vm1, $0x1, v0;
	vm1 =	vlt.s32 v6, $0x81  }
0x161: {  	v12 =	vadd.s32 v20, v12;
	v15 =	vsel vm1, $0x1, v0;
	vm1 =	vlt.s32 v7, $0x81  }
0x162: {  	v12 =	vadd.s32 v21, v12;
	v22 =	vsel vm1, $0x1, v0;
	vm1 =	vlt.s32 v8, $0x81  }
0x163: {  	v14 =	vadd.s32 v14, v15;
	v23 =	vsel vm1, $0x1, v0;
	vm1 =	vlt.s32 v9, $0x81  }
0x164: {  	v14 =	vadd.s32 v22, v14;
	v24 =	vsel vm1, $0x1, v0;
	vm1 =	vlt.s32 v10, $0x81  }
0x165: {  	v14 =	vadd.s32 v23, v14;
	v25 =	vsel vm1, $0x1, v0;
	vm1 =	vlt.s32 v11, $0x81  }
0x166: {  	v14 =	vadd.s32 v24, v14;
	v26 =	vsel vm1, $0x1, v0;
	vm1 =	vlt.s32 v5, $0x101  }
0x167: {  	v14 =	vadd.s32 v25, v14;
	v27 =	vsel vm1, $0x1, v0;
	vm1 =	vlt.s32 v6, $0x101  }
0x168: {  	v12 =	vand.u32 v13, v12;
	v14 =	vadd.s32 v26, v14;
	v17 =	vsel vm1, $0x1, v0  }
0x169: {  	vm1 =	vlt.s32 v7, $0x101;
	v14 =	vand.u32 v16, v14;
	v15 =	vadd.s32 v27, v17  }
0x16a: {  	v28 =	vsel vm1, $0x1, v0;
	vm1 =	vlt.s32 v8, $0x101;
	v12 =	vadd.s32 v14, v12  }
0x16b: {  	v15 =	vadd.s32 v28, v15;
	v29 =	vsel vm1, $0x1, v0;
	vm1 =	vlt.s32 v9, $0x101  }
0x16c: {  	v15 =	vadd.s32 v29, v15;
	v30 =	vsel vm1, $0x1, v0;
	vm1 =	vlt.s32 v10, $0x101  }
0x16d: {  	v15 =	vadd.s32 v30, v15;
	v31 =	vsel vm1, $0x1, v0;
	vm1 =	vlt.s32 v11, $0x101  }
0x16e: {  	v17 =	vsel vm2, $0xFFFFFFFF, v0;
	v15 =	vadd.s32 v31, v15;
	v32 =	vsel vm1, $0x1, v0  }
0x16f: {  	vm2 =	vcmask $0x1310;
	vm1 =	vlt.s32 v5, $0x181;
	v33 =	vadd.s32 v32, v15  }
0x170: {  	v34 =	vsel vm1, $0x1, v0;
	vm1 =	vlt.s32 v6, $0x181;
	v14 =	vand.u32 v17, v33  }
0x171: {  	v18 =	vsel vm1, $0x1, v0;
	vm1 =	vlt.s32 v7, $0x181;
	v33 =	vsel vm9, $0xFFFFFFFF, v0  }
0x172: {  	v15 =	vadd.s32 v34, v18;
	v35 =	vsel vm1, $0x1, v0;
	vm1 =	vlt.s32 v8, $0x181  }
0x173: {  	v12 =	vadd.s32 v14, v12;
	v18 =	vsel vm2, $0xFFFFFFFF, v0;
	vm2 =	vcmask $0x1714  }
0x174: {  	v15 =	vadd.s32 v35, v15;
	v36 =	vsel vm1, $0x1, v0;
	vm1 =	vlt.s32 v9, $0x181  }
0x175: {  	v15 =	vadd.s32 v36, v15;
	v37 =	vsel vm1, $0x1, v0;
	vm1 =	vlt.s32 v10, $0x181  }
0x176: {  	v15 =	vadd.s32 v37, v15;
	v38 =	vsel vm1, $0x1, v0;
	vm1 =	vlt.s32 v11, $0x181  }
0x177: {  	v39 =	vadd.s32 v38, v15;
	v40 =	vsel vm1, $0x1, v0;
	vm1 =	vcmask $0xF0C  }
0x178: {  	v14 =	vadd.s32 v40, v39;
	v15 =	vsel vm1, $0xFFFFFFFF, v0;
	vm1 =	vlt.s32 v5, $0x201  }
0x179: {  	v14 =	vand.u32 v15, v14;
	v41 =	vsel vm1, $0x1, v0;
	vm1 =	vlt.s32 v6, $0x201  }
0x17a: {  	v12 =	vadd.s32 v14, v12;
	v42 =	vsel vm1, $0x1, v0;
	vm1 =	vlt.s32 v7, $0x201  }
0x17b: {  	v14 =	vadd.s32 v41, v42;
	v43 =	vsel vm1, $0x1, v0;
	vm1 =	vlt.s32 v8, $0x201  }
0x17c: {  	v42 =	vsel vm10, $0xFFFFFFFF, v0;
	v44 =	vsel vm1, $0x1, v0;
	vm1 =	vlt.s32 v9, $0x201  }
0x17d: {  	v14 =	vadd.s32 v43, v14;
	v45 =	vsel vm1, $0x1, v0;
	vm1 =	vlt.s32 v10, $0x201  }
0x17e: {  	v14 =	vadd.s32 v44, v14;
	v46 =	vsel vm1, $0x1, v0;
	vm1 =	vlt.s32 v11, $0x201  }
0x17f: {  	v14 =	vadd.s32 v45, v14;
	v47 =	vsel vm1, $0x1, v0;
	vm1 =	vlt.s32 v5, $0x281  }
0x180: {  	v14 =	vadd.s32 v46, v14;
	v19 =	vsel vm1, $0x1, v0;
	vm1 =	vlt.s32 v6, $0x281  }
0x181: {  	v14 =	vadd.s32 v47, v14;
	v20 =	vsel vm1, $0x1, v0;
	vm1 =	vlt.s32 v7, $0x281  }
0x182: {  	v14 =	vand.u32 v18, v14;
	v19 =	vadd.s32 v19, v20;
	v48 =	vsel vm1, $0x1, v0  }
0x183: {  	vm1 =	vlt.s32 v8, $0x281;
	v12 =	vadd.s32 v14, v12;
	v14 =	vsel vm2, $0xFFFFFFFF, v0  }
0x184: {  	vm2 =	vcmask $0x1F1C;
	v49 =	vsel vm1, $0x1, v0;
	vm1 =	vlt.s32 v9, $0x281  }
0x185: {  	v19 =	vadd.s32 v48, v19;
	v50 =	vsel vm1, $0x1, v0;
	vm1 =	vlt.s32 v10, $0x281  }
0x186: {  	v19 =	vadd.s32 v49, v19;
	v51 =	vsel vm1, $0x1, v0;
	vm1 =	vlt.s32 v11, $0x281  }
0x187: {  	v19 =	vadd.s32 v50, v19;
	v52 =	vsel vm1, $0x1, v0;
	vm1 =	vlt.s32 v5, $0x301  }
0x188: {  	v19 =	vadd.s32 v51, v19;
	v53 =	vsel vm1, $0x1, v0;
	vm1 =	vlt.s32 v6, $0x301  }
0x189: {  	v51 =	vsel vm11, $0xFFFFFFFF, v0;
	v19 =	vadd.s32 v52, v19;
	v21 =	vsel vm1, $0x1, v0  }
0x18a: {  	v19 =	vand.u32 v14, v19;
	vm1 =	vlt.s32 v7, $0x301;
	v20 =	vadd.s32 v53, v21  }
0x18b: {  	v54 =	vsel vm1, $0x1, v0;
	vm1 =	vlt.s32 v8, $0x301;
	v19 =	vadd.s32 v19, v12  }
0x18c: {  	v20 =	vadd.s32 v54, v20;
	v55 =	vsel vm1, $0x1, v0;
	vm1 =	vlt.s32 v9, $0x301  }
0x18d: {  	v20 =	vadd.s32 v55, v20;
	v56 =	vsel vm1, $0x1, v0;
	vm1 =	vlt.s32 v10, $0x301  }
0x18e: {  	v20 =	vadd.s32 v56, v20;
	v57 =	vsel vm1, $0x1, v0;
	vm1 =	vlt.s32 v11, $0x301  }
0x18f: {  	v58 =	vadd.s32 v57, v20;
	v59 =	vsel vm1, $0x1, v0;
	vm1 =	vcmask $0x1B18  }
0x190: {  	v20 =	vadd.s32 v59, v58;
	v12 =	vsel vm1, $0xFFFFFFFF, v0;
	vm1 =	vlt.s32 v5, $0x381  }
0x191: {  	v58 =	vsel vm12, $0xFFFFFFFF, v0;
	v60 =	vsel vm1, $0x1, v0;
	vm1 =	vlt.s32 v6, $0x381  }
0x192: {  	v20 =	vand.u32 v12, v20;
	v61 =	vsel vm1, $0x1, v0;
	vm1 =	vlt.s32 v7, $0x381  }
0x193: {  	v20 =	vadd.s32 v20, v19;
	v62 =	vsel vm1, $0x1, v0;
	vm1 =	vlt.s32 v8, $0x381  }
0x194: {  	v19 =	vadd.s32 v60, v61;
	v63 =	vsel vm1, $0x1, v0;
	vm1 =	vlt.s32 v9, $0x381  }
0x195: {  	v19 =	vadd.s32 v62, v19;
	v24 =	vsel vm1, $0x1, v0;
	vm1 =	vlt.s32 v10, $0x381  }
0x196: {  	v19 =	vadd.s32 v63, v19;
	v25 =	vsel vm1, $0x1, v0;
	vm1 =	vlt.s32 v11, $0x381  }
0x197: {  	v19 =	vadd.s32 v24, v19;
	v26 =	vsel vm1, $0x1, v0;
	vm1 =	vlt.s32 v5, $0x401  }
0x198: {  	v19 =	vadd.s32 v25, v19;
	v22 =	vsel vm1, $0x1, v0;
	vm1 =	vlt.s32 v6, $0x401  }
0x199: {  	v21 =	vadd.s32 v26, v19;
	v19 =	vsel vm2, $0xFFFFFFFF, v0;
	v23 =	vsel vm1, $0x1, v0  }
0x19a: {  	vm1 =	vlt.s32 v7, $0x401;
	v21 =	vand.u32 v19, v21;
	v22 =	vadd.s32 v22, v23  }
0x19b: {  	v27 =	vsel vm1, $0x1, v0;
	vm1 =	vlt.s32 v8, $0x401;
	v20 =	vadd.s32 v21, v20  }
0x19c: {  	v22 =	vadd.s32 v27, v22;
	v28 =	vsel vm1, $0x1, v0;
	vm1 =	vlt.s32 v9, $0x401  }
0x19d: {  	v27 =	vsel vm13, $0xFFFFFFFF, v0;
	v29 =	vsel vm1, $0x1, v0;
	vm1 =	vlt.s32 v10, $0x401  }
0x19e: {  	v22 =	vadd.s32 v28, v22;
	v30 =	vsel vm1, $0x1, v0;
	vm1 =	vlt.s32 v11, $0x401  }
0x19f: {  	v22 =	vadd.s32 v29, v22;
	v31 =	vsel vm1, $0x1, v0;
	vm1 =	vlt.s32 v5, $0x481  }
0x1a0: {  	v22 =	vadd.s32 v30, v22;
	v34 =	vsel vm1, $0x1, v0;
	vm1 =	vlt.s32 v6, $0x481  }
0x1a1: {  	v32 =	vadd.s32 v31, v22;
	v35 =	vsel vm1, $0x1, v0;
	vm1 =	vlt.s32 v7, $0x481  }
0x1a2: {  	v21 =	vand.u32 v33, v32;
	v22 =	vadd.s32 v34, v35;
	v36 =	vsel vm1, $0x1, v0  }
0x1a3: {  	vm1 =	vlt.s32 v8, $0x481;
	v20 =	vadd.s32 v21, v20;
	v22 =	vadd.s32 v36, v22  }
0x1a4: {  	v37 =	vsel vm1, $0x1, v0;
	vm1 =	vlt.s32 v9, $0x481;
	v36 =	vsel vm14, $0xFFFFFFFF, v0  }
0x1a5: {  	v22 =	vadd.s32 v37, v22;
	v38 =	vsel vm1, $0x1, v0;
	vm1 =	vlt.s32 v10, $0x481  }
0x1a6: {  	v22 =	vadd.s32 v38, v22;
	v39 =	vsel vm1, $0x1, v0;
	vm1 =	vlt.s32 v11, $0x481  }
0x1a7: {  	v40 =	vadd.s32 v39, v22;
	v41 =	vsel vm1, $0x1, v0;
	vm1 =	vlt.s32 v5, $0x501  }
0x1a8: {  	v21 =	vadd.s32 v41, v40;
	v43 =	vsel vm1, $0x1, v0;
	vm1 =	vlt.s32 v6, $0x501  }
0x1a9: {  	v21 =	vand.u32 v42, v21;
	v44 =	vsel vm1, $0x1, v0;
	vm1 =	vlt.s32 v7, $0x501  }
0x1aa: {  	v20 =	vadd.s32 v21, v20;
	v45 =	vsel vm1, $0x1, v0;
	vm1 =	vlt.s32 v8, $0x501  }
0x1ab: {  	v21 =	vadd.s32 v43, v44;
	v46 =	vsel vm1, $0x1, v0;
	vm1 =	vlt.s32 v9, $0x501  }
0x1ac: {  	v21 =	vadd.s32 v45, v21;
	v47 =	vsel vm1, $0x1, v0;
	vm1 =	vlt.s32 v10, $0x501  }
0x1ad: {  	v21 =	vadd.s32 v46, v21;
	v48 =	vsel vm1, $0x1, v0;
	vm1 =	vlt.s32 v11, $0x501  }
0x1ae: {  	v21 =	vadd.s32 v47, v21;
	v49 =	vsel vm1, $0x1, v0;
	vm1 =	vlt.s32 v5, $0x581  }
0x1af: {  	v21 =	vadd.s32 v48, v21;
	v50 =	vsel vm1, $0x1, v0;
	vm1 =	vlt.s32 v6, $0x581  }
0x1b0: {  	v21 =	vadd.s32 v49, v21;
	v24 =	vsel vm1, $0x1, v0;
	vm1 =	vlt.s32 v7, $0x581  }
0x1b1: {  	v21 =	vand.u32 v51, v21;
	v52 =	vsel vm1, $0x1, v0;
	vm1 =	vlt.s32 v8, $0x581  }
0x1b2: {  	v22 =	vadd.s32 v50, v24;
	v53 =	vsel vm1, $0x1, v0;
	vm1 =	vlt.s32 v9, $0x581  }
0x1b3: {  	v22 =	vadd.s32 v52, v22;
	v54 =	vsel vm1, $0x1, v0;
	vm1 =	vlt.s32 v10, $0x581  }
0x1b4: {  	v22 =	vadd.s32 v53, v22;
	v55 =	vsel vm1, $0x1, v0;
	vm1 =	vlt.s32 v11, $0x581  }
0x1b5: {  	v22 =	vadd.s32 v54, v22;
	v56 =	vsel vm1, $0x1, v0;
	vm1 =	vlt.s32 v5, $0x601  }
0x1b6: {  	v22 =	vadd.s32 v55, v22;
	v59 =	vsel vm1, $0x1, v0;
	vm1 =	vlt.s32 v6, $0x601  }
0x1b7: {  	v20 =	vadd.s32 v21, v20;
	v57 =	vadd.s32 v56, v22;
	v60 =	vsel vm1, $0x1, v0  }
0x1b8: {  	v21 =	vand.u32 v58, v57;
	vm1 =	vlt.s32 v7, $0x601;
	v22 =	vadd.s32 v59, v60  }
0x1b9: {  	v61 =	vsel vm1, $0x1, v0;
	vm1 =	vlt.s32 v8, $0x601;
	v20 =	vadd.s32 v21, v20  }
0x1ba: {  	v22 =	vadd.s32 v61, v22;
	v62 =	vsel vm1, $0x1, v0;
	vm1 =	vlt.s32 v9, $0x601  }
0x1bb: {  	v22 =	vadd.s32 v62, v22;
	v63 =	vsel vm1, $0x1, v0;
	vm1 =	vlt.s32 v10, $0x601  }
0x1bc: {  	v22 =	vadd.s32 v63, v22;
	v24 =	vsel vm1, $0x1, v0;
	vm1 =	vlt.s32 v11, $0x601  }
0x1bd: {  	v25 =	vadd.s32 v24, v22;
	v26 =	vsel vm1, $0x1, v0;
	vm1 =	vlt.s32 v5, $0x681  }
0x1be: {  	v21 =	vadd.s32 v26, v25;
	v28 =	vsel vm1, $0x1, v0;
	vm1 =	vlt.s32 v6, $0x681  }
0x1bf: {  	v21 =	vand.u32 v27, v21;
	v29 =	vsel vm1, $0x1, v0;
	vm1 =	vlt.s32 v7, $0x681  }
0x1c0: {  	v20 =	vadd.s32 v21, v20;
	v30 =	vsel vm1, $0x1, v0;
	vm1 =	vlt.s32 v8, $0x681  }
0x1c1: {  	v21 =	vadd.s32 v28, v29;
	v31 =	vsel vm1, $0x1, v0;
	vm1 =	vlt.s32 v9, $0x681  }
0x1c2: {  	v21 =	vadd.s32 v30, v21;
	v32 =	vsel vm1, $0x1, v0;
	vm1 =	vlt.s32 v10, $0x681  }
0x1c3: {  	v21 =	vadd.s32 v31, v21;
	v33 =	vsel vm1, $0x1, v0;
	vm1 =	vlt.s32 v11, $0x681  }
0x1c4: {  	v21 =	vadd.s32 v32, v21;
	v34 =	vsel vm1, $0x1, v0;
	vm1 =	vlt.s32 v5, $0x701  }
0x1c5: {  	v21 =	vadd.s32 v33, v21;
	v35 =	vsel vm1, $0x1, v0;
	vm1 =	vlt.s32 v6, $0x701  }
0x1c6: {  	v44 =	vsel vm15, $0xFFFFFFFF, v0;
	v21 =	vadd.s32 v34, v21;
	v37 =	vsel vm1, $0x1, v0  }
0x1c7: {  	vm1 =	vlt.s32 v7, $0x701;
	v21 =	vand.u32 v36, v21;
	v22 =	vadd.s32 v35, v37  }
0x1c8: {  	v38 =	vsel vm1, $0x1, v0;
	vm1 =	vlt.s32 v8, $0x701;
	v20 =	vadd.s32 v21, v20  }
0x1c9: {  	v22 =	vadd.s32 v38, v22;
	v39 =	vsel vm1, $0x1, v0;
	vm1 =	vlt.s32 v9, $0x701  }
0x1ca: {  	v22 =	vadd.s32 v39, v22;
	v40 =	vsel vm1, $0x1, v0;
	vm1 =	vlt.s32 v10, $0x701  }
0x1cb: {  	v22 =	vadd.s32 v40, v22;
	v41 =	vsel vm1, $0x1, v0;
	vm1 =	vlt.s32 v11, $0x701  }
0x1cc: {  	v22 =	vadd.s32 v41, v22;
	v42 =	vsel vm1, $0x1, v0;
	vm1 =	vlt.s32 v5, $0x781  }
0x1cd: {  	v43 =	vadd.s32 v42, v22;
	v45 =	vsel vm1, $0x1, v0;
	vm1 =	vlt.s32 v6, $0x781  }
0x1ce: {  	v21 =	vand.u32 v44, v43;
	v46 =	vsel vm1, $0x1, v0;
	vm1 =	vlt.s32 v7, $0x781  }
0x1cf: {  	v20 =	vadd.s32 v21, v20;
	v47 =	vsel vm1, $0x1, v0;
	vm1 =	vlt.s32 v8, $0x781  }
0x1d0: {  	v22 =	vadd.s32 v45, v46;
	v48 =	vsel vm1, $0x1, v0;
	vm1 =	vlt.s32 v9, $0x781  }
0x1d1: {  	v21 =	vadd.s32 v47, v22;
	v49 =	vsel vm1, $0x1, v0;
	vm1 =	vlt.s32 v10, $0x781  }
0x1d2: {  	v21 =	vadd.s32 v48, v21;
	v50 =	vsel vm1, $0x1, v0;
	vm1 =	vlt.s32 v11, $0x781  }
0x1d3: {  	v21 =	vadd.s32 v49, v21;
	v51 =	vsel vm1, $0x1, v0;
	vm1 =	vlt.s32 v5, $0x801  }
0x1d4: {  	v21 =	vadd.s32 v50, v21;
	v52 =	vsel vm1, $0x1, v0;
	vm1 =	vlt.s32 v6, $0x801  }
0x1d5: {  	v21 =	vadd.s32 v51, v21;
	v53 =	vsel vm1, $0x1, v0;
	vm1 =	vlt.s32 v7, $0x801  }
0x1d6: {  	v22 =	vadd.s32 v52, v53;
	v54 =	vsel vm1, $0x1, v0;
	vm1 =	vlt.s32 v8, $0x801  }
0x1d7: {  	v22 =	vadd.s32 v54, v22;
	v55 =	vsel vm1, $0x1, v0;
	vm1 =	vlt.s32 v9, $0x801  }
0x1d8: {  	v22 =	vadd.s32 v55, v22;
	v56 =	vsel vm1, $0x1, v0;
	vm1 =	vlt.s32 v10, $0x801  }
0x1d9: {  	v22 =	vadd.s32 v56, v22;
	v57 =	vsel vm1, $0x1, v0;
	vm1 =	vlt.s32 v11, $0x801  }
0x1da: {  	v22 =	vadd.s32 v57, v22;
	v58 =	vsel vm1, $0x1, v0;
	vm1 =	vlt.s32 v5, $0x881  }
0x1db: {  	v22 =	vadd.s32 v58, v22;
	v59 =	vsel vm1, $0x1, v0;
	vm1 =	vlt.s32 v6, $0x881  }
0x1dc: {  	v13 =	vand.u32 v13, v22;
	v60 =	vsel vm1, $0x1, v0;
	vm1 =	vlt.s32 v7, $0x881  }
0x1dd: {  	v22 =	vadd.s32 v59, v60;
	v61 =	vsel vm1, $0x1, v0;
	vm1 =	vlt.s32 v8, $0x881  }
0x1de: {  	v22 =	vadd.s32 v61, v22;
	v62 =	vsel vm1, $0x1, v0;
	vm1 =	vlt.s32 v9, $0x881  }
0x1df: {  	v22 =	vadd.s32 v62, v22;
	v63 =	vsel vm1, $0x1, v0;
	vm1 =	vlt.s32 v10, $0x881  }
0x1e0: {  	v22 =	vadd.s32 v63, v22;
	v24 =	vsel vm1, $0x1, v0;
	vm1 =	vlt.s32 v11, $0x881  }
0x1e1: {  	v22 =	vadd.s32 v24, v22;
	v25 =	vsel vm1, $0x1, v0;
	vm1 =	vlt.s32 v5, $0x901  }
0x1e2: {  	v22 =	vadd.s32 v25, v22;
	v26 =	vsel vm1, $0x1, v0;
	vm1 =	vlt.s32 v6, $0x901  }
0x1e3: {  	v16 =	vand.u32 v16, v22;
	v27 =	vsel vm1, $0x1, v0;
	vm1 =	vlt.s32 v7, $0x901  }
0x1e4: {  	v22 =	vadd.s32 v26, v27;
	v28 =	vsel vm1, $0x1, v0;
	vm1 =	vlt.s32 v8, $0x901  }
0x1e5: {  	v22 =	vadd.s32 v28, v22;
	v29 =	vsel vm1, $0x1, v0;
	vm1 =	vlt.s32 v9, $0x901  }
0x1e6: {  	v22 =	vadd.s32 v29, v22;
	v30 =	vsel vm1, $0x1, v0;
	vm1 =	vlt.s32 v10, $0x901  }
0x1e7: {  	v22 =	vadd.s32 v30, v22;
	v31 =	vsel vm1, $0x1, v0;
	vm1 =	vlt.s32 v11, $0x901  }
0x1e8: {  	v21 =	vand.u32 v4, v21;
	v32 =	vadd.s32 v31, v22;
	v33 =	vsel vm1, $0x1, v0  }
0x1e9: {  	v13 =	vadd.s32 v16, v13;
	vm1 =	vlt.s32 v5, $0x981;
	v16 =	vadd.s32 v33, v32  }
0x1ea: {  	v34 =	vsel vm1, $0x1, v0;
	vm1 =	vlt.s32 v6, $0x981;
	v16 =	vand.u32 v17, v16  }
0x1eb: {  	v35 =	vsel vm1, $0x1, v0;
	vm1 =	vlt.s32 v7, $0x981;
	v13 =	vadd.s32 v16, v13  }
0x1ec: {  	v16 =	vadd.s32 v34, v35;
	v36 =	vsel vm1, $0x1, v0;
	vm1 =	vlt.s32 v8, $0x981  }
0x1ed: {  	v16 =	vadd.s32 v36, v16;
	v37 =	vsel vm1, $0x1, v0;
	vm1 =	vlt.s32 v9, $0x981  }
0x1ee: {  	v16 =	vadd.s32 v37, v16;
	v38 =	vsel vm1, $0x1, v0;
	vm1 =	vlt.s32 v10, $0x981  }
0x1ef: {  	v16 =	vadd.s32 v38, v16;
	v39 =	vsel vm1, $0x1, v0;
	vm1 =	vlt.s32 v11, $0x981  }
0x1f0: {  	v16 =	vadd.s32 v39, v16;
	v40 =	vsel vm1, $0x1, v0;
	vm1 =	vlt.s32 v5, $0xA01  }
0x1f1: {  	v16 =	vadd.s32 v40, v16;
	v41 =	vsel vm1, $0x1, v0;
	vm1 =	vlt.s32 v6, $0xA01  }
0x1f2: {  	v15 =	vand.u32 v15, v16;
	v42 =	vsel vm1, $0x1, v0;
	vm1 =	vlt.s32 v7, $0xA01  }
0x1f3: {  	v13 =	vadd.s32 v15, v13;
	v43 =	vsel vm1, $0x1, v0;
	vm1 =	vlt.s32 v8, $0xA01  }
0x1f4: {  	v16 =	vadd.s32 v41, v42;
	v44 =	vsel vm1, $0x1, v0;
	vm1 =	vlt.s32 v9, $0xA01  }
0x1f5: {  	v15 =	vadd.s32 v43, v16;
	v45 =	vsel vm1, $0x1, v0;
	vm1 =	vlt.s32 v10, $0xA01  }
0x1f6: {  	v15 =	vadd.s32 v44, v15;
	v46 =	vsel vm1, $0x1, v0;
	vm1 =	vlt.s32 v11, $0xA01  }
0x1f7: {  	v15 =	vadd.s32 v45, v15;
	v47 =	vsel vm1, $0x1, v0;
	vm1 =	vlt.s32 v5, $0xA81  }
0x1f8: {  	v15 =	vadd.s32 v46, v15;
	v48 =	vsel vm1, $0x1, v0;
	vm1 =	vlt.s32 v6, $0xA81  }
0x1f9: {  	v15 =	vadd.s32 v47, v15;
	v49 =	vsel vm1, $0x1, v0;
	vm1 =	vlt.s32 v7, $0xA81  }
0x1fa: {  	v15 =	vand.u32 v18, v15;
	v50 =	vsel vm1, $0x1, v0;
	vm1 =	vlt.s32 v8, $0xA81  }
0x1fb: {  	v13 =	vadd.s32 v15, v13;
	v51 =	vsel vm1, $0x1, v0;
	vm1 =	vlt.s32 v9, $0xA81  }
0x1fc: {  	v16 =	vadd.s32 v48, v49;
	v52 =	vsel vm1, $0x1, v0;
	vm1 =	vlt.s32 v10, $0xA81  }
0x1fd: {  	v16 =	vadd.s32 v50, v16;
	v53 =	vsel vm1, $0x1, v0;
	vm1 =	vlt.s32 v11, $0xA81  }
0x1fe: {  	v15 =	vadd.s32 v51, v16;
	v54 =	vsel vm1, $0x1, v0;
	vm1 =	vlt.s32 v5, $0xB01  }
0x1ff: {  	v15 =	vadd.s32 v52, v15;
	v55 =	vsel vm1, $0x1, v0;
	vm1 =	vlt.s32 v6, $0xB01  }
0x200: {  	v15 =	vadd.s32 v53, v15;
	v56 =	vsel vm1, $0x1, v0;
	vm1 =	vlt.s32 v7, $0xB01  }
0x201: {  	v15 =	vadd.s32 v54, v15;
	v57 =	vsel vm1, $0x1, v0;
	vm1 =	vlt.s32 v8, $0xB01  }
0x202: {  	v14 =	vand.u32 v14, v15;
	v58 =	vsel vm1, $0x1, v0;
	vm1 =	vlt.s32 v9, $0xB01  }
0x203: {  	v17 =	vadd.s32 v55, v56;
	v59 =	vsel vm1, $0x1, v0;
	vm1 =	vlt.s32 v10, $0xB01  }
0x204: {  	v16 =	vadd.s32 v57, v17;
	v60 =	vsel vm1, $0x1, v0;
	vm1 =	vlt.s32 v11, $0xB01  }
0x205: {  	v15 =	vadd.s32 v58, v16;
	v61 =	vsel vm1, $0x1, v0;
	vm1 =	vlt.s32 v5, $0xB81  }
0x206: {  	v5 =	vadd.s32 v59, v15;
	v62 =	vsel vm1, $0x1, v0;
	vm1 =	vlt.s32 v6, $0xB81  }
0x207: {  	v5 =	vadd.s32 v60, v5;
	v6 =	vsel vm1, $0x1, v0;
	vm1 =	vlt.s32 v7, $0xB81  }
0x208: {  	v6 =	vadd.s32 v62, v6;
	v7 =	vsel vm1, $0x1, v0;
	vm1 =	vlt.s32 v8, $0xB81  }
0x209: {  	v6 =	vadd.s32 v7, v6;
	v7 =	vsel vm1, $0x1, v0;
	vm1 =	vlt.s32 v9, $0xB81  }
0x20a: {  	v6 =	vadd.s32 v7, v6;
	v7 =	vsel vm1, $0x1, v0;
	vm1 =	vlt.s32 v10, $0xB81  }
0x20b: {  	v6 =	vadd.s32 v7, v6;
	v7 =	vsel vm1, $0x1, v0;
	vm1 =	vlt.s32 v11, $0xB81  }
0x20c: {  	v5 =	vadd.s32 v61, v5;
	v6 =	vadd.s32 v7, v6;
	v7 =	vsel vm1, $0x1, v0  }
0x20d: {  	v63 =	vadd.s32 v14, v13;
	v5 =	vand.u32 v12, v5;
	v6 =	vadd.s32 v7, v6  }
0x20e: {  	v5 =	vadd.s32 v5, v63;
	v7 =	vadd.s32 v21, v20;
	v6 =	vand.u32 v19, v6  }
0x20f: {  	[tilespmem:$0x12880] =	vst v7;
	v5 =	vadd.s32 v6, v5  }
.Ltmp8:
0x210: {  	s0 =	rddreg [dreg:$0x4];
	s1 =	simm.s32 $0x12880;
	[tilespmem:$0x12890] =	vst v5;
	(pc) =	sbr.rel .LBB2_6-.Ltmp8, $4  }
0x211: {  	[hbm4b:s0+s3] =	stream.linear.scatter [tilespmem:s1], [sflag:$0x3], $0x80, $0x38;
	[tilespmem:$0x12A00] =	vst v63  }
0x212: {  	_ =	swait.ge [sflag:s18], $0x80  }
0x213: {  	[sflag:s18] =	ssyncset.done $0x0  }
0x214: {  	[sflag:s18] =	ssyncadd.s32 $0xFFFFFF80  }
.LBB2_7:
0x215: {  	_ =	sfence.sel $0x180000  }
0x216: {  	[bflag:$0x0] =	sbarrier.arrive $0xFFFF  }
0x217: {  	_ =	strace $0x90000047  }
0x218: {  	s0 =	stileid.u32;
	[bflag:$0x2] =	sbarrier.arrive $0xFFFF  }
0x219: {  	p0 =	sne.s32 s0, $0x0;
	s0 =	rddreg [dreg:$0x3]  }
0x21a: {  	s0 =	sadd.s32 @!p0 $0x100000, s0  }
0x21b: {  	[sflag:s0] =	ssyncadd.tile.s32 @!p0 $0x1;
	_ =	shalt  }
.Lfunc_end2:
_tile_overlayer_lowered:
.L_overlay_start_2:
0x21c: {  	(tag) =	ssettag $0x2  }
0x21d: {  	s0 =	rddreg [dreg:$0x0];
	s2 =	stileid.u32  }
0x21e: {  	s1 =	rddreg [dreg:$0x1];
	p0 =	sne.s32 s2, $0x0  }
0x21f: {  	s3 =	rddreg [dreg:$0x2];
	[bflag:$0x3] =	sbarrier.arrive $0xFFFF;
	s2 =	simm.s32 @!p0 $0x1C03  }
0x220: {  	[timem:s3], [sflag:s2] =	dma.local @!p0 [hbm:s0], s1  }
0x221: {  	s0 =	simm.s32 @!p0 $0x3  }
0x222: {  	_ =	swait.ge @!p0 [sflag:s0], s1  }
0x223: {  	s1 =	ssub.s32 @!p0 $0x0, s1;
	[sflag:s0] =	ssyncset.done @!p0 $0x0  }
0x224: {  	[sflag:s0] =	ssyncadd.s32 @!p0 s1  }
0x225: {  	[bflag:$0x3] =	sbarrier.arrive $0xFFFF  }
0x226: {  	_ =	shalt  }

// kernel: kernel.9.cloned.1.call-start
scs
__scs_entry_jumppad:
0x0: {  	(pc) =	sbr.rel $0x88, $3  }
0x1: {  	(tag) =	ssettag $0x0;
	lr =	simm.s32 $0x1  }
0x2: {  	[smem:$0x3F98] =	sst lr;
	_ =	strace $0xD0000000  }
0x3: {  	_ = 	snop  }
0x4: {  	_ = 	snop  }
0x5: {  	_ = 	snop  }
0x6: {  	_ = 	snop  }
0x7: {  	_ = 	snop  }
__scs_overlays_trampoline_lowered:
0x8: {  	[smem:$0x3FA7] =	sst s0  }
0x9: {  	[smem:$0x3FA8] =	sst s1  }
0xa: {  	[smem:$0x3FA9] =	sst s2  }
0xb: {  	[smem:$0x3FAA] =	sst s3  }
0xc: {  	[smem:$0x3FAB] =	sst s4  }
0xd: {  	[smem:$0x3FAC] =	sst s5  }
0xe: {  	[smem:$0x3FAD] =	sst s6  }
0xf: {  	[smem:$0x3FAE] =	sst s7  }
0x10: {  	[smem:$0x3FAF] =	sst s8  }
0x11: {  	[smem:$0x3FB0] =	sst s9;
	s0 =	simm.s32 @!p0 $0x0  }
0x12: {  	s1 =	sld [smem:$0x3F96];
	s0 =	simm.s32 @p0 $0x1  }
0x13: {  	[smem:$0x3FB1] =	sst s0;
	s0 =	simm.s32 @!p1 $0x0  }
0x14: {  	s2 =	sld [smem:$0x3F95];
	s0 =	simm.s32 @p1 $0x1  }
0x15: {  	[smem:$0x3FB2] =	sst s0;
	s0 =	simm.s32 @!p2 $0x0  }
0x16: {  	s3 =	sld [smem:$0x3FDB];
	s0 =	simm.s32 @p2 $0x1  }
0x17: {  	s4 =	simm.s32 $0x1BF5;
	[smem:$0x3FB4] =	sst s0  }
0x18: {  	s0 =	sld [smem:$0x3F97];
	_ =	swait.ge [sflag:s4], $0x0  }
0x19: {  	s7 =	sld [smem:$0x3F98]  }
0x1a: {  	s8 =	sadd.s32 $0xFFFFE003, lr  }
0x1b: {  	s9 =	sadd.s32 $0xFFFFFEF7, lr;
	s5 =	simm.s32 $0xFFFFFFFF;
	p2 =	slt.u32 s8, $0xFFFFF086  }
0x1c: {  	p1 =	slt.u32 s9, $0xF7A;
	s5 =	simm.s32 @!p2 $0x0  }
0x1d: {  	s5 =	simm.s32 @p1 $0x1;
	p0 =	seq.s32 s7, s2  }
0x1e: {  	s7 =	smul.u32 @!p0 $0xF7A, s2;
	p2 =	seq.s32 @!p0 s5, $0x0  }
0x1f: {  	s9 =	smul.u32 $0xF7A, s1;
	s8 =	simm.s32 @!p0 $0x1BF5;
	p2 =	por !p2, p0  }
0x20: {  	[sflag:s8] =	ssyncset.s32 @!p0 $0xFFFFF086;
	s6 =	sadd.s32 @!p0 s3, s7;
	s7 =	simm.s32 @!p0 $0x108  }
0x21: {  	s3 =	sadd.s32 s3, s9;
	s6 =	sadd.s32 @!p0 $0x88, s6;
	s7 =	simm.s32 @p2 $0x1082  }
0x22: {  	[simem:s7], [sflag:s8] =	dma.local @!p0 [hbm:s6], $0xF7A  }
0x23: {  	s9 =	sor.u32 $0xD0000000, s2;
	s6 =	simm.s32 $0x108;
	_ =	swait.ge @!p0 [sflag:s8], $0x0  }
0x24: {  	s3 =	sadd.s32 $0x88, s3;
	s6 =	simm.s32 @!p1 $0x1082;
	[sflag:s4] =	ssyncset.s32 $0xFFFFF086  }
0x25: {  	[simem:s6], [sflag:s4] =	dma.local [hbm:s3], $0xF7A  }
0x26: {  	[smem:$0x3F98] =	sst s1;
	(tag) =	ssettag s2;
	_ =	strace s9  }
0x27: {  	s1 =	sld [smem:$0x3FA8]  }
0x28: {  	s2 =	sld [smem:$0x3FA9]  }
0x29: {  	s4 =	sld [smem:$0x3FAB]  }
0x2a: {  	p0 =	seq.s32 s5, $0x0;
	s5 =	sld [smem:$0x3FAC]  }
0x2b: {  	s6 =	sld [smem:$0x3FAD]  }
0x2c: {  	s7 =	sld [smem:$0x3FAE]  }
0x2d: {  	s3 =	simm.s32 $0x108;
	s8 =	sld [smem:$0x3FAF]  }
0x2e: {  	s3 =	simm.s32 @!p0 $0x1082;
	s9 =	sld [smem:$0x3FB0]  }
0x2f: {  	lr =	sadd.s32 s0, s3;
	s0 =	sld [smem:$0x3FA7]  }
0x30: {  	s3 =	sld [smem:$0x3FAA]  }
0x31: {  	[smem:$0x3FB3] =	sst s10  }
0x32: {  	s10 =	sld [smem:$0x3FB1];
	_ =	sdelay $0x3  }
0x33: {  	p0 =	seq.s32 s10, $0x1;
	s10 =	sld [smem:$0x3FB3];
	_ =	sdelay $0x3  }
0x34: {  	[smem:$0x3FB3] =	sst s10  }
0x35: {  	s10 =	sld [smem:$0x3FB2];
	_ =	sdelay $0x3  }
0x36: {  	p1 =	seq.s32 s10, $0x1;
	s10 =	sld [smem:$0x3FB3];
	_ =	sdelay $0x3  }
0x37: {  	[smem:$0x3FB3] =	sst s10  }
0x38: {  	s10 =	sld [smem:$0x3FB4]  }
0x39: {  	_ = 	snop;
	(pc) =	sbr.ind lr, $3  }
0x3a: {  	_ = 	snop  }
0x3b: {  	_ = 	snop  }
0x3c: {  	p2 =	seq.s32 s10, $0x1;
	s10 =	sld [smem:$0x3FB3]  }
0x3d: {  	_ =	shalt  }
0x3e: {  	_ =	shalt  }
0x3f: {  	_ =	shalt  }
0x40: {  	_ =	shalt  }
0x41: {  	_ =	shalt  }
0x42: {  	_ =	shalt  }
0x43: {  	_ =	shalt  }
0x44: {  	_ =	shalt  }
0x45: {  	_ =	shalt  }
0x46: {  	_ =	shalt  }
0x47: {  	_ =	shalt  }
0x48: {  	_ =	shalt  }
0x49: {  	_ =	shalt  }
0x4a: {  	_ =	shalt  }
0x4b: {  	_ =	shalt  }
0x4c: {  	_ =	shalt  }
0x4d: {  	_ =	shalt  }
0x4e: {  	_ =	shalt  }
0x4f: {  	_ =	shalt  }
0x50: {  	_ =	shalt  }
0x51: {  	_ =	shalt  }
0x52: {  	_ =	shalt  }
0x53: {  	_ =	shalt  }
0x54: {  	_ =	shalt  }
0x55: {  	_ =	shalt  }
0x56: {  	_ =	shalt  }
0x57: {  	_ =	shalt  }
0x58: {  	_ =	shalt  }
0x59: {  	_ =	shalt  }
0x5a: {  	_ =	shalt  }
0x5b: {  	_ =	shalt  }
0x5c: {  	_ =	shalt  }
0x5d: {  	_ =	shalt  }
0x5e: {  	_ =	shalt  }
0x5f: {  	_ =	shalt  }
0x60: {  	_ =	shalt  }
0x61: {  	_ =	shalt  }
0x62: {  	_ =	shalt  }
0x63: {  	_ =	shalt  }
0x64: {  	_ =	shalt  }
0x65: {  	_ =	shalt  }
0x66: {  	_ =	shalt  }
0x67: {  	_ =	shalt  }
0x68: {  	_ =	shalt  }
0x69: {  	_ =	shalt  }
0x6a: {  	_ =	shalt  }
0x6b: {  	_ =	shalt  }
0x6c: {  	_ =	shalt  }
0x6d: {  	_ =	shalt  }
0x6e: {  	_ =	shalt  }
0x6f: {  	_ =	shalt  }
0x70: {  	_ =	shalt  }
0x71: {  	_ =	shalt  }
0x72: {  	_ =	shalt  }
0x73: {  	_ =	shalt  }
0x74: {  	_ =	shalt  }
0x75: {  	_ =	shalt  }
0x76: {  	_ =	shalt  }
0x77: {  	_ =	shalt  }
0x78: {  	_ =	shalt  }
0x79: {  	_ =	shalt  }
0x7a: {  	_ =	shalt  }
0x7b: {  	_ =	shalt  }
0x7c: {  	_ =	shalt  }
0x7d: {  	_ =	shalt  }
0x7e: {  	_ =	shalt  }
0x7f: {  	_ =	shalt  }
0x80: {  	_ =	shalt  }
0x81: {  	_ =	shalt  }
0x82: {  	_ =	shalt  }
0x83: {  	_ =	shalt  }
0x84: {  	_ =	shalt  }
0x85: {  	_ =	shalt  }
0x86: {  	_ =	shalt  }
0x87: {  	_ =	shalt  }
.Lfunc_end0:
.L_simem_size_0:
called_computation.1_lowered:
.L_overlay_start_0:
0x88: {  	s2 =	sld [smem:$0x3FD9]  }
0x89: {  	s3 =	sld [smem:$0x3FFE];
	_ =	sdelay $0x1  }
0x8a: {  	s1 =	srdreg.scid  }
0x8b: {  	s0 =	sand.u32 $0x1, s1  }
0x8c: {  	s17 =	sshll.u32 s0, $0xA;
	s2 =	sadd.s32 s3, s2  }
0x8d: {  	s2 =	sadd.s32 s2, s17  }
0x8e: {  	[smem:$0x3FBF] =	sst s2  }
0x8f: {  	_ = 	snop  }
0x90: {  	s2 =	sld [smem:$0x3FD0];
	(tm) =	ssettm $0x1  }
0x91: {  	s18 =	sld [smem:$0x3FFB];
	_ =	sdelay $0x3  }
0x92: {  	_ =	strace s18  }
0x93: {  	s3 =	sld [smem:$0x3FFC];
	_ =	sdelay $0x3  }
0x94: {  	_ =	strace s3  }
0x95: {  	s3 =	sld [smem:$0x3FFD];
	_ =	sdelay $0x3  }
0x96: {  	_ =	strace s3  }
0x97: {  	_ =	strace $0x8FFFFFFF  }
0x98: {  	s19 =	sld [smem:$0x3FDB];
	_ =	sdelay $0x1  }
0x99: {  	s4 =	simm.s32 $_scs_section_size  }
0x9a: {  	s5 =	simm.s32 $_size__tile_overlayer_lowered;
	s6 =	simm.s32 $_tile_overlayer_lowered  }
0x9b: {  	s22 =	simm.s32 $0x1BFF;
	s21 =	sshll.u32 s6, $0x1;
	s3 =	sadd.s32 s4, s19  }
0x9c: {  	s7 =	simm.s32 $0x0;
	s20 =	sshll.u32 s5, $0x1;
	s5 =	sadd.s32 s21, s3  }
0x9d: {  	[timem:s7], [sflag:s22] =	dma.local [hbm:s5], s20  }
0x9e: {  	_ =	swait.ge [sflag:s22], s20  }
0x9f: {  	s4 =	ssub.s32 $0x0, s20;
	[sflag:s22] =	ssyncset.done $0x0  }
0xa0: {  	[sflag:s22] =	ssyncadd.s32 s4;
	_ =	sdelay $0x1  }
0xa1: {  	s23 =	simm.s32 $0x1B8B  }
0xa2: {  	_ =	swait.ge [sflag:s23], $0x1  }
0xa3: {  	[sflag:s23] =	ssyncset.done $0x0  }
0xa4: {  	s25 =	simm.s32 $0x1B8E;
	s24 =	sld [smem:$0x3FFE];
	[sflag:s23] =	ssyncadd.s32 $0xFFFFFFFF  }
0xa5: {  	s26 =	simm.s32 $execute0_lowered;
	[smem:$0x3FD2] =	sst s25  }
0xa6: {  	s5 =	sshll.u32 s26, $0x1;
	_ =	strace $0x80000049;
	[dreg:$0x1] =	wrdreg $0xFFFFFFFF  }
0xa7: {  	s28 =	simm.s32 $_size_execute0_lowered;
	s3 =	sadd.s32 s3, s5;
	[dreg:$0x0] =	wrdreg $0x0  }
0xa8: {  	s5 =	sshll.u32 s28, $0x1;
	[dreg:$0x2] =	wrdreg s3  }
0xa9: {  	[dreg:$0x3] =	wrdreg s5  }
0xaa: {  	[dreg:$0x4] =	wrdreg $0xC0  }
0xab: {  	_ =	task [dreg:s7], $0x5FFFF  }
0xac: {  	[dreg:$0x1] =	wrdreg $0xFFFFFFFF  }
0xad: {  	[dreg:$0x0] =	wrdreg $0x60  }
0xae: {  	[dreg:$0x2] =	wrdreg s24  }
0xaf: {  	[dreg:$0x3] =	wrdreg s2  }
0xb0: {  	[dreg:$0x4] =	wrdreg $0x9  }
0xb1: {  	_ =	task.clear_ibuf [dreg:s7], $0x5FFFF;
	_ =	strace $0x90000049  }
0xb2: {  	s29 =	simm.s32 $0x9;
	_ =	strace $0x8000004B  }
0xb3: {  	_ =	swait.ge [sflag:s29], $0x1  }
0xb4: {  	[sflag:s29] =	ssyncadd.s32 $0xFFFFFFFF  }
0xb5: {  	_ =	strace $0x9000004B  }
0xb6: {  	_ =	sfence  }
0xb7: {  	s30 =	sld [smem:$0x0];
	_ =	sdelay $0x2  }
0xb8: {  	s31 =	sshll.u32 s1, $0xD;
	s1 =	sshrl.u32 s1, $0x2  }
0xb9: {  	s3 =	sand.u32 $0x4000, s31;
	s1 =	sadd.s32 s1, s30  }
0xba: {  	s0 =	sor.u32 s3, s0;
	s1 =	sshll.u32 s1, $0x11  }
0xbb: {  	s0 =	sor.u32 s1, s0  }
0xbc: {  	s0 =	sadd.s32 $0x8F2B, s0  }
0xbd: {  	[sflag:s0] =	ssyncadd.remote.s32 $0x1  }
0xbe: {  	_ =	sfence.sel $0xFFFF  }
0xbf: {  	[dreg:$0x0] =	wrdreg $0xFFFFFFFF;
	(pc) =	sbr.abs _section_cstart, $3  }
0xc0: {  	[dreg:$0x1] =	wrdreg $0xFFFFFFFF  }
0xc1: {  	_ =	task.clear_ibuf [dreg:s7], $0x2FFFF;
	_ =	strace $0x9FFFFFFF  }
0xc2: {  	(tm) =	ssettm $0x7FFFFFFF  }
0xc3: {  	_ =	shalt  }
tec
execute0_lowered:
.L_overlay_start_1:
0x0: {  	(tag) =	ssettag $0x1  }
0x1: {  	s1 =	srdreg.scid  }
0x2: {  	s0 =	stileid.u32;
	s6 =	rddreg [dreg:$0x0]  }
0x3: {  	s4 =	rddreg [dreg:$0x1];
	s18 =	simm.s32 $0x880;
	s19 =	simm.s32 $0x1080  }
0x4: {  	s20 =	simm.s32 $0x1880;
	s22 =	simm.s32 $0x2080;
	s23 =	simm.s32 $0x2880  }
0x5: {  	s7 =	simm.s32 $0x3080;
	s24 =	simm.s32 $0x3880;
	s8 =	simm.s32 $0x4080  }
0x6: {  	s25 =	simm.s32 $0x4880;
	s26 =	simm.s32 $0x5080;
	s1 =	sand.u32 $0x1, s1  }
0x7: {  	s9 =	simm.s32 $0x80;
	s2 =	sshll.u32 s0, $0x7;
	s3 =	sshll.u32 s1, $0x6  }
0x8: {  	s11 =	simm.s32 $0x6080;
	s3 =	sor.u32 s3, s2;
	s2 =	simm.s32 $0x0  }
0x9: {  	s12 =	simm.s32 $0x6880;
	s13 =	simm.s32 $0x7080;
	[smem:$0x7FF] =	sst s2  }
0xa: {  	s14 =	simm.s32 $0x7880;
	_ =	strace $0x8000004A;
	[dreg:$0x5] =	wrdreg s18  }
0xb: {  	s15 =	simm.s32 $0x8080;
	s16 =	simm.s32 $0x8880;
	[dreg:$0x6] =	wrdreg s19  }
0xc: {  	s17 =	simm.s32 $0x9080;
	s28 =	simm.s32 $0xE080;
	[dreg:$0x7] =	wrdreg s20  }
0xd: {  	s29 =	simm.s32 $0xE880;
	s30 =	simm.s32 $0xF080;
	[dreg:$0x8] =	wrdreg s22  }
0xe: {  	s31 =	simm.s32 $0xF880;
	s1 =	ssub.s32 $0x2, s1;
	[dreg:$0x9] =	wrdreg s23  }
0xf: {  	s21 =	sshrl.u32 s1, $0x1;
	s5 =	sshrl.u32 s3, $0x3;
	[dreg:$0xa] =	wrdreg s7  }
0x10: {  	s3 =	sshll.u32 s3, $0x7;
	s1 =	ssub.s32 s1, s21;
	[dreg:$0xb] =	wrdreg s24  }
0x11: {  	s21 =	simm.s32 $0xB080;
	s5 =	sadd.s32 s5, s6;
	[dreg:$0xc] =	wrdreg s8  }
0x12: {  	s3 =	sadd.s32 s4, s3;
	s4 =	sadd.s32 $0x1F00, s6;
	[dreg:$0xd] =	wrdreg s25  }
0x13: {  	s7 =	smax.u32 s1, $0x1;
	s8 =	simm.s32 $0x2;
	[dreg:$0xe] =	wrdreg s26  }
0x14: {  	s18 =	simm.s32 $0x9880;
	s19 =	simm.s32 $0xA080;
	s20 =	simm.s32 $0xA880  }
0x15: {  	s22 =	simm.s32 $0xB880;
	s23 =	simm.s32 $0xC080;
	s24 =	simm.s32 $0xC880  }
0x16: {  	v2 =	vlaneseq.u32;
	s25 =	simm.s32 $0xD080;
	s26 =	simm.s32 $0xD880;
	s1 =	simm.s32 $0x1  }
0x17: {  	vm0 =	vmmov $0xffff;
	v1 =	vshrl.u32 v2, $0x3;
	s5 =	sadd.s32 $0x6A200, s5;
	[dreg:$0x4] =	wrdreg s3;
	s3 =	sadd.s32 $0x1E00, s6  }
0x18: {  	v0 =	vand.u32 $0x7, v2;
	v2 =	vor.u32 $0x8, v2;
	v1 =	vmul.u32 $0x8, v1;
	[dreg:$0x3] =	wrdreg s5;
	s5 =	sadd.s32 $0x2000, s6;
	s6 =	sadd.s32 $0x2100, s6  }
.LBB2_1:
0x19: {  	s0 =	rddreg [dreg:$0x3]  }
0x1a: {  	[tilespmem:s2], [sflag:$0x2] =	stream.linear.gather [hbm4b:s0+s2], $0x40, $0x38;
	[tilespmem:$0x10080] =	vst v63  }
0x1b: {  	_ =	swait.ge [sflag:s8], $0x40  }
0x1c: {  	[sflag:s8] =	ssyncset.done $0x0  }
0x1d: {  	[sflag:s8] =	ssyncadd.s32 $0xFFFFFFC0  }
0x1e: {  	v3 =	vld [tilespmem:$0x0];
	_ =	sdelay $0x4  }
0x1f: {  	v4 =	vshll.u32 v3, $0x3  }
0x20: {  	v3 =	vand.u32 $0x7, v3;
	v4 =	vand.u32 $0xFFFFFFC0, v4  }
0x21: {  	v3 =	vor.u32 v3, v4  }
0x22: {  	v4 =	vperm.xlane v3, v0;
	_ =	sdelay $0x1  }
0x23: {  	v4 =	vadd.s32 v1, v4;
	_ =	sdelay $0x4  }
0x24: {  	[tilespmem:s9], [sflag:$0x1] =	stream.indirect_vreg.gather [hbm4b:s3+s2], $0x80, v4, vm0, $0xb8;
	[tilespmem:$0x10080] =	vst v63  }
0x25: {  	s0 =	rddreg [dreg:$0x5];
	v3 =	vperm.xlane v3, v2  }
0x26: {  	[tilespmem:s0], [sflag:$0x1] =	stream.indirect_vreg.gather [hbm4b:s4+s2], $0x80, v4, vm0, $0xb8;
	[tilespmem:$0x10080] =	vst v63  }
0x27: {  	s10 =	rddreg [dreg:$0x6];
	v3 =	vadd.s32 v1, v3  }
0x28: {  	[tilespmem:s10], [sflag:$0x1] =	stream.indirect_vreg.gather [hbm4b:s5+s2], $0x80, v4, vm0, $0xb8;
	[tilespmem:$0x10080] =	vst v63  }
0x29: {  	s0 =	rddreg [dreg:$0x7]  }
0x2a: {  	[tilespmem:s0], [sflag:$0x1] =	stream.indirect_vreg.gather [hbm4b:s6+s2], $0x80, v4, vm0, $0xb8;
	[tilespmem:$0x10080] =	vst v63  }
0x2b: {  	s10 =	rddreg [dreg:$0x8]  }
0x2c: {  	[tilespmem:s10], [sflag:$0x1] =	stream.indirect_vreg.gather [hbm4b:s3+s2], $0x80, v3, vm0, $0xb8;
	[tilespmem:$0x10080] =	vst v63  }
0x2d: {  	s0 =	rddreg [dreg:$0x9]  }
0x2e: {  	[tilespmem:s0], [sflag:$0x1] =	stream.indirect_vreg.gather [hbm4b:s4+s2], $0x80, v3, vm0, $0xb8;
	[tilespmem:$0x10080] =	vst v63  }
0x2f: {  	s10 =	rddreg [dreg:$0xa]  }
0x30: {  	[tilespmem:s10], [sflag:$0x1] =	stream.indirect_vreg.gather [hbm4b:s5+s2], $0x80, v3, vm0, $0xb8;
	[tilespmem:$0x10080] =	vst v63  }
0x31: {  	s0 =	rddreg [dreg:$0xb]  }
0x32: {  	[tilespmem:s0], [sflag:$0x1] =	stream.indirect_vreg.gather [hbm4b:s6+s2], $0x80, v3, vm0, $0xb8;
	[tilespmem:$0x10080] =	vst v63  }
0x33: {  	v3 =	vld [tilespmem:$0x10];
	_ =	sdelay $0x4  }
0x34: {  	v61 =	vshll.u32 v3, $0x3  }
0x35: {  	v3 =	vand.u32 $0x7, v3;
	v4 =	vand.u32 $0xFFFFFFC0, v61  }
0x36: {  	v3 =	vor.u32 v3, v4  }
0x37: {  	v4 =	vperm.xlane v3, v0;
	_ =	sdelay $0x1  }
0x38: {  	v4 =	vadd.s32 v1, v4;
	_ =	sdelay $0x3  }
0x39: {  	s0 =	rddreg [dreg:$0xc]  }
0x3a: {  	[tilespmem:s0], [sflag:$0x1] =	stream.indirect_vreg.gather [hbm4b:s3+s2], $0x80, v4, vm0, $0xb8;
	[tilespmem:$0x10080] =	vst v63  }
0x3b: {  	s10 =	rddreg [dreg:$0xd];
	v3 =	vperm.xlane v3, v2  }
0x3c: {  	[tilespmem:s10], [sflag:$0x1] =	stream.indirect_vreg.gather [hbm4b:s4+s2], $0x80, v4, vm0, $0xb8;
	[tilespmem:$0x10080] =	vst v63  }
0x3d: {  	v3 =	vadd.s32 v1, v3;
	s0 =	rddreg [dreg:$0xe]  }
0x3e: {  	[tilespmem:s0], [sflag:$0x1] =	stream.indirect_vreg.gather [hbm4b:s5+s2], $0x80, v4, vm0, $0xb8;
	[tilespmem:$0x10080] =	vst v63  }
0x3f: {  	s10 =	simm.s32 $0x5880  }
0x40: {  	[tilespmem:s10], [sflag:$0x1] =	stream.indirect_vreg.gather [hbm4b:s6+s2], $0x80, v4, vm0, $0xb8;
	[tilespmem:$0x10080] =	vst v63  }
0x41: {  	_ = 	snop  }
0x42: {  	[tilespmem:s11], [sflag:$0x1] =	stream.indirect_vreg.gather [hbm4b:s3+s2], $0x80, v3, vm0, $0xb8;
	[tilespmem:$0x10080] =	vst v63  }
0x43: {  	_ = 	snop  }
0x44: {  	[tilespmem:s12], [sflag:$0x1] =	stream.indirect_vreg.gather [hbm4b:s4+s2], $0x80, v3, vm0, $0xb8;
	[tilespmem:$0x10080] =	vst v63  }
0x45: {  	_ = 	snop  }
0x46: {  	[tilespmem:s13], [sflag:$0x1] =	stream.indirect_vreg.gather [hbm4b:s5+s2], $0x80, v3, vm0, $0xb8;
	[tilespmem:$0x10080] =	vst v63  }
0x47: {  	_ = 	snop  }
0x48: {  	[tilespmem:s14], [sflag:$0x1] =	stream.indirect_vreg.gather [hbm4b:s6+s2], $0x80, v3, vm0, $0xb8;
	[tilespmem:$0x10080] =	vst v63  }
0x49: {  	v3 =	vld [tilespmem:$0x20];
	_ =	sdelay $0x4  }
0x4a: {  	v62 =	vshll.u32 v3, $0x3  }
0x4b: {  	v3 =	vand.u32 $0x7, v3;
	v4 =	vand.u32 $0xFFFFFFC0, v62  }
0x4c: {  	v3 =	vor.u32 v3, v4  }
0x4d: {  	v4 =	vperm.xlane v3, v0;
	_ =	sdelay $0x1  }
0x4e: {  	v4 =	vadd.s32 v1, v4;
	_ =	sdelay $0x4  }
0x4f: {  	[tilespmem:s15], [sflag:$0x1] =	stream.indirect_vreg.gather [hbm4b:s3+s2], $0x80, v4, vm0, $0xb8;
	[tilespmem:$0x10080] =	vst v63  }
0x50: {  	v3 =	vperm.xlane v3, v2  }
0x51: {  	[tilespmem:s16], [sflag:$0x1] =	stream.indirect_vreg.gather [hbm4b:s4+s2], $0x80, v4, vm0, $0xb8;
	[tilespmem:$0x10080] =	vst v63  }
0x52: {  	v3 =	vadd.s32 v1, v3  }
0x53: {  	[tilespmem:s17], [sflag:$0x1] =	stream.indirect_vreg.gather [hbm4b:s5+s2], $0x80, v4, vm0, $0xb8;
	[tilespmem:$0x10080] =	vst v63  }
0x54: {  	_ = 	snop  }
0x55: {  	[tilespmem:s18], [sflag:$0x1] =	stream.indirect_vreg.gather [hbm4b:s6+s2], $0x80, v4, vm0, $0xb8;
	[tilespmem:$0x10080] =	vst v63  }
0x56: {  	_ = 	snop  }
0x57: {  	[tilespmem:s19], [sflag:$0x1] =	stream.indirect_vreg.gather [hbm4b:s3+s2], $0x80, v3, vm0, $0xb8;
	[tilespmem:$0x10080] =	vst v63  }
0x58: {  	_ = 	snop  }
0x59: {  	[tilespmem:s20], [sflag:$0x1] =	stream.indirect_vreg.gather [hbm4b:s4+s2], $0x80, v3, vm0, $0xb8;
	[tilespmem:$0x10080] =	vst v63  }
0x5a: {  	_ = 	snop  }
0x5b: {  	[tilespmem:s21], [sflag:$0x1] =	stream.indirect_vreg.gather [hbm4b:s5+s2], $0x80, v3, vm0, $0xb8;
	[tilespmem:$0x10080] =	vst v63  }
0x5c: {  	_ = 	snop  }
0x5d: {  	[tilespmem:s22], [sflag:$0x1] =	stream.indirect_vreg.gather [hbm4b:s6+s2], $0x80, v3, vm0, $0xb8;
	[tilespmem:$0x10080] =	vst v63  }
0x5e: {  	v3 =	vld [tilespmem:$0x30];
	_ =	sdelay $0x4  }
0x5f: {  	v63 =	vshll.u32 v3, $0x3  }
0x60: {  	v3 =	vand.u32 $0x7, v3;
	v4 =	vand.u32 $0xFFFFFFC0, v63  }
0x61: {  	v3 =	vor.u32 v3, v4  }
0x62: {  	v4 =	vperm.xlane v3, v0;
	_ =	sdelay $0x1  }
0x63: {  	v4 =	vadd.s32 v1, v4;
	_ =	sdelay $0x4  }
0x64: {  	[tilespmem:s23], [sflag:$0x1] =	stream.indirect_vreg.gather [hbm4b:s3+s2], $0x80, v4, vm0, $0xb8;
	[tilespmem:$0x10080] =	vst v63  }
0x65: {  	v3 =	vperm.xlane v3, v2  }
0x66: {  	[tilespmem:s24], [sflag:$0x1] =	stream.indirect_vreg.gather [hbm4b:s4+s2], $0x80, v4, vm0, $0xb8;
	[tilespmem:$0x10080] =	vst v63  }
0x67: {  	v3 =	vadd.s32 v1, v3  }
0x68: {  	[tilespmem:s25], [sflag:$0x1] =	stream.indirect_vreg.gather [hbm4b:s5+s2], $0x80, v4, vm0, $0xb8;
	[tilespmem:$0x10080] =	vst v63  }
0x69: {  	_ = 	snop  }
0x6a: {  	[tilespmem:s26], [sflag:$0x1] =	stream.indirect_vreg.gather [hbm4b:s6+s2], $0x80, v4, vm0, $0xb8;
	[tilespmem:$0x10080] =	vst v63  }
0x6b: {  	_ = 	snop  }
0x6c: {  	[tilespmem:s28], [sflag:$0x1] =	stream.indirect_vreg.gather [hbm4b:s3+s2], $0x80, v3, vm0, $0xb8;
	[tilespmem:$0x10080] =	vst v63  }
0x6d: {  	_ = 	snop  }
0x6e: {  	[tilespmem:s29], [sflag:$0x1] =	stream.indirect_vreg.gather [hbm4b:s4+s2], $0x80, v3, vm0, $0xb8;
	[tilespmem:$0x10080] =	vst v63  }
0x6f: {  	_ = 	snop  }
0x70: {  	[tilespmem:s30], [sflag:$0x1] =	stream.indirect_vreg.gather [hbm4b:s5+s2], $0x80, v3, vm0, $0xb8;
	[tilespmem:$0x10080] =	vst v63  }
0x71: {  	_ = 	snop  }
0x72: {  	[tilespmem:s31], [sflag:$0x1] =	stream.indirect_vreg.gather [hbm4b:s6+s2], $0x80, v3, vm0, $0xb8;
	[tilespmem:$0x10080] =	vst v63  }
0x73: {  	_ =	swait.ge [sflag:s1], $0x10000  }
0x74: {  	p0 =	sne.s32 s7, $0x1;
	[sflag:s1] =	ssyncset.done $0x0  }
.Ltmp0:
0x75: {  	s10 =	rddreg [dreg:$0x4];
	[sflag:s1] =	ssyncadd.s32 $0xFFFF0000;
	(pc) =	sbr.rel @p0 .LBB2_1-.Ltmp0, $4  }
0x76: {  	[hbm4b:s10+s2] =	stream.linear.scatter [tilespmem:s9], [sflag:$0x2], $0x10000, $0x38;
	[tilespmem:$0x10080] =	vst v63  }
0x77: {  	_ =	swait.ge [sflag:s8], $0x10000  }
0x78: {  	[sflag:s8] =	ssyncset.done $0x0  }
0x79: {  	s7 =	sadd.s32 $0xFFFFFFFF, s7;
	[sflag:s8] =	ssyncadd.s32 $0xFFFF0000  }
0x7a: {  	_ =	sfence.sel $0x180000  }
0x7b: {  	[bflag:$0x0] =	sbarrier.arrive $0xFFFF  }
0x7c: {  	_ =	strace $0x9000004A  }
0x7d: {  	s0 =	stileid.u32;
	[bflag:$0x2] =	sbarrier.arrive $0xFFFF  }
0x7e: {  	p0 =	sne.s32 s0, $0x0;
	s0 =	rddreg [dreg:$0x2]  }
0x7f: {  	s0 =	sadd.s32 @!p0 $0x100000, s0  }
0x80: {  	[sflag:s0] =	ssyncadd.tile.s32 @!p0 $0x1;
	_ =	shalt  }
.Lfunc_end2:
_tile_overlayer_lowered:
.L_overlay_start_2:
0x81: {  	(tag) =	ssettag $0x2  }
0x82: {  	s0 =	rddreg [dreg:$0x0];
	s2 =	stileid.u32  }
0x83: {  	s1 =	rddreg [dreg:$0x1];
	p0 =	sne.s32 s2, $0x0  }
0x84: {  	s3 =	rddreg [dreg:$0x2];
	[bflag:$0x3] =	sbarrier.arrive $0xFFFF;
	s2 =	simm.s32 @!p0 $0x1C02  }
0x85: {  	[timem:s3], [sflag:s2] =	dma.local @!p0 [hbm:s0], s1  }
0x86: {  	s0 =	simm.s32 @!p0 $0x2  }
0x87: {  	_ =	swait.ge @!p0 [sflag:s0], s1  }
0x88: {  	s1 =	ssub.s32 @!p0 $0x0, s1;
	[sflag:s0] =	ssyncset.done @!p0 $0x0  }
0x89: {  	[sflag:s0] =	ssyncadd.s32 @!p0 s1  }
0x8a: {  	[bflag:$0x3] =	sbarrier.arrive $0xFFFF  }
0x8b: {  	_ =	shalt  }

</sc_bundles>
